<compile_context>
chip_gen: v7x
topology: tpu7x:2x2x1
jax: 0.10.2.dev20260603
libtpu: 0.0.44.dev20260713+nightly
codegen_flags: <defaults>
</compile_context>

<pallas_src>
import jax
import jax.numpy as jnp
from jax import lax
from jax.experimental import pallas as pl
from jax.experimental.pallas import tpu as pltpu
from jax.experimental.pallas import tpu_sc as plsc

B = 16384
D = 64
UFD = 23
IFD = 19
FPAD = 24
PKW = 256
NW = 32
BPW = B // NW
NCH = BPW // 128


def _gather_body(ui_hbm, ii_hbm, ue_hbm, ie_hbm, ub_hbm, ib_hbm,
                 uft_hbm, ift_hbm,
                 pk_out, ub_out, ib_out,
                 ui_v, ii_v, fu_v, fi_v,
                 ue_v, ie_v, uf_v, if_v, ubs_v, ibs_v, sem):
    nc = 2
    wid = lax.axis_index("s") * nc + lax.axis_index("c")
    base = wid * BPW
    for r in range(NCH):
        pltpu.sync_copy(ui_hbm.at[pl.ds(base + r * 128, 128)], ui_v.at[r])
        pltpu.sync_copy(ii_hbm.at[pl.ds(base + r * 128, 128)], ii_v.at[r])

    nu = uft_hbm.shape[0]
    ni = ift_hbm.shape[0]

    for r in range(NCH):
        for c in range(8):
            u = ui_v[r, pl.ds(c * 16, 16)]
            i = ii_v[r, pl.ds(c * 16, 16)]
            fu_v[r, pl.ds(c * 16, 16)] = jnp.where(u == 0, nu - 1, u - 1)
            fi_v[r, pl.ds(c * 16, 16)] = jnp.where(i == 0, ni - 1, i - 1)

    cps = []
    for r in range(NCH):
        sl = pl.ds(r * 128, 128)
        cps += [
            pltpu.async_copy(ue_hbm.at[ui_v.at[r]], ue_v.at[sl], sem),
            pltpu.async_copy(ie_hbm.at[ii_v.at[r]], ie_v.at[sl], sem),
            pltpu.async_copy(uft_hbm.at[fu_v.at[r]], uf_v.at[sl], sem),
            pltpu.async_copy(ift_hbm.at[fi_v.at[r]], if_v.at[sl], sem),
            pltpu.async_copy(ub_hbm.at[ui_v.at[r]], ubs_v.at[sl], sem),
            pltpu.async_copy(ib_hbm.at[ii_v.at[r]], ibs_v.at[sl], sem),
        ]
    for cp in cps:
        cp.wait()

    rows = pl.ds(base, BPW)
    pltpu.sync_copy(ue_v, pk_out.at[rows, pl.ds(0, D)])
    pltpu.sync_copy(ie_v, pk_out.at[rows, pl.ds(D, D)])
    pltpu.sync_copy(uf_v, pk_out.at[rows, pl.ds(2 * D, FPAD)])
    pltpu.sync_copy(if_v, pk_out.at[rows, pl.ds(2 * D + FPAD, FPAD)])
    pltpu.sync_copy(ubs_v, ub_out.at[rows])
    pltpu.sync_copy(ibs_v, ib_out.at[rows])


def _sc_gather(ui, ii, ue, ie, ub1, ib1, uft24, ift24):
    mesh = plsc.VectorSubcoreMesh(core_axis_name="c", subcore_axis_name="s")
    f32 = jnp.float32
    i32 = jnp.int32
    out_type = (
        jax.ShapeDtypeStruct((B, PKW), f32),
        jax.ShapeDtypeStruct((B,), f32),
        jax.ShapeDtypeStruct((B,), f32),
    )
    scratch = [
        pltpu.VMEM((NCH, 128), i32),
        pltpu.VMEM((NCH, 128), i32),
        pltpu.VMEM((NCH, 128), i32),
        pltpu.VMEM((NCH, 128), i32),
        pltpu.VMEM((BPW, D), f32),
        pltpu.VMEM((BPW, D), f32),
        pltpu.VMEM((BPW, FPAD), f32),
        pltpu.VMEM((BPW, FPAD), f32),
        pltpu.VMEM((BPW,), f32),
        pltpu.VMEM((BPW,), f32),
        pltpu.SemaphoreType.DMA,
    ]
    fn = pl.kernel(_gather_body, out_type=out_type, mesh=mesh,
                   scratch_types=scratch,
                   compiler_params=pltpu.CompilerParams(
                       use_tc_tiling_on_sc=False))
    return fn(ui, ii, ue, ie, ub1, ib1, uft24, ift24)


def _dense_body(pk_ref, ub_ref, ib_ref, wu_ref, wi_ref, out_ref):
    bs = ub_ref.shape[0]
    pk = pk_ref[...].reshape(bs, PKW)
    ue = pk[:, 0:D]
    ie = pk[:, D:2 * D]
    uf = pk[:, 2 * D:2 * D + FPAD]
    if_ = pk[:, 2 * D + FPAD:2 * D + 2 * FPAD]
    pu = lax.dot_general(uf, wu_ref[...], (((1,), (1,)), ((), ())),
                         preferred_element_type=jnp.float32)
    pi = lax.dot_general(if_, wi_ref[...], (((1,), (1,)), ((), ())),
                         preferred_element_type=jnp.float32)
    u = ue + jnp.maximum(pu, 0.0)
    i = ie + jnp.maximum(pi, 0.0)
    s = jnp.sum(u * i, axis=1) + ub_ref[...] + ib_ref[...]
    out_ref[...] = jax.nn.sigmoid(s) * 4.0 + 1.0


def _tc_dense(pk1, ub, ib, wu24, wi24):
    bs = 2048
    grid = (B // bs,)
    return pl.pallas_call(
        _dense_body,
        grid=grid,
        in_specs=[
            pl.BlockSpec((bs * PKW,), lambda i: (i,)),
            pl.BlockSpec((bs,), lambda i: (i,)),
            pl.BlockSpec((bs,), lambda i: (i,)),
            pl.BlockSpec((D, FPAD), lambda i: (0, 0)),
            pl.BlockSpec((D, FPAD), lambda i: (0, 0)),
        ],
        out_specs=pl.BlockSpec((bs,), lambda i: (i,)),
        out_shape=jax.ShapeDtypeStruct((B,), jnp.float32),
    )(pk1, ub, ib, wu24, wi24)


def kernel(user_indices, item_indices, user_emb, item_emb, user_bias,
           item_bias, user_feature, item_feature, W_user_feat, W_item_feat):
    uft24 = jnp.pad(user_feature, ((0, 0), (0, FPAD - UFD)))
    ift24 = jnp.pad(item_feature, ((0, 0), (0, FPAD - IFD)))
    wu24 = jnp.pad(W_user_feat, ((0, 0), (0, FPAD - UFD)))
    wi24 = jnp.pad(W_item_feat, ((0, 0), (0, FPAD - IFD)))
    ub1 = user_bias.reshape(-1)
    ib1 = item_bias.reshape(-1)
    pk, ub, ib = _sc_gather(user_indices, item_indices, user_emb, item_emb,
                            ub1, ib1, uft24, ift24)
    return _tc_dense(pk.reshape(-1), ub, ib, wu24, wi24)

# --- scband reference (transcript-rebuilt; emitter-appended) ---
"""Pipeline reference for scband-rec-model-63771674411143 (READ-ONLY COPY).

The authoritative reference and input builder live on the scoring server;
editing this copy changes nothing except your own understanding.
"""

import jax, jax.numpy as jnp
import numpy as np

B = 16384
NUM_USERS = 100000
NUM_ITEMS = 100000
D = 64
USER_FEAT_DIM = 23  # age, gender, 21 one-hot occupations
ITEM_FEAT_DIM = 19  # genre flags


def setup_inputs(seed: int = 0) -> dict:
    key = jax.random.key(seed)
    ks = jax.random.split(key, 12)
    user_indices = jax.random.randint(ks[0], (B,), 0, NUM_USERS)
    item_indices = jax.random.randint(ks[1], (B,), 0, NUM_ITEMS)
    # embedding tables have num_* + 1 rows (model adds 1 in __init__)
    user_emb = jax.random.uniform(ks[2], (NUM_USERS + 1, D), dtype=jnp.float32, minval=0.0, maxval=0.05)
    item_emb = jax.random.uniform(ks[3], (NUM_ITEMS + 1, D), dtype=jnp.float32, minval=0.0, maxval=0.05)
    user_bias = jax.random.uniform(ks[4], (NUM_USERS + 1, 1), dtype=jnp.float32, minval=-0.01, maxval=0.01)
    item_bias = jax.random.uniform(ks[5], (NUM_ITEMS + 1, 1), dtype=jnp.float32, minval=-0.01, maxval=0.01)
    # side-feature tables (buffers loaded from files in original code)
    user_feature = jax.random.uniform(ks[6], (NUM_USERS, USER_FEAT_DIM), dtype=jnp.float32)
    item_feature = jax.random.uniform(ks[7], (NUM_ITEMS, ITEM_FEAT_DIM), dtype=jnp.float32)
    # linear weights (bias=False), stored torch-style as [out, in]
    W_user_feat = jax.random.normal(ks[8], (D, USER_FEAT_DIM), dtype=jnp.float32) * 0.05
    W_item_feat = jax.random.normal(ks[9], (D, ITEM_FEAT_DIM), dtype=jnp.float32) * 0.05
    return {
        "user_indices": user_indices,
        "item_indices": item_indices,
        "user_emb": user_emb,
        "item_emb": item_emb,
        "user_bias": user_bias,
        "item_bias": item_bias,
        "user_feature": user_feature,
        "item_feature": item_feature,
        "W_user_feat": W_user_feat,
        "W_item_feat": W_item_feat,
    }


def reference(user_indices, item_indices, user_emb, item_emb, user_bias, item_bias,
              user_feature, item_feature, W_user_feat, W_item_feat):
    # user/item embedding lookup + feature projection (ReLU)
    u_feat = jnp.take(user_feature, (user_indices - 1) % user_feature.shape[0], axis=0)
    i_feat = jnp.take(item_feature, (item_indices - 1) % item_feature.shape[0], axis=0)
    user_embedding = jnp.take(user_emb, user_indices, axis=0) + jax.nn.relu(u_feat @ W_user_feat.T)
    item_embedding = jnp.take(item_emb, item_indices, axis=0) + jax.nn.relu(i_feat @ W_item_feat.T)
    predictions = (user_embedding * item_embedding).sum(axis=1)
    predictions = predictions + jnp.take(user_bias, user_indices, axis=0).squeeze(-1) \
                  + jnp.take(item_bias, item_indices, axis=0).squeeze(-1)
    predictions = jax.nn.sigmoid(predictions) * 4 + 1
    return predictions

if __name__ == "__main__":
    import jax
    _d = setup_inputs()
    print(jax.jit(kernel)(*tuple(_d.values())))

</pallas_src>

<mosaic_0001>
#map = affine_map<(d0, d1) -> (0)>
#map1 = affine_map<(d0, d1) -> (0, 0)>
module attributes {stable_mosaic.version = 14 : i64} {
  func.func @_gather_body(%arg0: i32, %arg1: i32, %arg2: memref<16384xi32, #tpu.memory_space<hbm>>, %arg3: memref<16384xi32, #tpu.memory_space<hbm>>, %arg4: memref<100001x64xf32, #tpu.memory_space<hbm>>, %arg5: memref<100001x64xf32, #tpu.memory_space<hbm>>, %arg6: memref<100001xf32, #tpu.memory_space<hbm>>, %arg7: memref<100001xf32, #tpu.memory_space<hbm>>, %arg8: memref<100000x24xf32, #tpu.memory_space<hbm>>, %arg9: memref<100000x24xf32, #tpu.memory_space<hbm>>, %arg10: memref<16384x256xf32, #tpu.memory_space<hbm>>, %arg11: memref<16384xf32, #tpu.memory_space<hbm>>, %arg12: memref<16384xf32, #tpu.memory_space<hbm>>, %arg13: memref<4x128xi32, #tpu.memory_space<vmem>>, %arg14: memref<4x128xi32, #tpu.memory_space<vmem>>, %arg15: memref<4x128xi32, #tpu.memory_space<vmem>>, %arg16: memref<4x128xi32, #tpu.memory_space<vmem>>, %arg17: memref<512x64xf32, #tpu.memory_space<vmem>>, %arg18: memref<512x64xf32, #tpu.memory_space<vmem>>, %arg19: memref<512x24xf32, #tpu.memory_space<vmem>>, %arg20: memref<512x24xf32, #tpu.memory_space<vmem>>, %arg21: memref<512xf32, #tpu.memory_space<vmem>>, %arg22: memref<512xf32, #tpu.memory_space<vmem>>, %arg23: memref<!tpu.dma_semaphore, #tpu.memory_space<semaphore_mem>>) attributes {dimension_semantics = [#tpu.dimension_semantics<core_parallel>, #tpu.dimension_semantics<subcore_parallel>], iteration_bounds = array<i64: 2, 16>, scalar_prefetch = 0 : i64, scratch_operands = 11 : i64, tpu.core_type = #tpu.core_type<sc_vector_subcore>, window_params = [{transform_indices = #map}, {transform_indices = #map}, {transform_indices = #map1}, {transform_indices = #map1}, {transform_indices = #map}, {transform_indices = #map}, {transform_indices = #map1}, {transform_indices = #map1}, {transform_indices = #map1}, {transform_indices = #map}, {transform_indices = #map}]} {
    %mul3A = arith.constant 2 : i32
    %mul3A_0 = arith.muli %arg1, %mul3A : i32
    %add3A = arith.addi %mul3A_0, %arg0 : i32
    %mul3A_1 = arith.constant 512 : i32
    %mul3A_2 = arith.muli %add3A, %mul3A_1 : i32
    %add3A_3 = arith.constant 0 : i32
    %add3A_4 = arith.addi %mul3A_2, %add3A_3 : i32
    %run_scoped3A = arith.constant 0 : i32
    "tpu.region"() ({
      %run_scoped3A_1745 = tpu.sem_alloc : memref<!tpu.dma_semaphore, #tpu.memory_space<semaphore_mem>>
      %dma_start3A_1746 = arith.constant 0 : i32
      %dma_start3A_1747 = tpu.memref_slice %arg13[%run_scoped3A, %dma_start3A_1746] : memref<4x128xi32, #tpu.memory_space<vmem>> -> memref<1x128xi32, #tpu.memory_space<vmem>>
      %dma_start3A_1748 = tpu.memref_squeeze %dma_start3A_1747 : memref<1x128xi32, #tpu.memory_space<vmem>> -> memref<128xi32, #tpu.memory_space<vmem>>
      %dma_start3A_1749 = tpu.memref_slice %arg2[%add3A_4] : memref<16384xi32, #tpu.memory_space<hbm>> -> memref<128xi32, #tpu.memory_space<hbm>>
      %dma_start3A_1750 = arith.constant 0 : i32
      %dma_start3A_1751 = tpu.memref_slice %arg13[%run_scoped3A, %dma_start3A_1750] : memref<4x128xi32, #tpu.memory_space<vmem>> -> memref<1x128xi32, #tpu.memory_space<vmem>>
      %dma_start3A_1752 = tpu.memref_squeeze %dma_start3A_1751 : memref<1x128xi32, #tpu.memory_space<vmem>> -> memref<128xi32, #tpu.memory_space<vmem>>
      %dma_start3A_1753 = tpu.memref_slice %arg2[%add3A_4] : memref<16384xi32, #tpu.memory_space<hbm>> -> memref<128xi32, #tpu.memory_space<hbm>>
      tpu.enqueue_dma source(%dma_start3A_1753 : memref<128xi32, #tpu.memory_space<hbm>>) target(%dma_start3A_1752 : memref<128xi32, #tpu.memory_space<vmem>>) target_semaphore(%run_scoped3A_1745 : memref<!tpu.dma_semaphore, #tpu.memory_space<semaphore_mem>>)
      %dma_wait3A_1754 = arith.constant 0 : i32
      %dma_wait3A_1755 = tpu.memref_slice %arg13[%run_scoped3A, %dma_wait3A_1754] : memref<4x128xi32, #tpu.memory_space<vmem>> -> memref<1x128xi32, #tpu.memory_space<vmem>>
      %dma_wait3A_1756 = tpu.memref_squeeze %dma_wait3A_1755 : memref<1x128xi32, #tpu.memory_space<vmem>> -> memref<128xi32, #tpu.memory_space<vmem>>
      %dma_wait3A_1757 = tpu.memref_slice %arg2[%add3A_4] : memref<16384xi32, #tpu.memory_space<hbm>> -> memref<128xi32, #tpu.memory_space<hbm>>
      %dma_wait3A_1758 = arith.constant 0 : i32
      %dma_wait3A_1759 = tpu.memref_slice %arg13[%run_scoped3A, %dma_wait3A_1758] : memref<4x128xi32, #tpu.memory_space<vmem>> -> memref<1x128xi32, #tpu.memory_space<vmem>>
      %dma_wait3A_1760 = tpu.memref_squeeze %dma_wait3A_1759 : memref<1x128xi32, #tpu.memory_space<vmem>> -> memref<128xi32, #tpu.memory_space<vmem>>
      %dma_wait3A_1761 = tpu.memref_slice %arg2[%add3A_4] : memref<16384xi32, #tpu.memory_space<hbm>> -> memref<128xi32, #tpu.memory_space<hbm>>
      tpu.wait_dma2 semaphore(%run_scoped3A_1745 : memref<!tpu.dma_semaphore, #tpu.memory_space<semaphore_mem>>) src(%dma_wait3A_1761 : memref<128xi32, #tpu.memory_space<hbm>>) dst(%dma_wait3A_1760 : memref<128xi32, #tpu.memory_space<vmem>>)
      tpu.yield
    }) : () -> ()
    %add3A_5 = arith.constant 0 : i32
    %add3A_6 = arith.addi %mul3A_2, %add3A_5 : i32
    %run_scoped3A_7 = arith.constant 0 : i32
    "tpu.region"() ({
      %run_scoped3A_1745 = tpu.sem_alloc : memref<!tpu.dma_semaphore, #tpu.memory_space<semaphore_mem>>
      %dma_start3A_1746 = arith.constant 0 : i32
      %dma_start3A_1747 = tpu.memref_slice %arg14[%run_scoped3A_7, %dma_start3A_1746] : memref<4x128xi32, #tpu.memory_space<vmem>> -> memref<1x128xi32, #tpu.memory_space<vmem>>
      %dma_start3A_1748 = tpu.memref_squeeze %dma_start3A_1747 : memref<1x128xi32, #tpu.memory_space<vmem>> -> memref<128xi32, #tpu.memory_space<vmem>>
      %dma_start3A_1749 = tpu.memref_slice %arg3[%add3A_6] : memref<16384xi32, #tpu.memory_space<hbm>> -> memref<128xi32, #tpu.memory_space<hbm>>
      %dma_start3A_1750 = arith.constant 0 : i32
      %dma_start3A_1751 = tpu.memref_slice %arg14[%run_scoped3A_7, %dma_start3A_1750] : memref<4x128xi32, #tpu.memory_space<vmem>> -> memref<1x128xi32, #tpu.memory_space<vmem>>
      %dma_start3A_1752 = tpu.memref_squeeze %dma_start3A_1751 : memref<1x128xi32, #tpu.memory_space<vmem>> -> memref<128xi32, #tpu.memory_space<vmem>>
      %dma_start3A_1753 = tpu.memref_slice %arg3[%add3A_6] : memref<16384xi32, #tpu.memory_space<hbm>> -> memref<128xi32, #tpu.memory_space<hbm>>
      tpu.enqueue_dma source(%dma_start3A_1753 : memref<128xi32, #tpu.memory_space<hbm>>) target(%dma_start3A_1752 : memref<128xi32, #tpu.memory_space<vmem>>) target_semaphore(%run_scoped3A_1745 : memref<!tpu.dma_semaphore, #tpu.memory_space<semaphore_mem>>)
      %dma_wait3A_1754 = arith.constant 0 : i32
      %dma_wait3A_1755 = tpu.memref_slice %arg14[%run_scoped3A_7, %dma_wait3A_1754] : memref<4x128xi32, #tpu.memory_space<vmem>> -> memref<1x128xi32, #tpu.memory_space<vmem>>
      %dma_wait3A_1756 = tpu.memref_squeeze %dma_wait3A_1755 : memref<1x128xi32, #tpu.memory_space<vmem>> -> memref<128xi32, #tpu.memory_space<vmem>>
      %dma_wait3A_1757 = tpu.memref_slice %arg3[%add3A_6] : memref<16384xi32, #tpu.memory_space<hbm>> -> memref<128xi32, #tpu.memory_space<hbm>>
      %dma_wait3A_1758 = arith.constant 0 : i32
      %dma_wait3A_1759 = tpu.memref_slice %arg14[%run_scoped3A_7, %dma_wait3A_1758] : memref<4x128xi32, #tpu.memory_space<vmem>> -> memref<1x128xi32, #tpu.memory_space<vmem>>
      %dma_wait3A_1760 = tpu.memref_squeeze %dma_wait3A_1759 : memref<1x128xi32, #tpu.memory_space<vmem>> -> memref<128xi32, #tpu.memory_space<vmem>>
      %dma_wait3A_1761 = tpu.memref_slice %arg3[%add3A_6] : memref<16384xi32, #tpu.memory_space<hbm>> -> memref<128xi32, #tpu.memory_space<hbm>>
      tpu.wait_dma2 semaphore(%run_scoped3A_1745 : memref<!tpu.dma_semaphore, #tpu.memory_space<semaphore_mem>>) src(%dma_wait3A_1761 : memref<128xi32, #tpu.memory_space<hbm>>) dst(%dma_wait3A_1760 : memref<128xi32, #tpu.memory_space<vmem>>)
      tpu.yield
    }) : () -> ()
    %add3A_8 = arith.constant 128 : i32
    %add3A_9 = arith.addi %mul3A_2, %add3A_8 : i32
    %run_scoped3A_10 = arith.constant 1 : i32
    "tpu.region"() ({
      %run_scoped3A_1745 = tpu.sem_alloc : memref<!tpu.dma_semaphore, #tpu.memory_space<semaphore_mem>>
      %dma_start3A_1746 = arith.constant 0 : i32
      %dma_start3A_1747 = tpu.memref_slice %arg13[%run_scoped3A_10, %dma_start3A_1746] : memref<4x128xi32, #tpu.memory_space<vmem>> -> memref<1x128xi32, #tpu.memory_space<vmem>>
      %dma_start3A_1748 = tpu.memref_squeeze %dma_start3A_1747 : memref<1x128xi32, #tpu.memory_space<vmem>> -> memref<128xi32, #tpu.memory_space<vmem>>
      %dma_start3A_1749 = tpu.memref_slice %arg2[%add3A_9] : memref<16384xi32, #tpu.memory_space<hbm>> -> memref<128xi32, #tpu.memory_space<hbm>>
      %dma_start3A_1750 = arith.constant 0 : i32
      %dma_start3A_1751 = tpu.memref_slice %arg13[%run_scoped3A_10, %dma_start3A_1750] : memref<4x128xi32, #tpu.memory_space<vmem>> -> memref<1x128xi32, #tpu.memory_space<vmem>>
      %dma_start3A_1752 = tpu.memref_squeeze %dma_start3A_1751 : memref<1x128xi32, #tpu.memory_space<vmem>> -> memref<128xi32, #tpu.memory_space<vmem>>
      %dma_start3A_1753 = tpu.memref_slice %arg2[%add3A_9] : memref<16384xi32, #tpu.memory_space<hbm>> -> memref<128xi32, #tpu.memory_space<hbm>>
      tpu.enqueue_dma source(%dma_start3A_1753 : memref<128xi32, #tpu.memory_space<hbm>>) target(%dma_start3A_1752 : memref<128xi32, #tpu.memory_space<vmem>>) target_semaphore(%run_scoped3A_1745 : memref<!tpu.dma_semaphore, #tpu.memory_space<semaphore_mem>>)
      %dma_wait3A_1754 = arith.constant 0 : i32
      %dma_wait3A_1755 = tpu.memref_slice %arg13[%run_scoped3A_10, %dma_wait3A_1754] : memref<4x128xi32, #tpu.memory_space<vmem>> -> memref<1x128xi32, #tpu.memory_space<vmem>>
      %dma_wait3A_1756 = tpu.memref_squeeze %dma_wait3A_1755 : memref<1x128xi32, #tpu.memory_space<vmem>> -> memref<128xi32, #tpu.memory_space<vmem>>
      %dma_wait3A_1757 = tpu.memref_slice %arg2[%add3A_9] : memref<16384xi32, #tpu.memory_space<hbm>> -> memref<128xi32, #tpu.memory_space<hbm>>
      %dma_wait3A_1758 = arith.constant 0 : i32
      %dma_wait3A_1759 = tpu.memref_slice %arg13[%run_scoped3A_10, %dma_wait3A_1758] : memref<4x128xi32, #tpu.memory_space<vmem>> -> memref<1x128xi32, #tpu.memory_space<vmem>>
      %dma_wait3A_1760 = tpu.memref_squeeze %dma_wait3A_1759 : memref<1x128xi32, #tpu.memory_space<vmem>> -> memref<128xi32, #tpu.memory_space<vmem>>
      %dma_wait3A_1761 = tpu.memref_slice %arg2[%add3A_9] : memref<16384xi32, #tpu.memory_space<hbm>> -> memref<128xi32, #tpu.memory_space<hbm>>
      tpu.wait_dma2 semaphore(%run_scoped3A_1745 : memref<!tpu.dma_semaphore, #tpu.memory_space<semaphore_mem>>) src(%dma_wait3A_1761 : memref<128xi32, #tpu.memory_space<hbm>>) dst(%dma_wait3A_1760 : memref<128xi32, #tpu.memory_space<vmem>>)
      tpu.yield
    }) : () -> ()
    %add3A_11 = arith.constant 128 : i32
    %add3A_12 = arith.addi %mul3A_2, %add3A_11 : i32
    %run_scoped3A_13 = arith.constant 1 : i32
    "tpu.region"() ({
      %run_scoped3A_1745 = tpu.sem_alloc : memref<!tpu.dma_semaphore, #tpu.memory_space<semaphore_mem>>
      %dma_start3A_1746 = arith.constant 0 : i32
      %dma_start3A_1747 = tpu.memref_slice %arg14[%run_scoped3A_13, %dma_start3A_1746] : memref<4x128xi32, #tpu.memory_space<vmem>> -> memref<1x128xi32, #tpu.memory_space<vmem>>
      %dma_start3A_1748 = tpu.memref_squeeze %dma_start3A_1747 : memref<1x128xi32, #tpu.memory_space<vmem>> -> memref<128xi32, #tpu.memory_space<vmem>>
      %dma_start3A_1749 = tpu.memref_slice %arg3[%add3A_12] : memref<16384xi32, #tpu.memory_space<hbm>> -> memref<128xi32, #tpu.memory_space<hbm>>
      %dma_start3A_1750 = arith.constant 0 : i32
      %dma_start3A_1751 = tpu.memref_slice %arg14[%run_scoped3A_13, %dma_start3A_1750] : memref<4x128xi32, #tpu.memory_space<vmem>> -> memref<1x128xi32, #tpu.memory_space<vmem>>
      %dma_start3A_1752 = tpu.memref_squeeze %dma_start3A_1751 : memref<1x128xi32, #tpu.memory_space<vmem>> -> memref<128xi32, #tpu.memory_space<vmem>>
      %dma_start3A_1753 = tpu.memref_slice %arg3[%add3A_12] : memref<16384xi32, #tpu.memory_space<hbm>> -> memref<128xi32, #tpu.memory_space<hbm>>
      tpu.enqueue_dma source(%dma_start3A_1753 : memref<128xi32, #tpu.memory_space<hbm>>) target(%dma_start3A_1752 : memref<128xi32, #tpu.memory_space<vmem>>) target_semaphore(%run_scoped3A_1745 : memref<!tpu.dma_semaphore, #tpu.memory_space<semaphore_mem>>)
      %dma_wait3A_1754 = arith.constant 0 : i32
      %dma_wait3A_1755 = tpu.memref_slice %arg14[%run_scoped3A_13, %dma_wait3A_1754] : memref<4x128xi32, #tpu.memory_space<vmem>> -> memref<1x128xi32, #tpu.memory_space<vmem>>
      %dma_wait3A_1756 = tpu.memref_squeeze %dma_wait3A_1755 : memref<1x128xi32, #tpu.memory_space<vmem>> -> memref<128xi32, #tpu.memory_space<vmem>>
      %dma_wait3A_1757 = tpu.memref_slice %arg3[%add3A_12] : memref<16384xi32, #tpu.memory_space<hbm>> -> memref<128xi32, #tpu.memory_space<hbm>>
      %dma_wait3A_1758 = arith.constant 0 : i32
      %dma_wait3A_1759 = tpu.memref_slice %arg14[%run_scoped3A_13, %dma_wait3A_1758] : memref<4x128xi32, #tpu.memory_space<vmem>> -> memref<1x128xi32, #tpu.memory_space<vmem>>
      %dma_wait3A_1760 = tpu.memref_squeeze %dma_wait3A_1759 : memref<1x128xi32, #tpu.memory_space<vmem>> -> memref<128xi32, #tpu.memory_space<vmem>>
      %dma_wait3A_1761 = tpu.memref_slice %arg3[%add3A_12] : memref<16384xi32, #tpu.memory_space<hbm>> -> memref<128xi32, #tpu.memory_space<hbm>>
      tpu.wait_dma2 semaphore(%run_scoped3A_1745 : memref<!tpu.dma_semaphore, #tpu.memory_space<semaphore_mem>>) src(%dma_wait3A_1761 : memref<128xi32, #tpu.memory_space<hbm>>) dst(%dma_wait3A_1760 : memref<128xi32, #tpu.memory_space<vmem>>)
      tpu.yield
    }) : () -> ()
    %add3A_14 = arith.constant 256 : i32
    %add3A_15 = arith.addi %mul3A_2, %add3A_14 : i32
    %run_scoped3A_16 = arith.constant 2 : i32
    "tpu.region"() ({
      %run_scoped3A_1745 = tpu.sem_alloc : memref<!tpu.dma_semaphore, #tpu.memory_space<semaphore_mem>>
      %dma_start3A_1746 = arith.constant 0 : i32
      %dma_start3A_1747 = tpu.memref_slice %arg13[%run_scoped3A_16, %dma_start3A_1746] : memref<4x128xi32, #tpu.memory_space<vmem>> -> memref<1x128xi32, #tpu.memory_space<vmem>>
      %dma_start3A_1748 = tpu.memref_squeeze %dma_start3A_1747 : memref<1x128xi32, #tpu.memory_space<vmem>> -> memref<128xi32, #tpu.memory_space<vmem>>
      %dma_start3A_1749 = tpu.memref_slice %arg2[%add3A_15] : memref<16384xi32, #tpu.memory_space<hbm>> -> memref<128xi32, #tpu.memory_space<hbm>>
      %dma_start3A_1750 = arith.constant 0 : i32
      %dma_start3A_1751 = tpu.memref_slice %arg13[%run_scoped3A_16, %dma_start3A_1750] : memref<4x128xi32, #tpu.memory_space<vmem>> -> memref<1x128xi32, #tpu.memory_space<vmem>>
      %dma_start3A_1752 = tpu.memref_squeeze %dma_start3A_1751 : memref<1x128xi32, #tpu.memory_space<vmem>> -> memref<128xi32, #tpu.memory_space<vmem>>
      %dma_start3A_1753 = tpu.memref_slice %arg2[%add3A_15] : memref<16384xi32, #tpu.memory_space<hbm>> -> memref<128xi32, #tpu.memory_space<hbm>>
      tpu.enqueue_dma source(%dma_start3A_1753 : memref<128xi32, #tpu.memory_space<hbm>>) target(%dma_start3A_1752 : memref<128xi32, #tpu.memory_space<vmem>>) target_semaphore(%run_scoped3A_1745 : memref<!tpu.dma_semaphore, #tpu.memory_space<semaphore_mem>>)
      %dma_wait3A_1754 = arith.constant 0 : i32
      %dma_wait3A_1755 = tpu.memref_slice %arg13[%run_scoped3A_16, %dma_wait3A_1754] : memref<4x128xi32, #tpu.memory_space<vmem>> -> memref<1x128xi32, #tpu.memory_space<vmem>>
      %dma_wait3A_1756 = tpu.memref_squeeze %dma_wait3A_1755 : memref<1x128xi32, #tpu.memory_space<vmem>> -> memref<128xi32, #tpu.memory_space<vmem>>
      %dma_wait3A_1757 = tpu.memref_slice %arg2[%add3A_15] : memref<16384xi32, #tpu.memory_space<hbm>> -> memref<128xi32, #tpu.memory_space<hbm>>
      %dma_wait3A_1758 = arith.constant 0 : i32
      %dma_wait3A_1759 = tpu.memref_slice %arg13[%run_scoped3A_16, %dma_wait3A_1758] : memref<4x128xi32, #tpu.memory_space<vmem>> -> memref<1x128xi32, #tpu.memory_space<vmem>>
      %dma_wait3A_1760 = tpu.memref_squeeze %dma_wait3A_1759 : memref<1x128xi32, #tpu.memory_space<vmem>> -> memref<128xi32, #tpu.memory_space<vmem>>
      %dma_wait3A_1761 = tpu.memref_slice %arg2[%add3A_15] : memref<16384xi32, #tpu.memory_space<hbm>> -> memref<128xi32, #tpu.memory_space<hbm>>
      tpu.wait_dma2 semaphore(%run_scoped3A_1745 : memref<!tpu.dma_semaphore, #tpu.memory_space<semaphore_mem>>) src(%dma_wait3A_1761 : memref<128xi32, #tpu.memory_space<hbm>>) dst(%dma_wait3A_1760 : memref<128xi32, #tpu.memory_space<vmem>>)
      tpu.yield
    }) : () -> ()
    %add3A_17 = arith.constant 256 : i32
    %add3A_18 = arith.addi %mul3A_2, %add3A_17 : i32
    %run_scoped3A_19 = arith.constant 2 : i32
    "tpu.region"() ({
      %run_scoped3A_1745 = tpu.sem_alloc : memref<!tpu.dma_semaphore, #tpu.memory_space<semaphore_mem>>
      %dma_start3A_1746 = arith.constant 0 : i32
      %dma_start3A_1747 = tpu.memref_slice %arg14[%run_scoped3A_19, %dma_start3A_1746] : memref<4x128xi32, #tpu.memory_space<vmem>> -> memref<1x128xi32, #tpu.memory_space<vmem>>
      %dma_start3A_1748 = tpu.memref_squeeze %dma_start3A_1747 : memref<1x128xi32, #tpu.memory_space<vmem>> -> memref<128xi32, #tpu.memory_space<vmem>>
      %dma_start3A_1749 = tpu.memref_slice %arg3[%add3A_18] : memref<16384xi32, #tpu.memory_space<hbm>> -> memref<128xi32, #tpu.memory_space<hbm>>
      %dma_start3A_1750 = arith.constant 0 : i32
      %dma_start3A_1751 = tpu.memref_slice %arg14[%run_scoped3A_19, %dma_start3A_1750] : memref<4x128xi32, #tpu.memory_space<vmem>> -> memref<1x128xi32, #tpu.memory_space<vmem>>
      %dma_start3A_1752 = tpu.memref_squeeze %dma_start3A_1751 : memref<1x128xi32, #tpu.memory_space<vmem>> -> memref<128xi32, #tpu.memory_space<vmem>>
      %dma_start3A_1753 = tpu.memref_slice %arg3[%add3A_18] : memref<16384xi32, #tpu.memory_space<hbm>> -> memref<128xi32, #tpu.memory_space<hbm>>
      tpu.enqueue_dma source(%dma_start3A_1753 : memref<128xi32, #tpu.memory_space<hbm>>) target(%dma_start3A_1752 : memref<128xi32, #tpu.memory_space<vmem>>) target_semaphore(%run_scoped3A_1745 : memref<!tpu.dma_semaphore, #tpu.memory_space<semaphore_mem>>)
      %dma_wait3A_1754 = arith.constant 0 : i32
      %dma_wait3A_1755 = tpu.memref_slice %arg14[%run_scoped3A_19, %dma_wait3A_1754] : memref<4x128xi32, #tpu.memory_space<vmem>> -> memref<1x128xi32, #tpu.memory_space<vmem>>
      %dma_wait3A_1756 = tpu.memref_squeeze %dma_wait3A_1755 : memref<1x128xi32, #tpu.memory_space<vmem>> -> memref<128xi32, #tpu.memory_space<vmem>>
      %dma_wait3A_1757 = tpu.memref_slice %arg3[%add3A_18] : memref<16384xi32, #tpu.memory_space<hbm>> -> memref<128xi32, #tpu.memory_space<hbm>>
      %dma_wait3A_1758 = arith.constant 0 : i32
      %dma_wait3A_1759 = tpu.memref_slice %arg14[%run_scoped3A_19, %dma_wait3A_1758] : memref<4x128xi32, #tpu.memory_space<vmem>> -> memref<1x128xi32, #tpu.memory_space<vmem>>
      %dma_wait3A_1760 = tpu.memref_squeeze %dma_wait3A_1759 : memref<1x128xi32, #tpu.memory_space<vmem>> -> memref<128xi32, #tpu.memory_space<vmem>>
      %dma_wait3A_1761 = tpu.memref_slice %arg3[%add3A_18] : memref<16384xi32, #tpu.memory_space<hbm>> -> memref<128xi32, #tpu.memory_space<hbm>>
      tpu.wait_dma2 semaphore(%run_scoped3A_1745 : memref<!tpu.dma_semaphore, #tpu.memory_space<semaphore_mem>>) src(%dma_wait3A_1761 : memref<128xi32, #tpu.memory_space<hbm>>) dst(%dma_wait3A_1760 : memref<128xi32, #tpu.memory_space<vmem>>)
      tpu.yield
    }) : () -> ()
    %add3A_20 = arith.constant 384 : i32
    %add3A_21 = arith.addi %mul3A_2, %add3A_20 : i32
    %run_scoped3A_22 = arith.constant 3 : i32
    "tpu.region"() ({
      %run_scoped3A_1745 = tpu.sem_alloc : memref<!tpu.dma_semaphore, #tpu.memory_space<semaphore_mem>>
      %dma_start3A_1746 = arith.constant 0 : i32
      %dma_start3A_1747 = tpu.memref_slice %arg13[%run_scoped3A_22, %dma_start3A_1746] : memref<4x128xi32, #tpu.memory_space<vmem>> -> memref<1x128xi32, #tpu.memory_space<vmem>>
      %dma_start3A_1748 = tpu.memref_squeeze %dma_start3A_1747 : memref<1x128xi32, #tpu.memory_space<vmem>> -> memref<128xi32, #tpu.memory_space<vmem>>
      %dma_start3A_1749 = tpu.memref_slice %arg2[%add3A_21] : memref<16384xi32, #tpu.memory_space<hbm>> -> memref<128xi32, #tpu.memory_space<hbm>>
      %dma_start3A_1750 = arith.constant 0 : i32
      %dma_start3A_1751 = tpu.memref_slice %arg13[%run_scoped3A_22, %dma_start3A_1750] : memref<4x128xi32, #tpu.memory_space<vmem>> -> memref<1x128xi32, #tpu.memory_space<vmem>>
      %dma_start3A_1752 = tpu.memref_squeeze %dma_start3A_1751 : memref<1x128xi32, #tpu.memory_space<vmem>> -> memref<128xi32, #tpu.memory_space<vmem>>
      %dma_start3A_1753 = tpu.memref_slice %arg2[%add3A_21] : memref<16384xi32, #tpu.memory_space<hbm>> -> memref<128xi32, #tpu.memory_space<hbm>>
      tpu.enqueue_dma source(%dma_start3A_1753 : memref<128xi32, #tpu.memory_space<hbm>>) target(%dma_start3A_1752 : memref<128xi32, #tpu.memory_space<vmem>>) target_semaphore(%run_scoped3A_1745 : memref<!tpu.dma_semaphore, #tpu.memory_space<semaphore_mem>>)
      %dma_wait3A_1754 = arith.constant 0 : i32
      %dma_wait3A_1755 = tpu.memref_slice %arg13[%run_scoped3A_22, %dma_wait3A_1754] : memref<4x128xi32, #tpu.memory_space<vmem>> -> memref<1x128xi32, #tpu.memory_space<vmem>>
      %dma_wait3A_1756 = tpu.memref_squeeze %dma_wait3A_1755 : memref<1x128xi32, #tpu.memory_space<vmem>> -> memref<128xi32, #tpu.memory_space<vmem>>
      %dma_wait3A_1757 = tpu.memref_slice %arg2[%add3A_21] : memref<16384xi32, #tpu.memory_space<hbm>> -> memref<128xi32, #tpu.memory_space<hbm>>
      %dma_wait3A_1758 = arith.constant 0 : i32
      %dma_wait3A_1759 = tpu.memref_slice %arg13[%run_scoped3A_22, %dma_wait3A_1758] : memref<4x128xi32, #tpu.memory_space<vmem>> -> memref<1x128xi32, #tpu.memory_space<vmem>>
      %dma_wait3A_1760 = tpu.memref_squeeze %dma_wait3A_1759 : memref<1x128xi32, #tpu.memory_space<vmem>> -> memref<128xi32, #tpu.memory_space<vmem>>
      %dma_wait3A_1761 = tpu.memref_slice %arg2[%add3A_21] : memref<16384xi32, #tpu.memory_space<hbm>> -> memref<128xi32, #tpu.memory_space<hbm>>
      tpu.wait_dma2 semaphore(%run_scoped3A_1745 : memref<!tpu.dma_semaphore, #tpu.memory_space<semaphore_mem>>) src(%dma_wait3A_1761 : memref<128xi32, #tpu.memory_space<hbm>>) dst(%dma_wait3A_1760 : memref<128xi32, #tpu.memory_space<vmem>>)
      tpu.yield
    }) : () -> ()
    %add3A_23 = arith.constant 384 : i32
    %add3A_24 = arith.addi %mul3A_2, %add3A_23 : i32
    %run_scoped3A_25 = arith.constant 3 : i32
    "tpu.region"() ({
      %run_scoped3A_1745 = tpu.sem_alloc : memref<!tpu.dma_semaphore, #tpu.memory_space<semaphore_mem>>
      %dma_start3A_1746 = arith.constant 0 : i32
      %dma_start3A_1747 = tpu.memref_slice %arg14[%run_scoped3A_25, %dma_start3A_1746] : memref<4x128xi32, #tpu.memory_space<vmem>> -> memref<1x128xi32, #tpu.memory_space<vmem>>
      %dma_start3A_1748 = tpu.memref_squeeze %dma_start3A_1747 : memref<1x128xi32, #tpu.memory_space<vmem>> -> memref<128xi32, #tpu.memory_space<vmem>>
      %dma_start3A_1749 = tpu.memref_slice %arg3[%add3A_24] : memref<16384xi32, #tpu.memory_space<hbm>> -> memref<128xi32, #tpu.memory_space<hbm>>
      %dma_start3A_1750 = arith.constant 0 : i32
      %dma_start3A_1751 = tpu.memref_slice %arg14[%run_scoped3A_25, %dma_start3A_1750] : memref<4x128xi32, #tpu.memory_space<vmem>> -> memref<1x128xi32, #tpu.memory_space<vmem>>
      %dma_start3A_1752 = tpu.memref_squeeze %dma_start3A_1751 : memref<1x128xi32, #tpu.memory_space<vmem>> -> memref<128xi32, #tpu.memory_space<vmem>>
      %dma_start3A_1753 = tpu.memref_slice %arg3[%add3A_24] : memref<16384xi32, #tpu.memory_space<hbm>> -> memref<128xi32, #tpu.memory_space<hbm>>
      tpu.enqueue_dma source(%dma_start3A_1753 : memref<128xi32, #tpu.memory_space<hbm>>) target(%dma_start3A_1752 : memref<128xi32, #tpu.memory_space<vmem>>) target_semaphore(%run_scoped3A_1745 : memref<!tpu.dma_semaphore, #tpu.memory_space<semaphore_mem>>)
      %dma_wait3A_1754 = arith.constant 0 : i32
      %dma_wait3A_1755 = tpu.memref_slice %arg14[%run_scoped3A_25, %dma_wait3A_1754] : memref<4x128xi32, #tpu.memory_space<vmem>> -> memref<1x128xi32, #tpu.memory_space<vmem>>
      %dma_wait3A_1756 = tpu.memref_squeeze %dma_wait3A_1755 : memref<1x128xi32, #tpu.memory_space<vmem>> -> memref<128xi32, #tpu.memory_space<vmem>>
      %dma_wait3A_1757 = tpu.memref_slice %arg3[%add3A_24] : memref<16384xi32, #tpu.memory_space<hbm>> -> memref<128xi32, #tpu.memory_space<hbm>>
      %dma_wait3A_1758 = arith.constant 0 : i32
      %dma_wait3A_1759 = tpu.memref_slice %arg14[%run_scoped3A_25, %dma_wait3A_1758] : memref<4x128xi32, #tpu.memory_space<vmem>> -> memref<1x128xi32, #tpu.memory_space<vmem>>
      %dma_wait3A_1760 = tpu.memref_squeeze %dma_wait3A_1759 : memref<1x128xi32, #tpu.memory_space<vmem>> -> memref<128xi32, #tpu.memory_space<vmem>>
      %dma_wait3A_1761 = tpu.memref_slice %arg3[%add3A_24] : memref<16384xi32, #tpu.memory_space<hbm>> -> memref<128xi32, #tpu.memory_space<hbm>>
      tpu.wait_dma2 semaphore(%run_scoped3A_1745 : memref<!tpu.dma_semaphore, #tpu.memory_space<semaphore_mem>>) src(%dma_wait3A_1761 : memref<128xi32, #tpu.memory_space<hbm>>) dst(%dma_wait3A_1760 : memref<128xi32, #tpu.memory_space<vmem>>)
      tpu.yield
    }) : () -> ()
    %get3A = arith.constant 0 : i32
    %get3A_26 = arith.index_cast %get3A : i32 to index
    %get3A_27 = arith.constant 0 : index
    %get3A_28 = tpu.vector_load %arg13[%get3A_26, %get3A_27] {strides = array<i32>} : memref<4x128xi32, #tpu.memory_space<vmem>>, vector<1x16xi32>,
    %get3A_29 = vector.shape_cast %get3A_28 : vector<1x16xi32> to vector<16xi32>
    %get3A_30 = arith.constant 0 : i32
    %get3A_31 = arith.index_cast %get3A_30 : i32 to index
    %get3A_32 = arith.constant 0 : index
    %get3A_33 = tpu.vector_load %arg14[%get3A_31, %get3A_32] {strides = array<i32>} : memref<4x128xi32, #tpu.memory_space<vmem>>, vector<1x16xi32>,
    %get3A_34 = vector.shape_cast %get3A_33 : vector<1x16xi32> to vector<16xi32>
    %eq3A = arith.constant 0 : i32
    %eq3A_35 = vector.broadcast %eq3A : i32 to vector<16xi32>
    %eq3A_36 = arith.cmpi eq, %get3A_29, %eq3A_35 : vector<16xi32>
    %sub3A = arith.constant 1 : i32
    %sub3A_37 = vector.broadcast %sub3A : i32 to vector<16xi32>
    %sub3A_38 = arith.subi %get3A_29, %sub3A_37 : vector<16xi32>
    %jit3A = arith.constant 99999 : i32
    %broadcast_in_dim3A = vector.broadcast %jit3A : i32 to vector<16xi32>
    %select_n3A = arith.select %eq3A_36, %broadcast_in_dim3A, %sub3A_38 : vector<16xi1>, vector<16xi32>
    %swap3A = arith.constant 0 : i32
    %swap3A_39 = arith.index_cast %swap3A : i32 to index
    %swap3A_40 = arith.constant 0 : index
    %swap3A_41 = tpu.vector_load %arg15[%swap3A_39, %swap3A_40] {strides = array<i32>} : memref<4x128xi32, #tpu.memory_space<vmem>>, vector<1x16xi32>,
    %swap3A_42 = vector.shape_cast %swap3A_41 : vector<1x16xi32> to vector<16xi32>
    %swap3A_43 = vector.shape_cast %select_n3A : vector<16xi32> to vector<1x16xi32>
    tpu.vector_store %arg15[%swap3A_39, %swap3A_40], %swap3A_43 {strides = array<i32>} : memref<4x128xi32, #tpu.memory_space<vmem>>, vector<1x16xi32>,
    %eq3A_44 = arith.constant 0 : i32
    %eq3A_45 = vector.broadcast %eq3A_44 : i32 to vector<16xi32>
    %eq3A_46 = arith.cmpi eq, %get3A_34, %eq3A_45 : vector<16xi32>
    %sub3A_47 = arith.constant 1 : i32
    %sub3A_48 = vector.broadcast %sub3A_47 : i32 to vector<16xi32>
    %sub3A_49 = arith.subi %get3A_34, %sub3A_48 : vector<16xi32>
    %jit3A_50 = arith.constant 99999 : i32
    %broadcast_in_dim3A_51 = vector.broadcast %jit3A_50 : i32 to vector<16xi32>
    %select_n3A_52 = arith.select %eq3A_46, %broadcast_in_dim3A_51, %sub3A_49 : vector<16xi1>, vector<16xi32>
    %swap3A_53 = arith.constant 0 : i32
    %swap3A_54 = arith.index_cast %swap3A_53 : i32 to index
    %swap3A_55 = arith.constant 0 : index
    %swap3A_56 = tpu.vector_load %arg16[%swap3A_54, %swap3A_55] {strides = array<i32>} : memref<4x128xi32, #tpu.memory_space<vmem>>, vector<1x16xi32>,
    %swap3A_57 = vector.shape_cast %swap3A_56 : vector<1x16xi32> to vector<16xi32>
    %swap3A_58 = vector.shape_cast %select_n3A_52 : vector<16xi32> to vector<1x16xi32>
    tpu.vector_store %arg16[%swap3A_54, %swap3A_55], %swap3A_58 {strides = array<i32>} : memref<4x128xi32, #tpu.memory_space<vmem>>, vector<1x16xi32>,
    %get3A_59 = arith.constant 0 : i32
    %get3A_60 = arith.index_cast %get3A_59 : i32 to index
    %get3A_61 = arith.constant 16 : index
    %get3A_62 = tpu.vector_load %arg13[%get3A_60, %get3A_61] {strides = array<i32>} : memref<4x128xi32, #tpu.memory_space<vmem>>, vector<1x16xi32>,
    %get3A_63 = vector.shape_cast %get3A_62 : vector<1x16xi32> to vector<16xi32>
    %get3A_64 = arith.constant 0 : i32
    %get3A_65 = arith.index_cast %get3A_64 : i32 to index
    %get3A_66 = arith.constant 16 : index
    %get3A_67 = tpu.vector_load %arg14[%get3A_65, %get3A_66] {strides = array<i32>} : memref<4x128xi32, #tpu.memory_space<vmem>>, vector<1x16xi32>,
    %get3A_68 = vector.shape_cast %get3A_67 : vector<1x16xi32> to vector<16xi32>
    %eq3A_69 = arith.constant 0 : i32
    %eq3A_70 = vector.broadcast %eq3A_69 : i32 to vector<16xi32>
    %eq3A_71 = arith.cmpi eq, %get3A_63, %eq3A_70 : vector<16xi32>
    %sub3A_72 = arith.constant 1 : i32
    %sub3A_73 = vector.broadcast %sub3A_72 : i32 to vector<16xi32>
    %sub3A_74 = arith.subi %get3A_63, %sub3A_73 : vector<16xi32>
    %jit3A_75 = arith.constant 99999 : i32
    %broadcast_in_dim3A_76 = vector.broadcast %jit3A_75 : i32 to vector<16xi32>
    %select_n3A_77 = arith.select %eq3A_71, %broadcast_in_dim3A_76, %sub3A_74 : vector<16xi1>, vector<16xi32>
    %swap3A_78 = arith.constant 0 : i32
    %swap3A_79 = arith.index_cast %swap3A_78 : i32 to index
    %swap3A_80 = arith.constant 16 : index
    %swap3A_81 = tpu.vector_load %arg15[%swap3A_79, %swap3A_80] {strides = array<i32>} : memref<4x128xi32, #tpu.memory_space<vmem>>, vector<1x16xi32>,
    %swap3A_82 = vector.shape_cast %swap3A_81 : vector<1x16xi32> to vector<16xi32>
    %swap3A_83 = vector.shape_cast %select_n3A_77 : vector<16xi32> to vector<1x16xi32>
    tpu.vector_store %arg15[%swap3A_79, %swap3A_80], %swap3A_83 {strides = array<i32>} : memref<4x128xi32, #tpu.memory_space<vmem>>, vector<1x16xi32>,
    %eq3A_84 = arith.constant 0 : i32
    %eq3A_85 = vector.broadcast %eq3A_84 : i32 to vector<16xi32>
    %eq3A_86 = arith.cmpi eq, %get3A_68, %eq3A_85 : vector<16xi32>
    %sub3A_87 = arith.constant 1 : i32
    %sub3A_88 = vector.broadcast %sub3A_87 : i32 to vector<16xi32>
    %sub3A_89 = arith.subi %get3A_68, %sub3A_88 : vector<16xi32>
    %jit3A_90 = arith.constant 99999 : i32
    %broadcast_in_dim3A_91 = vector.broadcast %jit3A_90 : i32 to vector<16xi32>
    %select_n3A_92 = arith.select %eq3A_86, %broadcast_in_dim3A_91, %sub3A_89 : vector<16xi1>, vector<16xi32>
    %swap3A_93 = arith.constant 0 : i32
    %swap3A_94 = arith.index_cast %swap3A_93 : i32 to index
    %swap3A_95 = arith.constant 16 : index
    %swap3A_96 = tpu.vector_load %arg16[%swap3A_94, %swap3A_95] {strides = array<i32>} : memref<4x128xi32, #tpu.memory_space<vmem>>, vector<1x16xi32>,
    %swap3A_97 = vector.shape_cast %swap3A_96 : vector<1x16xi32> to vector<16xi32>
    %swap3A_98 = vector.shape_cast %select_n3A_92 : vector<16xi32> to vector<1x16xi32>
    tpu.vector_store %arg16[%swap3A_94, %swap3A_95], %swap3A_98 {strides = array<i32>} : memref<4x128xi32, #tpu.memory_space<vmem>>, vector<1x16xi32>,
    %get3A_99 = arith.constant 0 : i32
    %get3A_100 = arith.index_cast %get3A_99 : i32 to index
    %get3A_101 = arith.constant 32 : index
    %get3A_102 = tpu.vector_load %arg13[%get3A_100, %get3A_101] {strides = array<i32>} : memref<4x128xi32, #tpu.memory_space<vmem>>, vector<1x16xi32>,
    %get3A_103 = vector.shape_cast %get3A_102 : vector<1x16xi32> to vector<16xi32>
    %get3A_104 = arith.constant 0 : i32
    %get3A_105 = arith.index_cast %get3A_104 : i32 to index
    %get3A_106 = arith.constant 32 : index
    %get3A_107 = tpu.vector_load %arg14[%get3A_105, %get3A_106] {strides = array<i32>} : memref<4x128xi32, #tpu.memory_space<vmem>>, vector<1x16xi32>,
    %get3A_108 = vector.shape_cast %get3A_107 : vector<1x16xi32> to vector<16xi32>
    %eq3A_109 = arith.constant 0 : i32
    %eq3A_110 = vector.broadcast %eq3A_109 : i32 to vector<16xi32>
    %eq3A_111 = arith.cmpi eq, %get3A_103, %eq3A_110 : vector<16xi32>
    %sub3A_112 = arith.constant 1 : i32
    %sub3A_113 = vector.broadcast %sub3A_112 : i32 to vector<16xi32>
    %sub3A_114 = arith.subi %get3A_103, %sub3A_113 : vector<16xi32>
    %jit3A_115 = arith.constant 99999 : i32
    %broadcast_in_dim3A_116 = vector.broadcast %jit3A_115 : i32 to vector<16xi32>
    %select_n3A_117 = arith.select %eq3A_111, %broadcast_in_dim3A_116, %sub3A_114 : vector<16xi1>, vector<16xi32>
    %swap3A_118 = arith.constant 0 : i32
    %swap3A_119 = arith.index_cast %swap3A_118 : i32 to index
    %swap3A_120 = arith.constant 32 : index
    %swap3A_121 = tpu.vector_load %arg15[%swap3A_119, %swap3A_120] {strides = array<i32>} : memref<4x128xi32, #tpu.memory_space<vmem>>, vector<1x16xi32>,
    %swap3A_122 = vector.shape_cast %swap3A_121 : vector<1x16xi32> to vector<16xi32>
    %swap3A_123 = vector.shape_cast %select_n3A_117 : vector<16xi32> to vector<1x16xi32>
    tpu.vector_store %arg15[%swap3A_119, %swap3A_120], %swap3A_123 {strides = array<i32>} : memref<4x128xi32, #tpu.memory_space<vmem>>, vector<1x16xi32>,
    %eq3A_124 = arith.constant 0 : i32
    %eq3A_125 = vector.broadcast %eq3A_124 : i32 to vector<16xi32>
    %eq3A_126 = arith.cmpi eq, %get3A_108, %eq3A_125 : vector<16xi32>
    %sub3A_127 = arith.constant 1 : i32
    %sub3A_128 = vector.broadcast %sub3A_127 : i32 to vector<16xi32>
    %sub3A_129 = arith.subi %get3A_108, %sub3A_128 : vector<16xi32>
    %jit3A_130 = arith.constant 99999 : i32
    %broadcast_in_dim3A_131 = vector.broadcast %jit3A_130 : i32 to vector<16xi32>
    %select_n3A_132 = arith.select %eq3A_126, %broadcast_in_dim3A_131, %sub3A_129 : vector<16xi1>, vector<16xi32>
    %swap3A_133 = arith.constant 0 : i32
    %swap3A_134 = arith.index_cast %swap3A_133 : i32 to index
    %swap3A_135 = arith.constant 32 : index
    %swap3A_136 = tpu.vector_load %arg16[%swap3A_134, %swap3A_135] {strides = array<i32>} : memref<4x128xi32, #tpu.memory_space<vmem>>, vector<1x16xi32>,
    %swap3A_137 = vector.shape_cast %swap3A_136 : vector<1x16xi32> to vector<16xi32>
    %swap3A_138 = vector.shape_cast %select_n3A_132 : vector<16xi32> to vector<1x16xi32>
    tpu.vector_store %arg16[%swap3A_134, %swap3A_135], %swap3A_138 {strides = array<i32>} : memref<4x128xi32, #tpu.memory_space<vmem>>, vector<1x16xi32>,
    %get3A_139 = arith.constant 0 : i32
    %get3A_140 = arith.index_cast %get3A_139 : i32 to index
    %get3A_141 = arith.constant 48 : index
    %get3A_142 = tpu.vector_load %arg13[%get3A_140, %get3A_141] {strides = array<i32>} : memref<4x128xi32, #tpu.memory_space<vmem>>, vector<1x16xi32>,
    %get3A_143 = vector.shape_cast %get3A_142 : vector<1x16xi32> to vector<16xi32>
    %get3A_144 = arith.constant 0 : i32
    %get3A_145 = arith.index_cast %get3A_144 : i32 to index
    %get3A_146 = arith.constant 48 : index
    %get3A_147 = tpu.vector_load %arg14[%get3A_145, %get3A_146] {strides = array<i32>} : memref<4x128xi32, #tpu.memory_space<vmem>>, vector<1x16xi32>,
    %get3A_148 = vector.shape_cast %get3A_147 : vector<1x16xi32> to vector<16xi32>
    %eq3A_149 = arith.constant 0 : i32
    %eq3A_150 = vector.broadcast %eq3A_149 : i32 to vector<16xi32>
    %eq3A_151 = arith.cmpi eq, %get3A_143, %eq3A_150 : vector<16xi32>
    %sub3A_152 = arith.constant 1 : i32
    %sub3A_153 = vector.broadcast %sub3A_152 : i32 to vector<16xi32>
    %sub3A_154 = arith.subi %get3A_143, %sub3A_153 : vector<16xi32>
    %jit3A_155 = arith.constant 99999 : i32
    %broadcast_in_dim3A_156 = vector.broadcast %jit3A_155 : i32 to vector<16xi32>
    %select_n3A_157 = arith.select %eq3A_151, %broadcast_in_dim3A_156, %sub3A_154 : vector<16xi1>, vector<16xi32>
    %swap3A_158 = arith.constant 0 : i32
    %swap3A_159 = arith.index_cast %swap3A_158 : i32 to index
    %swap3A_160 = arith.constant 48 : index
    %swap3A_161 = tpu.vector_load %arg15[%swap3A_159, %swap3A_160] {strides = array<i32>} : memref<4x128xi32, #tpu.memory_space<vmem>>, vector<1x16xi32>,
    %swap3A_162 = vector.shape_cast %swap3A_161 : vector<1x16xi32> to vector<16xi32>
    %swap3A_163 = vector.shape_cast %select_n3A_157 : vector<16xi32> to vector<1x16xi32>
    tpu.vector_store %arg15[%swap3A_159, %swap3A_160], %swap3A_163 {strides = array<i32>} : memref<4x128xi32, #tpu.memory_space<vmem>>, vector<1x16xi32>,
    %eq3A_164 = arith.constant 0 : i32
    %eq3A_165 = vector.broadcast %eq3A_164 : i32 to vector<16xi32>
    %eq3A_166 = arith.cmpi eq, %get3A_148, %eq3A_165 : vector<16xi32>
    %sub3A_167 = arith.constant 1 : i32
    %sub3A_168 = vector.broadcast %sub3A_167 : i32 to vector<16xi32>
    %sub3A_169 = arith.subi %get3A_148, %sub3A_168 : vector<16xi32>
    %jit3A_170 = arith.constant 99999 : i32
    %broadcast_in_dim3A_171 = vector.broadcast %jit3A_170 : i32 to vector<16xi32>
    %select_n3A_172 = arith.select %eq3A_166, %broadcast_in_dim3A_171, %sub3A_169 : vector<16xi1>, vector<16xi32>
    %swap3A_173 = arith.constant 0 : i32
    %swap3A_174 = arith.index_cast %swap3A_173 : i32 to index
    %swap3A_175 = arith.constant 48 : index
    %swap3A_176 = tpu.vector_load %arg16[%swap3A_174, %swap3A_175] {strides = array<i32>} : memref<4x128xi32, #tpu.memory_space<vmem>>, vector<1x16xi32>,
    %swap3A_177 = vector.shape_cast %swap3A_176 : vector<1x16xi32> to vector<16xi32>
    %swap3A_178 = vector.shape_cast %select_n3A_172 : vector<16xi32> to vector<1x16xi32>
    tpu.vector_store %arg16[%swap3A_174, %swap3A_175], %swap3A_178 {strides = array<i32>} : memref<4x128xi32, #tpu.memory_space<vmem>>, vector<1x16xi32>,
    %get3A_179 = arith.constant 0 : i32
    %get3A_180 = arith.index_cast %get3A_179 : i32 to index
    %get3A_181 = arith.constant 64 : index
    %get3A_182 = tpu.vector_load %arg13[%get3A_180, %get3A_181] {strides = array<i32>} : memref<4x128xi32, #tpu.memory_space<vmem>>, vector<1x16xi32>,
    %get3A_183 = vector.shape_cast %get3A_182 : vector<1x16xi32> to vector<16xi32>
    %get3A_184 = arith.constant 0 : i32
    %get3A_185 = arith.index_cast %get3A_184 : i32 to index
    %get3A_186 = arith.constant 64 : index
    %get3A_187 = tpu.vector_load %arg14[%get3A_185, %get3A_186] {strides = array<i32>} : memref<4x128xi32, #tpu.memory_space<vmem>>, vector<1x16xi32>,
    %get3A_188 = vector.shape_cast %get3A_187 : vector<1x16xi32> to vector<16xi32>
    %eq3A_189 = arith.constant 0 : i32
    %eq3A_190 = vector.broadcast %eq3A_189 : i32 to vector<16xi32>
    %eq3A_191 = arith.cmpi eq, %get3A_183, %eq3A_190 : vector<16xi32>
    %sub3A_192 = arith.constant 1 : i32
    %sub3A_193 = vector.broadcast %sub3A_192 : i32 to vector<16xi32>
    %sub3A_194 = arith.subi %get3A_183, %sub3A_193 : vector<16xi32>
    %jit3A_195 = arith.constant 99999 : i32
    %broadcast_in_dim3A_196 = vector.broadcast %jit3A_195 : i32 to vector<16xi32>
    %select_n3A_197 = arith.select %eq3A_191, %broadcast_in_dim3A_196, %sub3A_194 : vector<16xi1>, vector<16xi32>
    %swap3A_198 = arith.constant 0 : i32
    %swap3A_199 = arith.index_cast %swap3A_198 : i32 to index
    %swap3A_200 = arith.constant 64 : index
    %swap3A_201 = tpu.vector_load %arg15[%swap3A_199, %swap3A_200] {strides = array<i32>} : memref<4x128xi32, #tpu.memory_space<vmem>>, vector<1x16xi32>,
    %swap3A_202 = vector.shape_cast %swap3A_201 : vector<1x16xi32> to vector<16xi32>
    %swap3A_203 = vector.shape_cast %select_n3A_197 : vector<16xi32> to vector<1x16xi32>
    tpu.vector_store %arg15[%swap3A_199, %swap3A_200], %swap3A_203 {strides = array<i32>} : memref<4x128xi32, #tpu.memory_space<vmem>>, vector<1x16xi32>,
    %eq3A_204 = arith.constant 0 : i32
    %eq3A_205 = vector.broadcast %eq3A_204 : i32 to vector<16xi32>
    %eq3A_206 = arith.cmpi eq, %get3A_188, %eq3A_205 : vector<16xi32>
    %sub3A_207 = arith.constant 1 : i32
    %sub3A_208 = vector.broadcast %sub3A_207 : i32 to vector<16xi32>
    %sub3A_209 = arith.subi %get3A_188, %sub3A_208 : vector<16xi32>
    %jit3A_210 = arith.constant 99999 : i32
    %broadcast_in_dim3A_211 = vector.broadcast %jit3A_210 : i32 to vector<16xi32>
    %select_n3A_212 = arith.select %eq3A_206, %broadcast_in_dim3A_211, %sub3A_209 : vector<16xi1>, vector<16xi32>
    %swap3A_213 = arith.constant 0 : i32
    %swap3A_214 = arith.index_cast %swap3A_213 : i32 to index
    %swap3A_215 = arith.constant 64 : index
    %swap3A_216 = tpu.vector_load %arg16[%swap3A_214, %swap3A_215] {strides = array<i32>} : memref<4x128xi32, #tpu.memory_space<vmem>>, vector<1x16xi32>,
    %swap3A_217 = vector.shape_cast %swap3A_216 : vector<1x16xi32> to vector<16xi32>
    %swap3A_218 = vector.shape_cast %select_n3A_212 : vector<16xi32> to vector<1x16xi32>
    tpu.vector_store %arg16[%swap3A_214, %swap3A_215], %swap3A_218 {strides = array<i32>} : memref<4x128xi32, #tpu.memory_space<vmem>>, vector<1x16xi32>,
    %get3A_219 = arith.constant 0 : i32
    %get3A_220 = arith.index_cast %get3A_219 : i32 to index
    %get3A_221 = arith.constant 80 : index
    %get3A_222 = tpu.vector_load %arg13[%get3A_220, %get3A_221] {strides = array<i32>} : memref<4x128xi32, #tpu.memory_space<vmem>>, vector<1x16xi32>,
    %get3A_223 = vector.shape_cast %get3A_222 : vector<1x16xi32> to vector<16xi32>
    %get3A_224 = arith.constant 0 : i32
    %get3A_225 = arith.index_cast %get3A_224 : i32 to index
    %get3A_226 = arith.constant 80 : index
    %get3A_227 = tpu.vector_load %arg14[%get3A_225, %get3A_226] {strides = array<i32>} : memref<4x128xi32, #tpu.memory_space<vmem>>, vector<1x16xi32>,
    %get3A_228 = vector.shape_cast %get3A_227 : vector<1x16xi32> to vector<16xi32>
    %eq3A_229 = arith.constant 0 : i32
    %eq3A_230 = vector.broadcast %eq3A_229 : i32 to vector<16xi32>
    %eq3A_231 = arith.cmpi eq, %get3A_223, %eq3A_230 : vector<16xi32>
    %sub3A_232 = arith.constant 1 : i32
    %sub3A_233 = vector.broadcast %sub3A_232 : i32 to vector<16xi32>
    %sub3A_234 = arith.subi %get3A_223, %sub3A_233 : vector<16xi32>
    %jit3A_235 = arith.constant 99999 : i32
    %broadcast_in_dim3A_236 = vector.broadcast %jit3A_235 : i32 to vector<16xi32>
    %select_n3A_237 = arith.select %eq3A_231, %broadcast_in_dim3A_236, %sub3A_234 : vector<16xi1>, vector<16xi32>
    %swap3A_238 = arith.constant 0 : i32
    %swap3A_239 = arith.index_cast %swap3A_238 : i32 to index
    %swap3A_240 = arith.constant 80 : index
    %swap3A_241 = tpu.vector_load %arg15[%swap3A_239, %swap3A_240] {strides = array<i32>} : memref<4x128xi32, #tpu.memory_space<vmem>>, vector<1x16xi32>,
    %swap3A_242 = vector.shape_cast %swap3A_241 : vector<1x16xi32> to vector<16xi32>
    %swap3A_243 = vector.shape_cast %select_n3A_237 : vector<16xi32> to vector<1x16xi32>
    tpu.vector_store %arg15[%swap3A_239, %swap3A_240], %swap3A_243 {strides = array<i32>} : memref<4x128xi32, #tpu.memory_space<vmem>>, vector<1x16xi32>,
    %eq3A_244 = arith.constant 0 : i32
    %eq3A_245 = vector.broadcast %eq3A_244 : i32 to vector<16xi32>
    %eq3A_246 = arith.cmpi eq, %get3A_228, %eq3A_245 : vector<16xi32>
    %sub3A_247 = arith.constant 1 : i32
    %sub3A_248 = vector.broadcast %sub3A_247 : i32 to vector<16xi32>
    %sub3A_249 = arith.subi %get3A_228, %sub3A_248 : vector<16xi32>
    %jit3A_250 = arith.constant 99999 : i32
    %broadcast_in_dim3A_251 = vector.broadcast %jit3A_250 : i32 to vector<16xi32>
    %select_n3A_252 = arith.select %eq3A_246, %broadcast_in_dim3A_251, %sub3A_249 : vector<16xi1>, vector<16xi32>
    %swap3A_253 = arith.constant 0 : i32
    %swap3A_254 = arith.index_cast %swap3A_253 : i32 to index
    %swap3A_255 = arith.constant 80 : index
    %swap3A_256 = tpu.vector_load %arg16[%swap3A_254, %swap3A_255] {strides = array<i32>} : memref<4x128xi32, #tpu.memory_space<vmem>>, vector<1x16xi32>,
    %swap3A_257 = vector.shape_cast %swap3A_256 : vector<1x16xi32> to vector<16xi32>
    %swap3A_258 = vector.shape_cast %select_n3A_252 : vector<16xi32> to vector<1x16xi32>
    tpu.vector_store %arg16[%swap3A_254, %swap3A_255], %swap3A_258 {strides = array<i32>} : memref<4x128xi32, #tpu.memory_space<vmem>>, vector<1x16xi32>,
    %get3A_259 = arith.constant 0 : i32
    %get3A_260 = arith.index_cast %get3A_259 : i32 to index
    %get3A_261 = arith.constant 96 : index
    %get3A_262 = tpu.vector_load %arg13[%get3A_260, %get3A_261] {strides = array<i32>} : memref<4x128xi32, #tpu.memory_space<vmem>>, vector<1x16xi32>,
    %get3A_263 = vector.shape_cast %get3A_262 : vector<1x16xi32> to vector<16xi32>
    %get3A_264 = arith.constant 0 : i32
    %get3A_265 = arith.index_cast %get3A_264 : i32 to index
    %get3A_266 = arith.constant 96 : index
    %get3A_267 = tpu.vector_load %arg14[%get3A_265, %get3A_266] {strides = array<i32>} : memref<4x128xi32, #tpu.memory_space<vmem>>, vector<1x16xi32>,
    %get3A_268 = vector.shape_cast %get3A_267 : vector<1x16xi32> to vector<16xi32>
    %eq3A_269 = arith.constant 0 : i32
    %eq3A_270 = vector.broadcast %eq3A_269 : i32 to vector<16xi32>
    %eq3A_271 = arith.cmpi eq, %get3A_263, %eq3A_270 : vector<16xi32>
    %sub3A_272 = arith.constant 1 : i32
    %sub3A_273 = vector.broadcast %sub3A_272 : i32 to vector<16xi32>
    %sub3A_274 = arith.subi %get3A_263, %sub3A_273 : vector<16xi32>
    %jit3A_275 = arith.constant 99999 : i32
    %broadcast_in_dim3A_276 = vector.broadcast %jit3A_275 : i32 to vector<16xi32>
    %select_n3A_277 = arith.select %eq3A_271, %broadcast_in_dim3A_276, %sub3A_274 : vector<16xi1>, vector<16xi32>
    %swap3A_278 = arith.constant 0 : i32
    %swap3A_279 = arith.index_cast %swap3A_278 : i32 to index
    %swap3A_280 = arith.constant 96 : index
    %swap3A_281 = tpu.vector_load %arg15[%swap3A_279, %swap3A_280] {strides = array<i32>} : memref<4x128xi32, #tpu.memory_space<vmem>>, vector<1x16xi32>,
    %swap3A_282 = vector.shape_cast %swap3A_281 : vector<1x16xi32> to vector<16xi32>
    %swap3A_283 = vector.shape_cast %select_n3A_277 : vector<16xi32> to vector<1x16xi32>
    tpu.vector_store %arg15[%swap3A_279, %swap3A_280], %swap3A_283 {strides = array<i32>} : memref<4x128xi32, #tpu.memory_space<vmem>>, vector<1x16xi32>,
    %eq3A_284 = arith.constant 0 : i32
    %eq3A_285 = vector.broadcast %eq3A_284 : i32 to vector<16xi32>
    %eq3A_286 = arith.cmpi eq, %get3A_268, %eq3A_285 : vector<16xi32>
    %sub3A_287 = arith.constant 1 : i32
    %sub3A_288 = vector.broadcast %sub3A_287 : i32 to vector<16xi32>
    %sub3A_289 = arith.subi %get3A_268, %sub3A_288 : vector<16xi32>
    %jit3A_290 = arith.constant 99999 : i32
    %broadcast_in_dim3A_291 = vector.broadcast %jit3A_290 : i32 to vector<16xi32>
    %select_n3A_292 = arith.select %eq3A_286, %broadcast_in_dim3A_291, %sub3A_289 : vector<16xi1>, vector<16xi32>
    %swap3A_293 = arith.constant 0 : i32
    %swap3A_294 = arith.index_cast %swap3A_293 : i32 to index
    %swap3A_295 = arith.constant 96 : index
    %swap3A_296 = tpu.vector_load %arg16[%swap3A_294, %swap3A_295] {strides = array<i32>} : memref<4x128xi32, #tpu.memory_space<vmem>>, vector<1x16xi32>,
    %swap3A_297 = vector.shape_cast %swap3A_296 : vector<1x16xi32> to vector<16xi32>
    %swap3A_298 = vector.shape_cast %select_n3A_292 : vector<16xi32> to vector<1x16xi32>
    tpu.vector_store %arg16[%swap3A_294, %swap3A_295], %swap3A_298 {strides = array<i32>} : memref<4x128xi32, #tpu.memory_space<vmem>>, vector<1x16xi32>,
    %get3A_299 = arith.constant 0 : i32
    %get3A_300 = arith.index_cast %get3A_299 : i32 to index
    %get3A_301 = arith.constant 112 : index
    %get3A_302 = tpu.vector_load %arg13[%get3A_300, %get3A_301] {strides = array<i32>} : memref<4x128xi32, #tpu.memory_space<vmem>>, vector<1x16xi32>,
    %get3A_303 = vector.shape_cast %get3A_302 : vector<1x16xi32> to vector<16xi32>
    %get3A_304 = arith.constant 0 : i32
    %get3A_305 = arith.index_cast %get3A_304 : i32 to index
    %get3A_306 = arith.constant 112 : index
    %get3A_307 = tpu.vector_load %arg14[%get3A_305, %get3A_306] {strides = array<i32>} : memref<4x128xi32, #tpu.memory_space<vmem>>, vector<1x16xi32>,
    %get3A_308 = vector.shape_cast %get3A_307 : vector<1x16xi32> to vector<16xi32>
    %eq3A_309 = arith.constant 0 : i32
    %eq3A_310 = vector.broadcast %eq3A_309 : i32 to vector<16xi32>
    %eq3A_311 = arith.cmpi eq, %get3A_303, %eq3A_310 : vector<16xi32>
    %sub3A_312 = arith.constant 1 : i32
    %sub3A_313 = vector.broadcast %sub3A_312 : i32 to vector<16xi32>
    %sub3A_314 = arith.subi %get3A_303, %sub3A_313 : vector<16xi32>
    %jit3A_315 = arith.constant 99999 : i32
    %broadcast_in_dim3A_316 = vector.broadcast %jit3A_315 : i32 to vector<16xi32>
    %select_n3A_317 = arith.select %eq3A_311, %broadcast_in_dim3A_316, %sub3A_314 : vector<16xi1>, vector<16xi32>
    %swap3A_318 = arith.constant 0 : i32
    %swap3A_319 = arith.index_cast %swap3A_318 : i32 to index
    %swap3A_320 = arith.constant 112 : index
    %swap3A_321 = tpu.vector_load %arg15[%swap3A_319, %swap3A_320] {strides = array<i32>} : memref<4x128xi32, #tpu.memory_space<vmem>>, vector<1x16xi32>,
    %swap3A_322 = vector.shape_cast %swap3A_321 : vector<1x16xi32> to vector<16xi32>
    %swap3A_323 = vector.shape_cast %select_n3A_317 : vector<16xi32> to vector<1x16xi32>
    tpu.vector_store %arg15[%swap3A_319, %swap3A_320], %swap3A_323 {strides = array<i32>} : memref<4x128xi32, #tpu.memory_space<vmem>>, vector<1x16xi32>,
    %eq3A_324 = arith.constant 0 : i32
    %eq3A_325 = vector.broadcast %eq3A_324 : i32 to vector<16xi32>
    %eq3A_326 = arith.cmpi eq, %get3A_308, %eq3A_325 : vector<16xi32>
    %sub3A_327 = arith.constant 1 : i32
    %sub3A_328 = vector.broadcast %sub3A_327 : i32 to vector<16xi32>
    %sub3A_329 = arith.subi %get3A_308, %sub3A_328 : vector<16xi32>
    %jit3A_330 = arith.constant 99999 : i32
    %broadcast_in_dim3A_331 = vector.broadcast %jit3A_330 : i32 to vector<16xi32>
    %select_n3A_332 = arith.select %eq3A_326, %broadcast_in_dim3A_331, %sub3A_329 : vector<16xi1>, vector<16xi32>
    %swap3A_333 = arith.constant 0 : i32
    %swap3A_334 = arith.index_cast %swap3A_333 : i32 to index
    %swap3A_335 = arith.constant 112 : index
    %swap3A_336 = tpu.vector_load %arg16[%swap3A_334, %swap3A_335] {strides = array<i32>} : memref<4x128xi32, #tpu.memory_space<vmem>>, vector<1x16xi32>,
    %swap3A_337 = vector.shape_cast %swap3A_336 : vector<1x16xi32> to vector<16xi32>
    %swap3A_338 = vector.shape_cast %select_n3A_332 : vector<16xi32> to vector<1x16xi32>
    tpu.vector_store %arg16[%swap3A_334, %swap3A_335], %swap3A_338 {strides = array<i32>} : memref<4x128xi32, #tpu.memory_space<vmem>>, vector<1x16xi32>,
    %get3A_339 = arith.constant 1 : i32
    %get3A_340 = arith.index_cast %get3A_339 : i32 to index
    %get3A_341 = arith.constant 0 : index
    %get3A_342 = tpu.vector_load %arg13[%get3A_340, %get3A_341] {strides = array<i32>} : memref<4x128xi32, #tpu.memory_space<vmem>>, vector<1x16xi32>,
    %get3A_343 = vector.shape_cast %get3A_342 : vector<1x16xi32> to vector<16xi32>
    %get3A_344 = arith.constant 1 : i32
    %get3A_345 = arith.index_cast %get3A_344 : i32 to index
    %get3A_346 = arith.constant 0 : index
    %get3A_347 = tpu.vector_load %arg14[%get3A_345, %get3A_346] {strides = array<i32>} : memref<4x128xi32, #tpu.memory_space<vmem>>, vector<1x16xi32>,
    %get3A_348 = vector.shape_cast %get3A_347 : vector<1x16xi32> to vector<16xi32>
    %eq3A_349 = arith.constant 0 : i32
    %eq3A_350 = vector.broadcast %eq3A_349 : i32 to vector<16xi32>
    %eq3A_351 = arith.cmpi eq, %get3A_343, %eq3A_350 : vector<16xi32>
    %sub3A_352 = arith.constant 1 : i32
    %sub3A_353 = vector.broadcast %sub3A_352 : i32 to vector<16xi32>
    %sub3A_354 = arith.subi %get3A_343, %sub3A_353 : vector<16xi32>
    %jit3A_355 = arith.constant 99999 : i32
    %broadcast_in_dim3A_356 = vector.broadcast %jit3A_355 : i32 to vector<16xi32>
    %select_n3A_357 = arith.select %eq3A_351, %broadcast_in_dim3A_356, %sub3A_354 : vector<16xi1>, vector<16xi32>
    %swap3A_358 = arith.constant 1 : i32
    %swap3A_359 = arith.index_cast %swap3A_358 : i32 to index
    %swap3A_360 = arith.constant 0 : index
    %swap3A_361 = tpu.vector_load %arg15[%swap3A_359, %swap3A_360] {strides = array<i32>} : memref<4x128xi32, #tpu.memory_space<vmem>>, vector<1x16xi32>,
    %swap3A_362 = vector.shape_cast %swap3A_361 : vector<1x16xi32> to vector<16xi32>
    %swap3A_363 = vector.shape_cast %select_n3A_357 : vector<16xi32> to vector<1x16xi32>
    tpu.vector_store %arg15[%swap3A_359, %swap3A_360], %swap3A_363 {strides = array<i32>} : memref<4x128xi32, #tpu.memory_space<vmem>>, vector<1x16xi32>,
    %eq3A_364 = arith.constant 0 : i32
    %eq3A_365 = vector.broadcast %eq3A_364 : i32 to vector<16xi32>
    %eq3A_366 = arith.cmpi eq, %get3A_348, %eq3A_365 : vector<16xi32>
    %sub3A_367 = arith.constant 1 : i32
    %sub3A_368 = vector.broadcast %sub3A_367 : i32 to vector<16xi32>
    %sub3A_369 = arith.subi %get3A_348, %sub3A_368 : vector<16xi32>
    %jit3A_370 = arith.constant 99999 : i32
    %broadcast_in_dim3A_371 = vector.broadcast %jit3A_370 : i32 to vector<16xi32>
    %select_n3A_372 = arith.select %eq3A_366, %broadcast_in_dim3A_371, %sub3A_369 : vector<16xi1>, vector<16xi32>
    %swap3A_373 = arith.constant 1 : i32
    %swap3A_374 = arith.index_cast %swap3A_373 : i32 to index
    %swap3A_375 = arith.constant 0 : index
    %swap3A_376 = tpu.vector_load %arg16[%swap3A_374, %swap3A_375] {strides = array<i32>} : memref<4x128xi32, #tpu.memory_space<vmem>>, vector<1x16xi32>,
    %swap3A_377 = vector.shape_cast %swap3A_376 : vector<1x16xi32> to vector<16xi32>
    %swap3A_378 = vector.shape_cast %select_n3A_372 : vector<16xi32> to vector<1x16xi32>
    tpu.vector_store %arg16[%swap3A_374, %swap3A_375], %swap3A_378 {strides = array<i32>} : memref<4x128xi32, #tpu.memory_space<vmem>>, vector<1x16xi32>,
    %get3A_379 = arith.constant 1 : i32
    %get3A_380 = arith.index_cast %get3A_379 : i32 to index
    %get3A_381 = arith.constant 16 : index
    %get3A_382 = tpu.vector_load %arg13[%get3A_380, %get3A_381] {strides = array<i32>} : memref<4x128xi32, #tpu.memory_space<vmem>>, vector<1x16xi32>,
    %get3A_383 = vector.shape_cast %get3A_382 : vector<1x16xi32> to vector<16xi32>
    %get3A_384 = arith.constant 1 : i32
    %get3A_385 = arith.index_cast %get3A_384 : i32 to index
    %get3A_386 = arith.constant 16 : index
    %get3A_387 = tpu.vector_load %arg14[%get3A_385, %get3A_386] {strides = array<i32>} : memref<4x128xi32, #tpu.memory_space<vmem>>, vector<1x16xi32>,
    %get3A_388 = vector.shape_cast %get3A_387 : vector<1x16xi32> to vector<16xi32>
    %eq3A_389 = arith.constant 0 : i32
    %eq3A_390 = vector.broadcast %eq3A_389 : i32 to vector<16xi32>
    %eq3A_391 = arith.cmpi eq, %get3A_383, %eq3A_390 : vector<16xi32>
    %sub3A_392 = arith.constant 1 : i32
    %sub3A_393 = vector.broadcast %sub3A_392 : i32 to vector<16xi32>
    %sub3A_394 = arith.subi %get3A_383, %sub3A_393 : vector<16xi32>
    %jit3A_395 = arith.constant 99999 : i32
    %broadcast_in_dim3A_396 = vector.broadcast %jit3A_395 : i32 to vector<16xi32>
    %select_n3A_397 = arith.select %eq3A_391, %broadcast_in_dim3A_396, %sub3A_394 : vector<16xi1>, vector<16xi32>
    %swap3A_398 = arith.constant 1 : i32
    %swap3A_399 = arith.index_cast %swap3A_398 : i32 to index
    %swap3A_400 = arith.constant 16 : index
    %swap3A_401 = tpu.vector_load %arg15[%swap3A_399, %swap3A_400] {strides = array<i32>} : memref<4x128xi32, #tpu.memory_space<vmem>>, vector<1x16xi32>,
    %swap3A_402 = vector.shape_cast %swap3A_401 : vector<1x16xi32> to vector<16xi32>
    %swap3A_403 = vector.shape_cast %select_n3A_397 : vector<16xi32> to vector<1x16xi32>
    tpu.vector_store %arg15[%swap3A_399, %swap3A_400], %swap3A_403 {strides = array<i32>} : memref<4x128xi32, #tpu.memory_space<vmem>>, vector<1x16xi32>,
    %eq3A_404 = arith.constant 0 : i32
    %eq3A_405 = vector.broadcast %eq3A_404 : i32 to vector<16xi32>
    %eq3A_406 = arith.cmpi eq, %get3A_388, %eq3A_405 : vector<16xi32>
    %sub3A_407 = arith.constant 1 : i32
    %sub3A_408 = vector.broadcast %sub3A_407 : i32 to vector<16xi32>
    %sub3A_409 = arith.subi %get3A_388, %sub3A_408 : vector<16xi32>
    %jit3A_410 = arith.constant 99999 : i32
    %broadcast_in_dim3A_411 = vector.broadcast %jit3A_410 : i32 to vector<16xi32>
    %select_n3A_412 = arith.select %eq3A_406, %broadcast_in_dim3A_411, %sub3A_409 : vector<16xi1>, vector<16xi32>
    %swap3A_413 = arith.constant 1 : i32
    %swap3A_414 = arith.index_cast %swap3A_413 : i32 to index
    %swap3A_415 = arith.constant 16 : index
    %swap3A_416 = tpu.vector_load %arg16[%swap3A_414, %swap3A_415] {strides = array<i32>} : memref<4x128xi32, #tpu.memory_space<vmem>>, vector<1x16xi32>,
    %swap3A_417 = vector.shape_cast %swap3A_416 : vector<1x16xi32> to vector<16xi32>
    %swap3A_418 = vector.shape_cast %select_n3A_412 : vector<16xi32> to vector<1x16xi32>
    tpu.vector_store %arg16[%swap3A_414, %swap3A_415], %swap3A_418 {strides = array<i32>} : memref<4x128xi32, #tpu.memory_space<vmem>>, vector<1x16xi32>,
    %get3A_419 = arith.constant 1 : i32
    %get3A_420 = arith.index_cast %get3A_419 : i32 to index
    %get3A_421 = arith.constant 32 : index
    %get3A_422 = tpu.vector_load %arg13[%get3A_420, %get3A_421] {strides = array<i32>} : memref<4x128xi32, #tpu.memory_space<vmem>>, vector<1x16xi32>,
    %get3A_423 = vector.shape_cast %get3A_422 : vector<1x16xi32> to vector<16xi32>
    %get3A_424 = arith.constant 1 : i32
    %get3A_425 = arith.index_cast %get3A_424 : i32 to index
    %get3A_426 = arith.constant 32 : index
    %get3A_427 = tpu.vector_load %arg14[%get3A_425, %get3A_426] {strides = array<i32>} : memref<4x128xi32, #tpu.memory_space<vmem>>, vector<1x16xi32>,
    %get3A_428 = vector.shape_cast %get3A_427 : vector<1x16xi32> to vector<16xi32>
    %eq3A_429 = arith.constant 0 : i32
    %eq3A_430 = vector.broadcast %eq3A_429 : i32 to vector<16xi32>
    %eq3A_431 = arith.cmpi eq, %get3A_423, %eq3A_430 : vector<16xi32>
    %sub3A_432 = arith.constant 1 : i32
    %sub3A_433 = vector.broadcast %sub3A_432 : i32 to vector<16xi32>
    %sub3A_434 = arith.subi %get3A_423, %sub3A_433 : vector<16xi32>
    %jit3A_435 = arith.constant 99999 : i32
    %broadcast_in_dim3A_436 = vector.broadcast %jit3A_435 : i32 to vector<16xi32>
    %select_n3A_437 = arith.select %eq3A_431, %broadcast_in_dim3A_436, %sub3A_434 : vector<16xi1>, vector<16xi32>
    %swap3A_438 = arith.constant 1 : i32
    %swap3A_439 = arith.index_cast %swap3A_438 : i32 to index
    %swap3A_440 = arith.constant 32 : index
    %swap3A_441 = tpu.vector_load %arg15[%swap3A_439, %swap3A_440] {strides = array<i32>} : memref<4x128xi32, #tpu.memory_space<vmem>>, vector<1x16xi32>,
    %swap3A_442 = vector.shape_cast %swap3A_441 : vector<1x16xi32> to vector<16xi32>
    %swap3A_443 = vector.shape_cast %select_n3A_437 : vector<16xi32> to vector<1x16xi32>
    tpu.vector_store %arg15[%swap3A_439, %swap3A_440], %swap3A_443 {strides = array<i32>} : memref<4x128xi32, #tpu.memory_space<vmem>>, vector<1x16xi32>,
    %eq3A_444 = arith.constant 0 : i32
    %eq3A_445 = vector.broadcast %eq3A_444 : i32 to vector<16xi32>
    %eq3A_446 = arith.cmpi eq, %get3A_428, %eq3A_445 : vector<16xi32>
    %sub3A_447 = arith.constant 1 : i32
    %sub3A_448 = vector.broadcast %sub3A_447 : i32 to vector<16xi32>
    %sub3A_449 = arith.subi %get3A_428, %sub3A_448 : vector<16xi32>
    %jit3A_450 = arith.constant 99999 : i32
    %broadcast_in_dim3A_451 = vector.broadcast %jit3A_450 : i32 to vector<16xi32>
    %select_n3A_452 = arith.select %eq3A_446, %broadcast_in_dim3A_451, %sub3A_449 : vector<16xi1>, vector<16xi32>
    %swap3A_453 = arith.constant 1 : i32
    %swap3A_454 = arith.index_cast %swap3A_453 : i32 to index
    %swap3A_455 = arith.constant 32 : index
    %swap3A_456 = tpu.vector_load %arg16[%swap3A_454, %swap3A_455] {strides = array<i32>} : memref<4x128xi32, #tpu.memory_space<vmem>>, vector<1x16xi32>,
    %swap3A_457 = vector.shape_cast %swap3A_456 : vector<1x16xi32> to vector<16xi32>
    %swap3A_458 = vector.shape_cast %select_n3A_452 : vector<16xi32> to vector<1x16xi32>
    tpu.vector_store %arg16[%swap3A_454, %swap3A_455], %swap3A_458 {strides = array<i32>} : memref<4x128xi32, #tpu.memory_space<vmem>>, vector<1x16xi32>,
    %get3A_459 = arith.constant 1 : i32
    %get3A_460 = arith.index_cast %get3A_459 : i32 to index
    %get3A_461 = arith.constant 48 : index
    %get3A_462 = tpu.vector_load %arg13[%get3A_460, %get3A_461] {strides = array<i32>} : memref<4x128xi32, #tpu.memory_space<vmem>>, vector<1x16xi32>,
    %get3A_463 = vector.shape_cast %get3A_462 : vector<1x16xi32> to vector<16xi32>
    %get3A_464 = arith.constant 1 : i32
    %get3A_465 = arith.index_cast %get3A_464 : i32 to index
    %get3A_466 = arith.constant 48 : index
    %get3A_467 = tpu.vector_load %arg14[%get3A_465, %get3A_466] {strides = array<i32>} : memref<4x128xi32, #tpu.memory_space<vmem>>, vector<1x16xi32>,
    %get3A_468 = vector.shape_cast %get3A_467 : vector<1x16xi32> to vector<16xi32>
    %eq3A_469 = arith.constant 0 : i32
    %eq3A_470 = vector.broadcast %eq3A_469 : i32 to vector<16xi32>
    %eq3A_471 = arith.cmpi eq, %get3A_463, %eq3A_470 : vector<16xi32>
    %sub3A_472 = arith.constant 1 : i32
    %sub3A_473 = vector.broadcast %sub3A_472 : i32 to vector<16xi32>
    %sub3A_474 = arith.subi %get3A_463, %sub3A_473 : vector<16xi32>
    %jit3A_475 = arith.constant 99999 : i32
    %broadcast_in_dim3A_476 = vector.broadcast %jit3A_475 : i32 to vector<16xi32>
    %select_n3A_477 = arith.select %eq3A_471, %broadcast_in_dim3A_476, %sub3A_474 : vector<16xi1>, vector<16xi32>
    %swap3A_478 = arith.constant 1 : i32
    %swap3A_479 = arith.index_cast %swap3A_478 : i32 to index
    %swap3A_480 = arith.constant 48 : index
    %swap3A_481 = tpu.vector_load %arg15[%swap3A_479, %swap3A_480] {strides = array<i32>} : memref<4x128xi32, #tpu.memory_space<vmem>>, vector<1x16xi32>,
    %swap3A_482 = vector.shape_cast %swap3A_481 : vector<1x16xi32> to vector<16xi32>
    %swap3A_483 = vector.shape_cast %select_n3A_477 : vector<16xi32> to vector<1x16xi32>
    tpu.vector_store %arg15[%swap3A_479, %swap3A_480], %swap3A_483 {strides = array<i32>} : memref<4x128xi32, #tpu.memory_space<vmem>>, vector<1x16xi32>,
    %eq3A_484 = arith.constant 0 : i32
    %eq3A_485 = vector.broadcast %eq3A_484 : i32 to vector<16xi32>
    %eq3A_486 = arith.cmpi eq, %get3A_468, %eq3A_485 : vector<16xi32>
    %sub3A_487 = arith.constant 1 : i32
    %sub3A_488 = vector.broadcast %sub3A_487 : i32 to vector<16xi32>
    %sub3A_489 = arith.subi %get3A_468, %sub3A_488 : vector<16xi32>
    %jit3A_490 = arith.constant 99999 : i32
    %broadcast_in_dim3A_491 = vector.broadcast %jit3A_490 : i32 to vector<16xi32>
    %select_n3A_492 = arith.select %eq3A_486, %broadcast_in_dim3A_491, %sub3A_489 : vector<16xi1>, vector<16xi32>
    %swap3A_493 = arith.constant 1 : i32
    %swap3A_494 = arith.index_cast %swap3A_493 : i32 to index
    %swap3A_495 = arith.constant 48 : index
    %swap3A_496 = tpu.vector_load %arg16[%swap3A_494, %swap3A_495] {strides = array<i32>} : memref<4x128xi32, #tpu.memory_space<vmem>>, vector<1x16xi32>,
    %swap3A_497 = vector.shape_cast %swap3A_496 : vector<1x16xi32> to vector<16xi32>
    %swap3A_498 = vector.shape_cast %select_n3A_492 : vector<16xi32> to vector<1x16xi32>
    tpu.vector_store %arg16[%swap3A_494, %swap3A_495], %swap3A_498 {strides = array<i32>} : memref<4x128xi32, #tpu.memory_space<vmem>>, vector<1x16xi32>,
    %get3A_499 = arith.constant 1 : i32
    %get3A_500 = arith.index_cast %get3A_499 : i32 to index
    %get3A_501 = arith.constant 64 : index
    %get3A_502 = tpu.vector_load %arg13[%get3A_500, %get3A_501] {strides = array<i32>} : memref<4x128xi32, #tpu.memory_space<vmem>>, vector<1x16xi32>,
    %get3A_503 = vector.shape_cast %get3A_502 : vector<1x16xi32> to vector<16xi32>
    %get3A_504 = arith.constant 1 : i32
    %get3A_505 = arith.index_cast %get3A_504 : i32 to index
    %get3A_506 = arith.constant 64 : index
    %get3A_507 = tpu.vector_load %arg14[%get3A_505, %get3A_506] {strides = array<i32>} : memref<4x128xi32, #tpu.memory_space<vmem>>, vector<1x16xi32>,
    %get3A_508 = vector.shape_cast %get3A_507 : vector<1x16xi32> to vector<16xi32>
    %eq3A_509 = arith.constant 0 : i32
    %eq3A_510 = vector.broadcast %eq3A_509 : i32 to vector<16xi32>
    %eq3A_511 = arith.cmpi eq, %get3A_503, %eq3A_510 : vector<16xi32>
    %sub3A_512 = arith.constant 1 : i32
    %sub3A_513 = vector.broadcast %sub3A_512 : i32 to vector<16xi32>
    %sub3A_514 = arith.subi %get3A_503, %sub3A_513 : vector<16xi32>
    %jit3A_515 = arith.constant 99999 : i32
    %broadcast_in_dim3A_516 = vector.broadcast %jit3A_515 : i32 to vector<16xi32>
    %select_n3A_517 = arith.select %eq3A_511, %broadcast_in_dim3A_516, %sub3A_514 : vector<16xi1>, vector<16xi32>
    %swap3A_518 = arith.constant 1 : i32
    %swap3A_519 = arith.index_cast %swap3A_518 : i32 to index
    %swap3A_520 = arith.constant 64 : index
    %swap3A_521 = tpu.vector_load %arg15[%swap3A_519, %swap3A_520] {strides = array<i32>} : memref<4x128xi32, #tpu.memory_space<vmem>>, vector<1x16xi32>,
    %swap3A_522 = vector.shape_cast %swap3A_521 : vector<1x16xi32> to vector<16xi32>
    %swap3A_523 = vector.shape_cast %select_n3A_517 : vector<16xi32> to vector<1x16xi32>
    tpu.vector_store %arg15[%swap3A_519, %swap3A_520], %swap3A_523 {strides = array<i32>} : memref<4x128xi32, #tpu.memory_space<vmem>>, vector<1x16xi32>,
    %eq3A_524 = arith.constant 0 : i32
    %eq3A_525 = vector.broadcast %eq3A_524 : i32 to vector<16xi32>
    %eq3A_526 = arith.cmpi eq, %get3A_508, %eq3A_525 : vector<16xi32>
    %sub3A_527 = arith.constant 1 : i32
    %sub3A_528 = vector.broadcast %sub3A_527 : i32 to vector<16xi32>
    %sub3A_529 = arith.subi %get3A_508, %sub3A_528 : vector<16xi32>
    %jit3A_530 = arith.constant 99999 : i32
    %broadcast_in_dim3A_531 = vector.broadcast %jit3A_530 : i32 to vector<16xi32>
    %select_n3A_532 = arith.select %eq3A_526, %broadcast_in_dim3A_531, %sub3A_529 : vector<16xi1>, vector<16xi32>
    %swap3A_533 = arith.constant 1 : i32
    %swap3A_534 = arith.index_cast %swap3A_533 : i32 to index
    %swap3A_535 = arith.constant 64 : index
    %swap3A_536 = tpu.vector_load %arg16[%swap3A_534, %swap3A_535] {strides = array<i32>} : memref<4x128xi32, #tpu.memory_space<vmem>>, vector<1x16xi32>,
    %swap3A_537 = vector.shape_cast %swap3A_536 : vector<1x16xi32> to vector<16xi32>
    %swap3A_538 = vector.shape_cast %select_n3A_532 : vector<16xi32> to vector<1x16xi32>
    tpu.vector_store %arg16[%swap3A_534, %swap3A_535], %swap3A_538 {strides = array<i32>} : memref<4x128xi32, #tpu.memory_space<vmem>>, vector<1x16xi32>,
    %get3A_539 = arith.constant 1 : i32
    %get3A_540 = arith.index_cast %get3A_539 : i32 to index
    %get3A_541 = arith.constant 80 : index
    %get3A_542 = tpu.vector_load %arg13[%get3A_540, %get3A_541] {strides = array<i32>} : memref<4x128xi32, #tpu.memory_space<vmem>>, vector<1x16xi32>,
    %get3A_543 = vector.shape_cast %get3A_542 : vector<1x16xi32> to vector<16xi32>
    %get3A_544 = arith.constant 1 : i32
    %get3A_545 = arith.index_cast %get3A_544 : i32 to index
    %get3A_546 = arith.constant 80 : index
    %get3A_547 = tpu.vector_load %arg14[%get3A_545, %get3A_546] {strides = array<i32>} : memref<4x128xi32, #tpu.memory_space<vmem>>, vector<1x16xi32>,
    %get3A_548 = vector.shape_cast %get3A_547 : vector<1x16xi32> to vector<16xi32>
    %eq3A_549 = arith.constant 0 : i32
    %eq3A_550 = vector.broadcast %eq3A_549 : i32 to vector<16xi32>
    %eq3A_551 = arith.cmpi eq, %get3A_543, %eq3A_550 : vector<16xi32>
    %sub3A_552 = arith.constant 1 : i32
    %sub3A_553 = vector.broadcast %sub3A_552 : i32 to vector<16xi32>
    %sub3A_554 = arith.subi %get3A_543, %sub3A_553 : vector<16xi32>
    %jit3A_555 = arith.constant 99999 : i32
    %broadcast_in_dim3A_556 = vector.broadcast %jit3A_555 : i32 to vector<16xi32>
    %select_n3A_557 = arith.select %eq3A_551, %broadcast_in_dim3A_556, %sub3A_554 : vector<16xi1>, vector<16xi32>
    %swap3A_558 = arith.constant 1 : i32
    %swap3A_559 = arith.index_cast %swap3A_558 : i32 to index
    %swap3A_560 = arith.constant 80 : index
    %swap3A_561 = tpu.vector_load %arg15[%swap3A_559, %swap3A_560] {strides = array<i32>} : memref<4x128xi32, #tpu.memory_space<vmem>>, vector<1x16xi32>,
    %swap3A_562 = vector.shape_cast %swap3A_561 : vector<1x16xi32> to vector<16xi32>
    %swap3A_563 = vector.shape_cast %select_n3A_557 : vector<16xi32> to vector<1x16xi32>
    tpu.vector_store %arg15[%swap3A_559, %swap3A_560], %swap3A_563 {strides = array<i32>} : memref<4x128xi32, #tpu.memory_space<vmem>>, vector<1x16xi32>,
    %eq3A_564 = arith.constant 0 : i32
    %eq3A_565 = vector.broadcast %eq3A_564 : i32 to vector<16xi32>
    %eq3A_566 = arith.cmpi eq, %get3A_548, %eq3A_565 : vector<16xi32>
    %sub3A_567 = arith.constant 1 : i32
    %sub3A_568 = vector.broadcast %sub3A_567 : i32 to vector<16xi32>
    %sub3A_569 = arith.subi %get3A_548, %sub3A_568 : vector<16xi32>
    %jit3A_570 = arith.constant 99999 : i32
    %broadcast_in_dim3A_571 = vector.broadcast %jit3A_570 : i32 to vector<16xi32>
    %select_n3A_572 = arith.select %eq3A_566, %broadcast_in_dim3A_571, %sub3A_569 : vector<16xi1>, vector<16xi32>
    %swap3A_573 = arith.constant 1 : i32
    %swap3A_574 = arith.index_cast %swap3A_573 : i32 to index
    %swap3A_575 = arith.constant 80 : index
    %swap3A_576 = tpu.vector_load %arg16[%swap3A_574, %swap3A_575] {strides = array<i32>} : memref<4x128xi32, #tpu.memory_space<vmem>>, vector<1x16xi32>,
    %swap3A_577 = vector.shape_cast %swap3A_576 : vector<1x16xi32> to vector<16xi32>
    %swap3A_578 = vector.shape_cast %select_n3A_572 : vector<16xi32> to vector<1x16xi32>
    tpu.vector_store %arg16[%swap3A_574, %swap3A_575], %swap3A_578 {strides = array<i32>} : memref<4x128xi32, #tpu.memory_space<vmem>>, vector<1x16xi32>,
    %get3A_579 = arith.constant 1 : i32
    %get3A_580 = arith.index_cast %get3A_579 : i32 to index
    %get3A_581 = arith.constant 96 : index
    %get3A_582 = tpu.vector_load %arg13[%get3A_580, %get3A_581] {strides = array<i32>} : memref<4x128xi32, #tpu.memory_space<vmem>>, vector<1x16xi32>,
    %get3A_583 = vector.shape_cast %get3A_582 : vector<1x16xi32> to vector<16xi32>
    %get3A_584 = arith.constant 1 : i32
    %get3A_585 = arith.index_cast %get3A_584 : i32 to index
    %get3A_586 = arith.constant 96 : index
    %get3A_587 = tpu.vector_load %arg14[%get3A_585, %get3A_586] {strides = array<i32>} : memref<4x128xi32, #tpu.memory_space<vmem>>, vector<1x16xi32>,
    %get3A_588 = vector.shape_cast %get3A_587 : vector<1x16xi32> to vector<16xi32>
    %eq3A_589 = arith.constant 0 : i32
    %eq3A_590 = vector.broadcast %eq3A_589 : i32 to vector<16xi32>
    %eq3A_591 = arith.cmpi eq, %get3A_583, %eq3A_590 : vector<16xi32>
    %sub3A_592 = arith.constant 1 : i32
    %sub3A_593 = vector.broadcast %sub3A_592 : i32 to vector<16xi32>
    %sub3A_594 = arith.subi %get3A_583, %sub3A_593 : vector<16xi32>
    %jit3A_595 = arith.constant 99999 : i32
    %broadcast_in_dim3A_596 = vector.broadcast %jit3A_595 : i32 to vector<16xi32>
    %select_n3A_597 = arith.select %eq3A_591, %broadcast_in_dim3A_596, %sub3A_594 : vector<16xi1>, vector<16xi32>
    %swap3A_598 = arith.constant 1 : i32
    %swap3A_599 = arith.index_cast %swap3A_598 : i32 to index
    %swap3A_600 = arith.constant 96 : index
    %swap3A_601 = tpu.vector_load %arg15[%swap3A_599, %swap3A_600] {strides = array<i32>} : memref<4x128xi32, #tpu.memory_space<vmem>>, vector<1x16xi32>,
    %swap3A_602 = vector.shape_cast %swap3A_601 : vector<1x16xi32> to vector<16xi32>
    %swap3A_603 = vector.shape_cast %select_n3A_597 : vector<16xi32> to vector<1x16xi32>
    tpu.vector_store %arg15[%swap3A_599, %swap3A_600], %swap3A_603 {strides = array<i32>} : memref<4x128xi32, #tpu.memory_space<vmem>>, vector<1x16xi32>,
    %eq3A_604 = arith.constant 0 : i32
    %eq3A_605 = vector.broadcast %eq3A_604 : i32 to vector<16xi32>
    %eq3A_606 = arith.cmpi eq, %get3A_588, %eq3A_605 : vector<16xi32>
    %sub3A_607 = arith.constant 1 : i32
    %sub3A_608 = vector.broadcast %sub3A_607 : i32 to vector<16xi32>
    %sub3A_609 = arith.subi %get3A_588, %sub3A_608 : vector<16xi32>
    %jit3A_610 = arith.constant 99999 : i32
    %broadcast_in_dim3A_611 = vector.broadcast %jit3A_610 : i32 to vector<16xi32>
    %select_n3A_612 = arith.select %eq3A_606, %broadcast_in_dim3A_611, %sub3A_609 : vector<16xi1>, vector<16xi32>
    %swap3A_613 = arith.constant 1 : i32
    %swap3A_614 = arith.index_cast %swap3A_613 : i32 to index
    %swap3A_615 = arith.constant 96 : index
    %swap3A_616 = tpu.vector_load %arg16[%swap3A_614, %swap3A_615] {strides = array<i32>} : memref<4x128xi32, #tpu.memory_space<vmem>>, vector<1x16xi32>,
    %swap3A_617 = vector.shape_cast %swap3A_616 : vector<1x16xi32> to vector<16xi32>
    %swap3A_618 = vector.shape_cast %select_n3A_612 : vector<16xi32> to vector<1x16xi32>
    tpu.vector_store %arg16[%swap3A_614, %swap3A_615], %swap3A_618 {strides = array<i32>} : memref<4x128xi32, #tpu.memory_space<vmem>>, vector<1x16xi32>,
    %get3A_619 = arith.constant 1 : i32
    %get3A_620 = arith.index_cast %get3A_619 : i32 to index
    %get3A_621 = arith.constant 112 : index
    %get3A_622 = tpu.vector_load %arg13[%get3A_620, %get3A_621] {strides = array<i32>} : memref<4x128xi32, #tpu.memory_space<vmem>>, vector<1x16xi32>,
    %get3A_623 = vector.shape_cast %get3A_622 : vector<1x16xi32> to vector<16xi32>
    %get3A_624 = arith.constant 1 : i32
    %get3A_625 = arith.index_cast %get3A_624 : i32 to index
    %get3A_626 = arith.constant 112 : index
    %get3A_627 = tpu.vector_load %arg14[%get3A_625, %get3A_626] {strides = array<i32>} : memref<4x128xi32, #tpu.memory_space<vmem>>, vector<1x16xi32>,
    %get3A_628 = vector.shape_cast %get3A_627 : vector<1x16xi32> to vector<16xi32>
    %eq3A_629 = arith.constant 0 : i32
    %eq3A_630 = vector.broadcast %eq3A_629 : i32 to vector<16xi32>
    %eq3A_631 = arith.cmpi eq, %get3A_623, %eq3A_630 : vector<16xi32>
    %sub3A_632 = arith.constant 1 : i32
    %sub3A_633 = vector.broadcast %sub3A_632 : i32 to vector<16xi32>
    %sub3A_634 = arith.subi %get3A_623, %sub3A_633 : vector<16xi32>
    %jit3A_635 = arith.constant 99999 : i32
    %broadcast_in_dim3A_636 = vector.broadcast %jit3A_635 : i32 to vector<16xi32>
    %select_n3A_637 = arith.select %eq3A_631, %broadcast_in_dim3A_636, %sub3A_634 : vector<16xi1>, vector<16xi32>
    %swap3A_638 = arith.constant 1 : i32
    %swap3A_639 = arith.index_cast %swap3A_638 : i32 to index
    %swap3A_640 = arith.constant 112 : index
    %swap3A_641 = tpu.vector_load %arg15[%swap3A_639, %swap3A_640] {strides = array<i32>} : memref<4x128xi32, #tpu.memory_space<vmem>>, vector<1x16xi32>,
    %swap3A_642 = vector.shape_cast %swap3A_641 : vector<1x16xi32> to vector<16xi32>
    %swap3A_643 = vector.shape_cast %select_n3A_637 : vector<16xi32> to vector<1x16xi32>
    tpu.vector_store %arg15[%swap3A_639, %swap3A_640], %swap3A_643 {strides = array<i32>} : memref<4x128xi32, #tpu.memory_space<vmem>>, vector<1x16xi32>,
    %eq3A_644 = arith.constant 0 : i32
    %eq3A_645 = vector.broadcast %eq3A_644 : i32 to vector<16xi32>
    %eq3A_646 = arith.cmpi eq, %get3A_628, %eq3A_645 : vector<16xi32>
    %sub3A_647 = arith.constant 1 : i32
    %sub3A_648 = vector.broadcast %sub3A_647 : i32 to vector<16xi32>
    %sub3A_649 = arith.subi %get3A_628, %sub3A_648 : vector<16xi32>
    %jit3A_650 = arith.constant 99999 : i32
    %broadcast_in_dim3A_651 = vector.broadcast %jit3A_650 : i32 to vector<16xi32>
    %select_n3A_652 = arith.select %eq3A_646, %broadcast_in_dim3A_651, %sub3A_649 : vector<16xi1>, vector<16xi32>
    %swap3A_653 = arith.constant 1 : i32
    %swap3A_654 = arith.index_cast %swap3A_653 : i32 to index
    %swap3A_655 = arith.constant 112 : index
    %swap3A_656 = tpu.vector_load %arg16[%swap3A_654, %swap3A_655] {strides = array<i32>} : memref<4x128xi32, #tpu.memory_space<vmem>>, vector<1x16xi32>,
    %swap3A_657 = vector.shape_cast %swap3A_656 : vector<1x16xi32> to vector<16xi32>
    %swap3A_658 = vector.shape_cast %select_n3A_652 : vector<16xi32> to vector<1x16xi32>
    tpu.vector_store %arg16[%swap3A_654, %swap3A_655], %swap3A_658 {strides = array<i32>} : memref<4x128xi32, #tpu.memory_space<vmem>>, vector<1x16xi32>,
    %get3A_659 = arith.constant 2 : i32
    %get3A_660 = arith.index_cast %get3A_659 : i32 to index
    %get3A_661 = arith.constant 0 : index
    %get3A_662 = tpu.vector_load %arg13[%get3A_660, %get3A_661] {strides = array<i32>} : memref<4x128xi32, #tpu.memory_space<vmem>>, vector<1x16xi32>,
    %get3A_663 = vector.shape_cast %get3A_662 : vector<1x16xi32> to vector<16xi32>
    %get3A_664 = arith.constant 2 : i32
    %get3A_665 = arith.index_cast %get3A_664 : i32 to index
    %get3A_666 = arith.constant 0 : index
    %get3A_667 = tpu.vector_load %arg14[%get3A_665, %get3A_666] {strides = array<i32>} : memref<4x128xi32, #tpu.memory_space<vmem>>, vector<1x16xi32>,
    %get3A_668 = vector.shape_cast %get3A_667 : vector<1x16xi32> to vector<16xi32>
    %eq3A_669 = arith.constant 0 : i32
    %eq3A_670 = vector.broadcast %eq3A_669 : i32 to vector<16xi32>
    %eq3A_671 = arith.cmpi eq, %get3A_663, %eq3A_670 : vector<16xi32>
    %sub3A_672 = arith.constant 1 : i32
    %sub3A_673 = vector.broadcast %sub3A_672 : i32 to vector<16xi32>
    %sub3A_674 = arith.subi %get3A_663, %sub3A_673 : vector<16xi32>
    %jit3A_675 = arith.constant 99999 : i32
    %broadcast_in_dim3A_676 = vector.broadcast %jit3A_675 : i32 to vector<16xi32>
    %select_n3A_677 = arith.select %eq3A_671, %broadcast_in_dim3A_676, %sub3A_674 : vector<16xi1>, vector<16xi32>
    %swap3A_678 = arith.constant 2 : i32
    %swap3A_679 = arith.index_cast %swap3A_678 : i32 to index
    %swap3A_680 = arith.constant 0 : index
    %swap3A_681 = tpu.vector_load %arg15[%swap3A_679, %swap3A_680] {strides = array<i32>} : memref<4x128xi32, #tpu.memory_space<vmem>>, vector<1x16xi32>,
    %swap3A_682 = vector.shape_cast %swap3A_681 : vector<1x16xi32> to vector<16xi32>
    %swap3A_683 = vector.shape_cast %select_n3A_677 : vector<16xi32> to vector<1x16xi32>
    tpu.vector_store %arg15[%swap3A_679, %swap3A_680], %swap3A_683 {strides = array<i32>} : memref<4x128xi32, #tpu.memory_space<vmem>>, vector<1x16xi32>,
    %eq3A_684 = arith.constant 0 : i32
    %eq3A_685 = vector.broadcast %eq3A_684 : i32 to vector<16xi32>
    %eq3A_686 = arith.cmpi eq, %get3A_668, %eq3A_685 : vector<16xi32>
    %sub3A_687 = arith.constant 1 : i32
    %sub3A_688 = vector.broadcast %sub3A_687 : i32 to vector<16xi32>
    %sub3A_689 = arith.subi %get3A_668, %sub3A_688 : vector<16xi32>
    %jit3A_690 = arith.constant 99999 : i32
    %broadcast_in_dim3A_691 = vector.broadcast %jit3A_690 : i32 to vector<16xi32>
    %select_n3A_692 = arith.select %eq3A_686, %broadcast_in_dim3A_691, %sub3A_689 : vector<16xi1>, vector<16xi32>
    %swap3A_693 = arith.constant 2 : i32
    %swap3A_694 = arith.index_cast %swap3A_693 : i32 to index
    %swap3A_695 = arith.constant 0 : index
    %swap3A_696 = tpu.vector_load %arg16[%swap3A_694, %swap3A_695] {strides = array<i32>} : memref<4x128xi32, #tpu.memory_space<vmem>>, vector<1x16xi32>,
    %swap3A_697 = vector.shape_cast %swap3A_696 : vector<1x16xi32> to vector<16xi32>
    %swap3A_698 = vector.shape_cast %select_n3A_692 : vector<16xi32> to vector<1x16xi32>
    tpu.vector_store %arg16[%swap3A_694, %swap3A_695], %swap3A_698 {strides = array<i32>} : memref<4x128xi32, #tpu.memory_space<vmem>>, vector<1x16xi32>,
    %get3A_699 = arith.constant 2 : i32
    %get3A_700 = arith.index_cast %get3A_699 : i32 to index
    %get3A_701 = arith.constant 16 : index
    %get3A_702 = tpu.vector_load %arg13[%get3A_700, %get3A_701] {strides = array<i32>} : memref<4x128xi32, #tpu.memory_space<vmem>>, vector<1x16xi32>,
    %get3A_703 = vector.shape_cast %get3A_702 : vector<1x16xi32> to vector<16xi32>
    %get3A_704 = arith.constant 2 : i32
    %get3A_705 = arith.index_cast %get3A_704 : i32 to index
    %get3A_706 = arith.constant 16 : index
    %get3A_707 = tpu.vector_load %arg14[%get3A_705, %get3A_706] {strides = array<i32>} : memref<4x128xi32, #tpu.memory_space<vmem>>, vector<1x16xi32>,
    %get3A_708 = vector.shape_cast %get3A_707 : vector<1x16xi32> to vector<16xi32>
    %eq3A_709 = arith.constant 0 : i32
    %eq3A_710 = vector.broadcast %eq3A_709 : i32 to vector<16xi32>
    %eq3A_711 = arith.cmpi eq, %get3A_703, %eq3A_710 : vector<16xi32>
    %sub3A_712 = arith.constant 1 : i32
    %sub3A_713 = vector.broadcast %sub3A_712 : i32 to vector<16xi32>
    %sub3A_714 = arith.subi %get3A_703, %sub3A_713 : vector<16xi32>
    %jit3A_715 = arith.constant 99999 : i32
    %broadcast_in_dim3A_716 = vector.broadcast %jit3A_715 : i32 to vector<16xi32>
    %select_n3A_717 = arith.select %eq3A_711, %broadcast_in_dim3A_716, %sub3A_714 : vector<16xi1>, vector<16xi32>
    %swap3A_718 = arith.constant 2 : i32
    %swap3A_719 = arith.index_cast %swap3A_718 : i32 to index
    %swap3A_720 = arith.constant 16 : index
    %swap3A_721 = tpu.vector_load %arg15[%swap3A_719, %swap3A_720] {strides = array<i32>} : memref<4x128xi32, #tpu.memory_space<vmem>>, vector<1x16xi32>,
    %swap3A_722 = vector.shape_cast %swap3A_721 : vector<1x16xi32> to vector<16xi32>
    %swap3A_723 = vector.shape_cast %select_n3A_717 : vector<16xi32> to vector<1x16xi32>
    tpu.vector_store %arg15[%swap3A_719, %swap3A_720], %swap3A_723 {strides = array<i32>} : memref<4x128xi32, #tpu.memory_space<vmem>>, vector<1x16xi32>,
    %eq3A_724 = arith.constant 0 : i32
    %eq3A_725 = vector.broadcast %eq3A_724 : i32 to vector<16xi32>
    %eq3A_726 = arith.cmpi eq, %get3A_708, %eq3A_725 : vector<16xi32>
    %sub3A_727 = arith.constant 1 : i32
    %sub3A_728 = vector.broadcast %sub3A_727 : i32 to vector<16xi32>
    %sub3A_729 = arith.subi %get3A_708, %sub3A_728 : vector<16xi32>
    %jit3A_730 = arith.constant 99999 : i32
    %broadcast_in_dim3A_731 = vector.broadcast %jit3A_730 : i32 to vector<16xi32>
    %select_n3A_732 = arith.select %eq3A_726, %broadcast_in_dim3A_731, %sub3A_729 : vector<16xi1>, vector<16xi32>
    %swap3A_733 = arith.constant 2 : i32
    %swap3A_734 = arith.index_cast %swap3A_733 : i32 to index
    %swap3A_735 = arith.constant 16 : index
    %swap3A_736 = tpu.vector_load %arg16[%swap3A_734, %swap3A_735] {strides = array<i32>} : memref<4x128xi32, #tpu.memory_space<vmem>>, vector<1x16xi32>,
    %swap3A_737 = vector.shape_cast %swap3A_736 : vector<1x16xi32> to vector<16xi32>
    %swap3A_738 = vector.shape_cast %select_n3A_732 : vector<16xi32> to vector<1x16xi32>
    tpu.vector_store %arg16[%swap3A_734, %swap3A_735], %swap3A_738 {strides = array<i32>} : memref<4x128xi32, #tpu.memory_space<vmem>>, vector<1x16xi32>,
    %get3A_739 = arith.constant 2 : i32
    %get3A_740 = arith.index_cast %get3A_739 : i32 to index
    %get3A_741 = arith.constant 32 : index
    %get3A_742 = tpu.vector_load %arg13[%get3A_740, %get3A_741] {strides = array<i32>} : memref<4x128xi32, #tpu.memory_space<vmem>>, vector<1x16xi32>,
    %get3A_743 = vector.shape_cast %get3A_742 : vector<1x16xi32> to vector<16xi32>
    %get3A_744 = arith.constant 2 : i32
    %get3A_745 = arith.index_cast %get3A_744 : i32 to index
    %get3A_746 = arith.constant 32 : index
    %get3A_747 = tpu.vector_load %arg14[%get3A_745, %get3A_746] {strides = array<i32>} : memref<4x128xi32, #tpu.memory_space<vmem>>, vector<1x16xi32>,
    %get3A_748 = vector.shape_cast %get3A_747 : vector<1x16xi32> to vector<16xi32>
    %eq3A_749 = arith.constant 0 : i32
    %eq3A_750 = vector.broadcast %eq3A_749 : i32 to vector<16xi32>
    %eq3A_751 = arith.cmpi eq, %get3A_743, %eq3A_750 : vector<16xi32>
    %sub3A_752 = arith.constant 1 : i32
    %sub3A_753 = vector.broadcast %sub3A_752 : i32 to vector<16xi32>
    %sub3A_754 = arith.subi %get3A_743, %sub3A_753 : vector<16xi32>
    %jit3A_755 = arith.constant 99999 : i32
    %broadcast_in_dim3A_756 = vector.broadcast %jit3A_755 : i32 to vector<16xi32>
    %select_n3A_757 = arith.select %eq3A_751, %broadcast_in_dim3A_756, %sub3A_754 : vector<16xi1>, vector<16xi32>
    %swap3A_758 = arith.constant 2 : i32
    %swap3A_759 = arith.index_cast %swap3A_758 : i32 to index
    %swap3A_760 = arith.constant 32 : index
    %swap3A_761 = tpu.vector_load %arg15[%swap3A_759, %swap3A_760] {strides = array<i32>} : memref<4x128xi32, #tpu.memory_space<vmem>>, vector<1x16xi32>,
    %swap3A_762 = vector.shape_cast %swap3A_761 : vector<1x16xi32> to vector<16xi32>
    %swap3A_763 = vector.shape_cast %select_n3A_757 : vector<16xi32> to vector<1x16xi32>
    tpu.vector_store %arg15[%swap3A_759, %swap3A_760], %swap3A_763 {strides = array<i32>} : memref<4x128xi32, #tpu.memory_space<vmem>>, vector<1x16xi32>,
    %eq3A_764 = arith.constant 0 : i32
    %eq3A_765 = vector.broadcast %eq3A_764 : i32 to vector<16xi32>
    %eq3A_766 = arith.cmpi eq, %get3A_748, %eq3A_765 : vector<16xi32>
    %sub3A_767 = arith.constant 1 : i32
    %sub3A_768 = vector.broadcast %sub3A_767 : i32 to vector<16xi32>
    %sub3A_769 = arith.subi %get3A_748, %sub3A_768 : vector<16xi32>
    %jit3A_770 = arith.constant 99999 : i32
    %broadcast_in_dim3A_771 = vector.broadcast %jit3A_770 : i32 to vector<16xi32>
    %select_n3A_772 = arith.select %eq3A_766, %broadcast_in_dim3A_771, %sub3A_769 : vector<16xi1>, vector<16xi32>
    %swap3A_773 = arith.constant 2 : i32
    %swap3A_774 = arith.index_cast %swap3A_773 : i32 to index
    %swap3A_775 = arith.constant 32 : index
    %swap3A_776 = tpu.vector_load %arg16[%swap3A_774, %swap3A_775] {strides = array<i32>} : memref<4x128xi32, #tpu.memory_space<vmem>>, vector<1x16xi32>,
    %swap3A_777 = vector.shape_cast %swap3A_776 : vector<1x16xi32> to vector<16xi32>
    %swap3A_778 = vector.shape_cast %select_n3A_772 : vector<16xi32> to vector<1x16xi32>
    tpu.vector_store %arg16[%swap3A_774, %swap3A_775], %swap3A_778 {strides = array<i32>} : memref<4x128xi32, #tpu.memory_space<vmem>>, vector<1x16xi32>,
    %get3A_779 = arith.constant 2 : i32
    %get3A_780 = arith.index_cast %get3A_779 : i32 to index
    %get3A_781 = arith.constant 48 : index
    %get3A_782 = tpu.vector_load %arg13[%get3A_780, %get3A_781] {strides = array<i32>} : memref<4x128xi32, #tpu.memory_space<vmem>>, vector<1x16xi32>,
    %get3A_783 = vector.shape_cast %get3A_782 : vector<1x16xi32> to vector<16xi32>
    %get3A_784 = arith.constant 2 : i32
    %get3A_785 = arith.index_cast %get3A_784 : i32 to index
    %get3A_786 = arith.constant 48 : index
    %get3A_787 = tpu.vector_load %arg14[%get3A_785, %get3A_786] {strides = array<i32>} : memref<4x128xi32, #tpu.memory_space<vmem>>, vector<1x16xi32>,
    %get3A_788 = vector.shape_cast %get3A_787 : vector<1x16xi32> to vector<16xi32>
    %eq3A_789 = arith.constant 0 : i32
    %eq3A_790 = vector.broadcast %eq3A_789 : i32 to vector<16xi32>
    %eq3A_791 = arith.cmpi eq, %get3A_783, %eq3A_790 : vector<16xi32>
    %sub3A_792 = arith.constant 1 : i32
    %sub3A_793 = vector.broadcast %sub3A_792 : i32 to vector<16xi32>
    %sub3A_794 = arith.subi %get3A_783, %sub3A_793 : vector<16xi32>
    %jit3A_795 = arith.constant 99999 : i32
    %broadcast_in_dim3A_796 = vector.broadcast %jit3A_795 : i32 to vector<16xi32>
    %select_n3A_797 = arith.select %eq3A_791, %broadcast_in_dim3A_796, %sub3A_794 : vector<16xi1>, vector<16xi32>
    %swap3A_798 = arith.constant 2 : i32
    %swap3A_799 = arith.index_cast %swap3A_798 : i32 to index
    %swap3A_800 = arith.constant 48 : index
    %swap3A_801 = tpu.vector_load %arg15[%swap3A_799, %swap3A_800] {strides = array<i32>} : memref<4x128xi32, #tpu.memory_space<vmem>>, vector<1x16xi32>,
    %swap3A_802 = vector.shape_cast %swap3A_801 : vector<1x16xi32> to vector<16xi32>
    %swap3A_803 = vector.shape_cast %select_n3A_797 : vector<16xi32> to vector<1x16xi32>
    tpu.vector_store %arg15[%swap3A_799, %swap3A_800], %swap3A_803 {strides = array<i32>} : memref<4x128xi32, #tpu.memory_space<vmem>>, vector<1x16xi32>,
    %eq3A_804 = arith.constant 0 : i32
    %eq3A_805 = vector.broadcast %eq3A_804 : i32 to vector<16xi32>
    %eq3A_806 = arith.cmpi eq, %get3A_788, %eq3A_805 : vector<16xi32>
    %sub3A_807 = arith.constant 1 : i32
    %sub3A_808 = vector.broadcast %sub3A_807 : i32 to vector<16xi32>
    %sub3A_809 = arith.subi %get3A_788, %sub3A_808 : vector<16xi32>
    %jit3A_810 = arith.constant 99999 : i32
    %broadcast_in_dim3A_811 = vector.broadcast %jit3A_810 : i32 to vector<16xi32>
    %select_n3A_812 = arith.select %eq3A_806, %broadcast_in_dim3A_811, %sub3A_809 : vector<16xi1>, vector<16xi32>
    %swap3A_813 = arith.constant 2 : i32
    %swap3A_814 = arith.index_cast %swap3A_813 : i32 to index
    %swap3A_815 = arith.constant 48 : index
    %swap3A_816 = tpu.vector_load %arg16[%swap3A_814, %swap3A_815] {strides = array<i32>} : memref<4x128xi32, #tpu.memory_space<vmem>>, vector<1x16xi32>,
    %swap3A_817 = vector.shape_cast %swap3A_816 : vector<1x16xi32> to vector<16xi32>
    %swap3A_818 = vector.shape_cast %select_n3A_812 : vector<16xi32> to vector<1x16xi32>
    tpu.vector_store %arg16[%swap3A_814, %swap3A_815], %swap3A_818 {strides = array<i32>} : memref<4x128xi32, #tpu.memory_space<vmem>>, vector<1x16xi32>,
    %get3A_819 = arith.constant 2 : i32
    %get3A_820 = arith.index_cast %get3A_819 : i32 to index
    %get3A_821 = arith.constant 64 : index
    %get3A_822 = tpu.vector_load %arg13[%get3A_820, %get3A_821] {strides = array<i32>} : memref<4x128xi32, #tpu.memory_space<vmem>>, vector<1x16xi32>,
    %get3A_823 = vector.shape_cast %get3A_822 : vector<1x16xi32> to vector<16xi32>
    %get3A_824 = arith.constant 2 : i32
    %get3A_825 = arith.index_cast %get3A_824 : i32 to index
    %get3A_826 = arith.constant 64 : index
    %get3A_827 = tpu.vector_load %arg14[%get3A_825, %get3A_826] {strides = array<i32>} : memref<4x128xi32, #tpu.memory_space<vmem>>, vector<1x16xi32>,
    %get3A_828 = vector.shape_cast %get3A_827 : vector<1x16xi32> to vector<16xi32>
    %eq3A_829 = arith.constant 0 : i32
    %eq3A_830 = vector.broadcast %eq3A_829 : i32 to vector<16xi32>
    %eq3A_831 = arith.cmpi eq, %get3A_823, %eq3A_830 : vector<16xi32>
    %sub3A_832 = arith.constant 1 : i32
    %sub3A_833 = vector.broadcast %sub3A_832 : i32 to vector<16xi32>
    %sub3A_834 = arith.subi %get3A_823, %sub3A_833 : vector<16xi32>
    %jit3A_835 = arith.constant 99999 : i32
    %broadcast_in_dim3A_836 = vector.broadcast %jit3A_835 : i32 to vector<16xi32>
    %select_n3A_837 = arith.select %eq3A_831, %broadcast_in_dim3A_836, %sub3A_834 : vector<16xi1>, vector<16xi32>
    %swap3A_838 = arith.constant 2 : i32
    %swap3A_839 = arith.index_cast %swap3A_838 : i32 to index
    %swap3A_840 = arith.constant 64 : index
    %swap3A_841 = tpu.vector_load %arg15[%swap3A_839, %swap3A_840] {strides = array<i32>} : memref<4x128xi32, #tpu.memory_space<vmem>>, vector<1x16xi32>,
    %swap3A_842 = vector.shape_cast %swap3A_841 : vector<1x16xi32> to vector<16xi32>
    %swap3A_843 = vector.shape_cast %select_n3A_837 : vector<16xi32> to vector<1x16xi32>
    tpu.vector_store %arg15[%swap3A_839, %swap3A_840], %swap3A_843 {strides = array<i32>} : memref<4x128xi32, #tpu.memory_space<vmem>>, vector<1x16xi32>,
    %eq3A_844 = arith.constant 0 : i32
    %eq3A_845 = vector.broadcast %eq3A_844 : i32 to vector<16xi32>
    %eq3A_846 = arith.cmpi eq, %get3A_828, %eq3A_845 : vector<16xi32>
    %sub3A_847 = arith.constant 1 : i32
    %sub3A_848 = vector.broadcast %sub3A_847 : i32 to vector<16xi32>
    %sub3A_849 = arith.subi %get3A_828, %sub3A_848 : vector<16xi32>
    %jit3A_850 = arith.constant 99999 : i32
    %broadcast_in_dim3A_851 = vector.broadcast %jit3A_850 : i32 to vector<16xi32>
    %select_n3A_852 = arith.select %eq3A_846, %broadcast_in_dim3A_851, %sub3A_849 : vector<16xi1>, vector<16xi32>
    %swap3A_853 = arith.constant 2 : i32
    %swap3A_854 = arith.index_cast %swap3A_853 : i32 to index
    %swap3A_855 = arith.constant 64 : index
    %swap3A_856 = tpu.vector_load %arg16[%swap3A_854, %swap3A_855] {strides = array<i32>} : memref<4x128xi32, #tpu.memory_space<vmem>>, vector<1x16xi32>,
    %swap3A_857 = vector.shape_cast %swap3A_856 : vector<1x16xi32> to vector<16xi32>
    %swap3A_858 = vector.shape_cast %select_n3A_852 : vector<16xi32> to vector<1x16xi32>
    tpu.vector_store %arg16[%swap3A_854, %swap3A_855], %swap3A_858 {strides = array<i32>} : memref<4x128xi32, #tpu.memory_space<vmem>>, vector<1x16xi32>,
    %get3A_859 = arith.constant 2 : i32
    %get3A_860 = arith.index_cast %get3A_859 : i32 to index
    %get3A_861 = arith.constant 80 : index
    %get3A_862 = tpu.vector_load %arg13[%get3A_860, %get3A_861] {strides = array<i32>} : memref<4x128xi32, #tpu.memory_space<vmem>>, vector<1x16xi32>,
    %get3A_863 = vector.shape_cast %get3A_862 : vector<1x16xi32> to vector<16xi32>
    %get3A_864 = arith.constant 2 : i32
    %get3A_865 = arith.index_cast %get3A_864 : i32 to index
    %get3A_866 = arith.constant 80 : index
    %get3A_867 = tpu.vector_load %arg14[%get3A_865, %get3A_866] {strides = array<i32>} : memref<4x128xi32, #tpu.memory_space<vmem>>, vector<1x16xi32>,
    %get3A_868 = vector.shape_cast %get3A_867 : vector<1x16xi32> to vector<16xi32>
    %eq3A_869 = arith.constant 0 : i32
    %eq3A_870 = vector.broadcast %eq3A_869 : i32 to vector<16xi32>
    %eq3A_871 = arith.cmpi eq, %get3A_863, %eq3A_870 : vector<16xi32>
    %sub3A_872 = arith.constant 1 : i32
    %sub3A_873 = vector.broadcast %sub3A_872 : i32 to vector<16xi32>
    %sub3A_874 = arith.subi %get3A_863, %sub3A_873 : vector<16xi32>
    %jit3A_875 = arith.constant 99999 : i32
    %broadcast_in_dim3A_876 = vector.broadcast %jit3A_875 : i32 to vector<16xi32>
    %select_n3A_877 = arith.select %eq3A_871, %broadcast_in_dim3A_876, %sub3A_874 : vector<16xi1>, vector<16xi32>
    %swap3A_878 = arith.constant 2 : i32
    %swap3A_879 = arith.index_cast %swap3A_878 : i32 to index
    %swap3A_880 = arith.constant 80 : index
    %swap3A_881 = tpu.vector_load %arg15[%swap3A_879, %swap3A_880] {strides = array<i32>} : memref<4x128xi32, #tpu.memory_space<vmem>>, vector<1x16xi32>,
    %swap3A_882 = vector.shape_cast %swap3A_881 : vector<1x16xi32> to vector<16xi32>
    %swap3A_883 = vector.shape_cast %select_n3A_877 : vector<16xi32> to vector<1x16xi32>
    tpu.vector_store %arg15[%swap3A_879, %swap3A_880], %swap3A_883 {strides = array<i32>} : memref<4x128xi32, #tpu.memory_space<vmem>>, vector<1x16xi32>,
    %eq3A_884 = arith.constant 0 : i32
    %eq3A_885 = vector.broadcast %eq3A_884 : i32 to vector<16xi32>
    %eq3A_886 = arith.cmpi eq, %get3A_868, %eq3A_885 : vector<16xi32>
    %sub3A_887 = arith.constant 1 : i32
    %sub3A_888 = vector.broadcast %sub3A_887 : i32 to vector<16xi32>
    %sub3A_889 = arith.subi %get3A_868, %sub3A_888 : vector<16xi32>
    %jit3A_890 = arith.constant 99999 : i32
    %broadcast_in_dim3A_891 = vector.broadcast %jit3A_890 : i32 to vector<16xi32>
    %select_n3A_892 = arith.select %eq3A_886, %broadcast_in_dim3A_891, %sub3A_889 : vector<16xi1>, vector<16xi32>
    %swap3A_893 = arith.constant 2 : i32
    %swap3A_894 = arith.index_cast %swap3A_893 : i32 to index
    %swap3A_895 = arith.constant 80 : index
    %swap3A_896 = tpu.vector_load %arg16[%swap3A_894, %swap3A_895] {strides = array<i32>} : memref<4x128xi32, #tpu.memory_space<vmem>>, vector<1x16xi32>,
    %swap3A_897 = vector.shape_cast %swap3A_896 : vector<1x16xi32> to vector<16xi32>
    %swap3A_898 = vector.shape_cast %select_n3A_892 : vector<16xi32> to vector<1x16xi32>
    tpu.vector_store %arg16[%swap3A_894, %swap3A_895], %swap3A_898 {strides = array<i32>} : memref<4x128xi32, #tpu.memory_space<vmem>>, vector<1x16xi32>,
    %get3A_899 = arith.constant 2 : i32
    %get3A_900 = arith.index_cast %get3A_899 : i32 to index
    %get3A_901 = arith.constant 96 : index
    %get3A_902 = tpu.vector_load %arg13[%get3A_900, %get3A_901] {strides = array<i32>} : memref<4x128xi32, #tpu.memory_space<vmem>>, vector<1x16xi32>,
    %get3A_903 = vector.shape_cast %get3A_902 : vector<1x16xi32> to vector<16xi32>
    %get3A_904 = arith.constant 2 : i32
    %get3A_905 = arith.index_cast %get3A_904 : i32 to index
    %get3A_906 = arith.constant 96 : index
    %get3A_907 = tpu.vector_load %arg14[%get3A_905, %get3A_906] {strides = array<i32>} : memref<4x128xi32, #tpu.memory_space<vmem>>, vector<1x16xi32>,
    %get3A_908 = vector.shape_cast %get3A_907 : vector<1x16xi32> to vector<16xi32>
    %eq3A_909 = arith.constant 0 : i32
    %eq3A_910 = vector.broadcast %eq3A_909 : i32 to vector<16xi32>
    %eq3A_911 = arith.cmpi eq, %get3A_903, %eq3A_910 : vector<16xi32>
    %sub3A_912 = arith.constant 1 : i32
    %sub3A_913 = vector.broadcast %sub3A_912 : i32 to vector<16xi32>
    %sub3A_914 = arith.subi %get3A_903, %sub3A_913 : vector<16xi32>
    %jit3A_915 = arith.constant 99999 : i32
    %broadcast_in_dim3A_916 = vector.broadcast %jit3A_915 : i32 to vector<16xi32>
    %select_n3A_917 = arith.select %eq3A_911, %broadcast_in_dim3A_916, %sub3A_914 : vector<16xi1>, vector<16xi32>
    %swap3A_918 = arith.constant 2 : i32
    %swap3A_919 = arith.index_cast %swap3A_918 : i32 to index
    %swap3A_920 = arith.constant 96 : index
    %swap3A_921 = tpu.vector_load %arg15[%swap3A_919, %swap3A_920] {strides = array<i32>} : memref<4x128xi32, #tpu.memory_space<vmem>>, vector<1x16xi32>,
    %swap3A_922 = vector.shape_cast %swap3A_921 : vector<1x16xi32> to vector<16xi32>
    %swap3A_923 = vector.shape_cast %select_n3A_917 : vector<16xi32> to vector<1x16xi32>
    tpu.vector_store %arg15[%swap3A_919, %swap3A_920], %swap3A_923 {strides = array<i32>} : memref<4x128xi32, #tpu.memory_space<vmem>>, vector<1x16xi32>,
    %eq3A_924 = arith.constant 0 : i32
    %eq3A_925 = vector.broadcast %eq3A_924 : i32 to vector<16xi32>
    %eq3A_926 = arith.cmpi eq, %get3A_908, %eq3A_925 : vector<16xi32>
    %sub3A_927 = arith.constant 1 : i32
    %sub3A_928 = vector.broadcast %sub3A_927 : i32 to vector<16xi32>
    %sub3A_929 = arith.subi %get3A_908, %sub3A_928 : vector<16xi32>
    %jit3A_930 = arith.constant 99999 : i32
    %broadcast_in_dim3A_931 = vector.broadcast %jit3A_930 : i32 to vector<16xi32>
    %select_n3A_932 = arith.select %eq3A_926, %broadcast_in_dim3A_931, %sub3A_929 : vector<16xi1>, vector<16xi32>
    %swap3A_933 = arith.constant 2 : i32
    %swap3A_934 = arith.index_cast %swap3A_933 : i32 to index
    %swap3A_935 = arith.constant 96 : index
    %swap3A_936 = tpu.vector_load %arg16[%swap3A_934, %swap3A_935] {strides = array<i32>} : memref<4x128xi32, #tpu.memory_space<vmem>>, vector<1x16xi32>,
    %swap3A_937 = vector.shape_cast %swap3A_936 : vector<1x16xi32> to vector<16xi32>
    %swap3A_938 = vector.shape_cast %select_n3A_932 : vector<16xi32> to vector<1x16xi32>
    tpu.vector_store %arg16[%swap3A_934, %swap3A_935], %swap3A_938 {strides = array<i32>} : memref<4x128xi32, #tpu.memory_space<vmem>>, vector<1x16xi32>,
    %get3A_939 = arith.constant 2 : i32
    %get3A_940 = arith.index_cast %get3A_939 : i32 to index
    %get3A_941 = arith.constant 112 : index
    %get3A_942 = tpu.vector_load %arg13[%get3A_940, %get3A_941] {strides = array<i32>} : memref<4x128xi32, #tpu.memory_space<vmem>>, vector<1x16xi32>,
    %get3A_943 = vector.shape_cast %get3A_942 : vector<1x16xi32> to vector<16xi32>
    %get3A_944 = arith.constant 2 : i32
    %get3A_945 = arith.index_cast %get3A_944 : i32 to index
    %get3A_946 = arith.constant 112 : index
    %get3A_947 = tpu.vector_load %arg14[%get3A_945, %get3A_946] {strides = array<i32>} : memref<4x128xi32, #tpu.memory_space<vmem>>, vector<1x16xi32>,
    %get3A_948 = vector.shape_cast %get3A_947 : vector<1x16xi32> to vector<16xi32>
    %eq3A_949 = arith.constant 0 : i32
    %eq3A_950 = vector.broadcast %eq3A_949 : i32 to vector<16xi32>
    %eq3A_951 = arith.cmpi eq, %get3A_943, %eq3A_950 : vector<16xi32>
    %sub3A_952 = arith.constant 1 : i32
    %sub3A_953 = vector.broadcast %sub3A_952 : i32 to vector<16xi32>
    %sub3A_954 = arith.subi %get3A_943, %sub3A_953 : vector<16xi32>
    %jit3A_955 = arith.constant 99999 : i32
    %broadcast_in_dim3A_956 = vector.broadcast %jit3A_955 : i32 to vector<16xi32>
    %select_n3A_957 = arith.select %eq3A_951, %broadcast_in_dim3A_956, %sub3A_954 : vector<16xi1>, vector<16xi32>
    %swap3A_958 = arith.constant 2 : i32
    %swap3A_959 = arith.index_cast %swap3A_958 : i32 to index
    %swap3A_960 = arith.constant 112 : index
    %swap3A_961 = tpu.vector_load %arg15[%swap3A_959, %swap3A_960] {strides = array<i32>} : memref<4x128xi32, #tpu.memory_space<vmem>>, vector<1x16xi32>,
    %swap3A_962 = vector.shape_cast %swap3A_961 : vector<1x16xi32> to vector<16xi32>
    %swap3A_963 = vector.shape_cast %select_n3A_957 : vector<16xi32> to vector<1x16xi32>
    tpu.vector_store %arg15[%swap3A_959, %swap3A_960], %swap3A_963 {strides = array<i32>} : memref<4x128xi32, #tpu.memory_space<vmem>>, vector<1x16xi32>,
    %eq3A_964 = arith.constant 0 : i32
    %eq3A_965 = vector.broadcast %eq3A_964 : i32 to vector<16xi32>
    %eq3A_966 = arith.cmpi eq, %get3A_948, %eq3A_965 : vector<16xi32>
    %sub3A_967 = arith.constant 1 : i32
    %sub3A_968 = vector.broadcast %sub3A_967 : i32 to vector<16xi32>
    %sub3A_969 = arith.subi %get3A_948, %sub3A_968 : vector<16xi32>
    %jit3A_970 = arith.constant 99999 : i32
    %broadcast_in_dim3A_971 = vector.broadcast %jit3A_970 : i32 to vector<16xi32>
    %select_n3A_972 = arith.select %eq3A_966, %broadcast_in_dim3A_971, %sub3A_969 : vector<16xi1>, vector<16xi32>
    %swap3A_973 = arith.constant 2 : i32
    %swap3A_974 = arith.index_cast %swap3A_973 : i32 to index
    %swap3A_975 = arith.constant 112 : index
    %swap3A_976 = tpu.vector_load %arg16[%swap3A_974, %swap3A_975] {strides = array<i32>} : memref<4x128xi32, #tpu.memory_space<vmem>>, vector<1x16xi32>,
    %swap3A_977 = vector.shape_cast %swap3A_976 : vector<1x16xi32> to vector<16xi32>
    %swap3A_978 = vector.shape_cast %select_n3A_972 : vector<16xi32> to vector<1x16xi32>
    tpu.vector_store %arg16[%swap3A_974, %swap3A_975], %swap3A_978 {strides = array<i32>} : memref<4x128xi32, #tpu.memory_space<vmem>>, vector<1x16xi32>,
    %get3A_979 = arith.constant 3 : i32
    %get3A_980 = arith.index_cast %get3A_979 : i32 to index
    %get3A_981 = arith.constant 0 : index
    %get3A_982 = tpu.vector_load %arg13[%get3A_980, %get3A_981] {strides = array<i32>} : memref<4x128xi32, #tpu.memory_space<vmem>>, vector<1x16xi32>,
    %get3A_983 = vector.shape_cast %get3A_982 : vector<1x16xi32> to vector<16xi32>
    %get3A_984 = arith.constant 3 : i32
    %get3A_985 = arith.index_cast %get3A_984 : i32 to index
    %get3A_986 = arith.constant 0 : index
    %get3A_987 = tpu.vector_load %arg14[%get3A_985, %get3A_986] {strides = array<i32>} : memref<4x128xi32, #tpu.memory_space<vmem>>, vector<1x16xi32>,
    %get3A_988 = vector.shape_cast %get3A_987 : vector<1x16xi32> to vector<16xi32>
    %eq3A_989 = arith.constant 0 : i32
    %eq3A_990 = vector.broadcast %eq3A_989 : i32 to vector<16xi32>
    %eq3A_991 = arith.cmpi eq, %get3A_983, %eq3A_990 : vector<16xi32>
    %sub3A_992 = arith.constant 1 : i32
    %sub3A_993 = vector.broadcast %sub3A_992 : i32 to vector<16xi32>
    %sub3A_994 = arith.subi %get3A_983, %sub3A_993 : vector<16xi32>
    %jit3A_995 = arith.constant 99999 : i32
    %broadcast_in_dim3A_996 = vector.broadcast %jit3A_995 : i32 to vector<16xi32>
    %select_n3A_997 = arith.select %eq3A_991, %broadcast_in_dim3A_996, %sub3A_994 : vector<16xi1>, vector<16xi32>
    %swap3A_998 = arith.constant 3 : i32
    %swap3A_999 = arith.index_cast %swap3A_998 : i32 to index
    %swap3A_1000 = arith.constant 0 : index
    %swap3A_1001 = tpu.vector_load %arg15[%swap3A_999, %swap3A_1000] {strides = array<i32>} : memref<4x128xi32, #tpu.memory_space<vmem>>, vector<1x16xi32>,
    %swap3A_1002 = vector.shape_cast %swap3A_1001 : vector<1x16xi32> to vector<16xi32>
    %swap3A_1003 = vector.shape_cast %select_n3A_997 : vector<16xi32> to vector<1x16xi32>
    tpu.vector_store %arg15[%swap3A_999, %swap3A_1000], %swap3A_1003 {strides = array<i32>} : memref<4x128xi32, #tpu.memory_space<vmem>>, vector<1x16xi32>,
    %eq3A_1004 = arith.constant 0 : i32
    %eq3A_1005 = vector.broadcast %eq3A_1004 : i32 to vector<16xi32>
    %eq3A_1006 = arith.cmpi eq, %get3A_988, %eq3A_1005 : vector<16xi32>
    %sub3A_1007 = arith.constant 1 : i32
    %sub3A_1008 = vector.broadcast %sub3A_1007 : i32 to vector<16xi32>
    %sub3A_1009 = arith.subi %get3A_988, %sub3A_1008 : vector<16xi32>
    %jit3A_1010 = arith.constant 99999 : i32
    %broadcast_in_dim3A_1011 = vector.broadcast %jit3A_1010 : i32 to vector<16xi32>
    %select_n3A_1012 = arith.select %eq3A_1006, %broadcast_in_dim3A_1011, %sub3A_1009 : vector<16xi1>, vector<16xi32>
    %swap3A_1013 = arith.constant 3 : i32
    %swap3A_1014 = arith.index_cast %swap3A_1013 : i32 to index
    %swap3A_1015 = arith.constant 0 : index
    %swap3A_1016 = tpu.vector_load %arg16[%swap3A_1014, %swap3A_1015] {strides = array<i32>} : memref<4x128xi32, #tpu.memory_space<vmem>>, vector<1x16xi32>,
    %swap3A_1017 = vector.shape_cast %swap3A_1016 : vector<1x16xi32> to vector<16xi32>
    %swap3A_1018 = vector.shape_cast %select_n3A_1012 : vector<16xi32> to vector<1x16xi32>
    tpu.vector_store %arg16[%swap3A_1014, %swap3A_1015], %swap3A_1018 {strides = array<i32>} : memref<4x128xi32, #tpu.memory_space<vmem>>, vector<1x16xi32>,
    %get3A_1019 = arith.constant 3 : i32
    %get3A_1020 = arith.index_cast %get3A_1019 : i32 to index
    %get3A_1021 = arith.constant 16 : index
    %get3A_1022 = tpu.vector_load %arg13[%get3A_1020, %get3A_1021] {strides = array<i32>} : memref<4x128xi32, #tpu.memory_space<vmem>>, vector<1x16xi32>,
    %get3A_1023 = vector.shape_cast %get3A_1022 : vector<1x16xi32> to vector<16xi32>
    %get3A_1024 = arith.constant 3 : i32
    %get3A_1025 = arith.index_cast %get3A_1024 : i32 to index
    %get3A_1026 = arith.constant 16 : index
    %get3A_1027 = tpu.vector_load %arg14[%get3A_1025, %get3A_1026] {strides = array<i32>} : memref<4x128xi32, #tpu.memory_space<vmem>>, vector<1x16xi32>,
    %get3A_1028 = vector.shape_cast %get3A_1027 : vector<1x16xi32> to vector<16xi32>
    %eq3A_1029 = arith.constant 0 : i32
    %eq3A_1030 = vector.broadcast %eq3A_1029 : i32 to vector<16xi32>
    %eq3A_1031 = arith.cmpi eq, %get3A_1023, %eq3A_1030 : vector<16xi32>
    %sub3A_1032 = arith.constant 1 : i32
    %sub3A_1033 = vector.broadcast %sub3A_1032 : i32 to vector<16xi32>
    %sub3A_1034 = arith.subi %get3A_1023, %sub3A_1033 : vector<16xi32>
    %jit3A_1035 = arith.constant 99999 : i32
    %broadcast_in_dim3A_1036 = vector.broadcast %jit3A_1035 : i32 to vector<16xi32>
    %select_n3A_1037 = arith.select %eq3A_1031, %broadcast_in_dim3A_1036, %sub3A_1034 : vector<16xi1>, vector<16xi32>
    %swap3A_1038 = arith.constant 3 : i32
    %swap3A_1039 = arith.index_cast %swap3A_1038 : i32 to index
    %swap3A_1040 = arith.constant 16 : index
    %swap3A_1041 = tpu.vector_load %arg15[%swap3A_1039, %swap3A_1040] {strides = array<i32>} : memref<4x128xi32, #tpu.memory_space<vmem>>, vector<1x16xi32>,
    %swap3A_1042 = vector.shape_cast %swap3A_1041 : vector<1x16xi32> to vector<16xi32>
    %swap3A_1043 = vector.shape_cast %select_n3A_1037 : vector<16xi32> to vector<1x16xi32>
    tpu.vector_store %arg15[%swap3A_1039, %swap3A_1040], %swap3A_1043 {strides = array<i32>} : memref<4x128xi32, #tpu.memory_space<vmem>>, vector<1x16xi32>,
    %eq3A_1044 = arith.constant 0 : i32
    %eq3A_1045 = vector.broadcast %eq3A_1044 : i32 to vector<16xi32>
    %eq3A_1046 = arith.cmpi eq, %get3A_1028, %eq3A_1045 : vector<16xi32>
    %sub3A_1047 = arith.constant 1 : i32
    %sub3A_1048 = vector.broadcast %sub3A_1047 : i32 to vector<16xi32>
    %sub3A_1049 = arith.subi %get3A_1028, %sub3A_1048 : vector<16xi32>
    %jit3A_1050 = arith.constant 99999 : i32
    %broadcast_in_dim3A_1051 = vector.broadcast %jit3A_1050 : i32 to vector<16xi32>
    %select_n3A_1052 = arith.select %eq3A_1046, %broadcast_in_dim3A_1051, %sub3A_1049 : vector<16xi1>, vector<16xi32>
    %swap3A_1053 = arith.constant 3 : i32
    %swap3A_1054 = arith.index_cast %swap3A_1053 : i32 to index
    %swap3A_1055 = arith.constant 16 : index
    %swap3A_1056 = tpu.vector_load %arg16[%swap3A_1054, %swap3A_1055] {strides = array<i32>} : memref<4x128xi32, #tpu.memory_space<vmem>>, vector<1x16xi32>,
    %swap3A_1057 = vector.shape_cast %swap3A_1056 : vector<1x16xi32> to vector<16xi32>
    %swap3A_1058 = vector.shape_cast %select_n3A_1052 : vector<16xi32> to vector<1x16xi32>
    tpu.vector_store %arg16[%swap3A_1054, %swap3A_1055], %swap3A_1058 {strides = array<i32>} : memref<4x128xi32, #tpu.memory_space<vmem>>, vector<1x16xi32>,
    %get3A_1059 = arith.constant 3 : i32
    %get3A_1060 = arith.index_cast %get3A_1059 : i32 to index
    %get3A_1061 = arith.constant 32 : index
    %get3A_1062 = tpu.vector_load %arg13[%get3A_1060, %get3A_1061] {strides = array<i32>} : memref<4x128xi32, #tpu.memory_space<vmem>>, vector<1x16xi32>,
    %get3A_1063 = vector.shape_cast %get3A_1062 : vector<1x16xi32> to vector<16xi32>
    %get3A_1064 = arith.constant 3 : i32
    %get3A_1065 = arith.index_cast %get3A_1064 : i32 to index
    %get3A_1066 = arith.constant 32 : index
    %get3A_1067 = tpu.vector_load %arg14[%get3A_1065, %get3A_1066] {strides = array<i32>} : memref<4x128xi32, #tpu.memory_space<vmem>>, vector<1x16xi32>,
    %get3A_1068 = vector.shape_cast %get3A_1067 : vector<1x16xi32> to vector<16xi32>
    %eq3A_1069 = arith.constant 0 : i32
    %eq3A_1070 = vector.broadcast %eq3A_1069 : i32 to vector<16xi32>
    %eq3A_1071 = arith.cmpi eq, %get3A_1063, %eq3A_1070 : vector<16xi32>
    %sub3A_1072 = arith.constant 1 : i32
    %sub3A_1073 = vector.broadcast %sub3A_1072 : i32 to vector<16xi32>
    %sub3A_1074 = arith.subi %get3A_1063, %sub3A_1073 : vector<16xi32>
    %jit3A_1075 = arith.constant 99999 : i32
    %broadcast_in_dim3A_1076 = vector.broadcast %jit3A_1075 : i32 to vector<16xi32>
    %select_n3A_1077 = arith.select %eq3A_1071, %broadcast_in_dim3A_1076, %sub3A_1074 : vector<16xi1>, vector<16xi32>
    %swap3A_1078 = arith.constant 3 : i32
    %swap3A_1079 = arith.index_cast %swap3A_1078 : i32 to index
    %swap3A_1080 = arith.constant 32 : index
    %swap3A_1081 = tpu.vector_load %arg15[%swap3A_1079, %swap3A_1080] {strides = array<i32>} : memref<4x128xi32, #tpu.memory_space<vmem>>, vector<1x16xi32>,
    %swap3A_1082 = vector.shape_cast %swap3A_1081 : vector<1x16xi32> to vector<16xi32>
    %swap3A_1083 = vector.shape_cast %select_n3A_1077 : vector<16xi32> to vector<1x16xi32>
    tpu.vector_store %arg15[%swap3A_1079, %swap3A_1080], %swap3A_1083 {strides = array<i32>} : memref<4x128xi32, #tpu.memory_space<vmem>>, vector<1x16xi32>,
    %eq3A_1084 = arith.constant 0 : i32
    %eq3A_1085 = vector.broadcast %eq3A_1084 : i32 to vector<16xi32>
    %eq3A_1086 = arith.cmpi eq, %get3A_1068, %eq3A_1085 : vector<16xi32>
    %sub3A_1087 = arith.constant 1 : i32
    %sub3A_1088 = vector.broadcast %sub3A_1087 : i32 to vector<16xi32>
    %sub3A_1089 = arith.subi %get3A_1068, %sub3A_1088 : vector<16xi32>
    %jit3A_1090 = arith.constant 99999 : i32
    %broadcast_in_dim3A_1091 = vector.broadcast %jit3A_1090 : i32 to vector<16xi32>
    %select_n3A_1092 = arith.select %eq3A_1086, %broadcast_in_dim3A_1091, %sub3A_1089 : vector<16xi1>, vector<16xi32>
    %swap3A_1093 = arith.constant 3 : i32
    %swap3A_1094 = arith.index_cast %swap3A_1093 : i32 to index
    %swap3A_1095 = arith.constant 32 : index
    %swap3A_1096 = tpu.vector_load %arg16[%swap3A_1094, %swap3A_1095] {strides = array<i32>} : memref<4x128xi32, #tpu.memory_space<vmem>>, vector<1x16xi32>,
    %swap3A_1097 = vector.shape_cast %swap3A_1096 : vector<1x16xi32> to vector<16xi32>
    %swap3A_1098 = vector.shape_cast %select_n3A_1092 : vector<16xi32> to vector<1x16xi32>
    tpu.vector_store %arg16[%swap3A_1094, %swap3A_1095], %swap3A_1098 {strides = array<i32>} : memref<4x128xi32, #tpu.memory_space<vmem>>, vector<1x16xi32>,
    %get3A_1099 = arith.constant 3 : i32
    %get3A_1100 = arith.index_cast %get3A_1099 : i32 to index
    %get3A_1101 = arith.constant 48 : index
    %get3A_1102 = tpu.vector_load %arg13[%get3A_1100, %get3A_1101] {strides = array<i32>} : memref<4x128xi32, #tpu.memory_space<vmem>>, vector<1x16xi32>,
    %get3A_1103 = vector.shape_cast %get3A_1102 : vector<1x16xi32> to vector<16xi32>
    %get3A_1104 = arith.constant 3 : i32
    %get3A_1105 = arith.index_cast %get3A_1104 : i32 to index
    %get3A_1106 = arith.constant 48 : index
    %get3A_1107 = tpu.vector_load %arg14[%get3A_1105, %get3A_1106] {strides = array<i32>} : memref<4x128xi32, #tpu.memory_space<vmem>>, vector<1x16xi32>,
    %get3A_1108 = vector.shape_cast %get3A_1107 : vector<1x16xi32> to vector<16xi32>
    %eq3A_1109 = arith.constant 0 : i32
    %eq3A_1110 = vector.broadcast %eq3A_1109 : i32 to vector<16xi32>
    %eq3A_1111 = arith.cmpi eq, %get3A_1103, %eq3A_1110 : vector<16xi32>
    %sub3A_1112 = arith.constant 1 : i32
    %sub3A_1113 = vector.broadcast %sub3A_1112 : i32 to vector<16xi32>
    %sub3A_1114 = arith.subi %get3A_1103, %sub3A_1113 : vector<16xi32>
    %jit3A_1115 = arith.constant 99999 : i32
    %broadcast_in_dim3A_1116 = vector.broadcast %jit3A_1115 : i32 to vector<16xi32>
    %select_n3A_1117 = arith.select %eq3A_1111, %broadcast_in_dim3A_1116, %sub3A_1114 : vector<16xi1>, vector<16xi32>
    %swap3A_1118 = arith.constant 3 : i32
    %swap3A_1119 = arith.index_cast %swap3A_1118 : i32 to index
    %swap3A_1120 = arith.constant 48 : index
    %swap3A_1121 = tpu.vector_load %arg15[%swap3A_1119, %swap3A_1120] {strides = array<i32>} : memref<4x128xi32, #tpu.memory_space<vmem>>, vector<1x16xi32>,
    %swap3A_1122 = vector.shape_cast %swap3A_1121 : vector<1x16xi32> to vector<16xi32>
    %swap3A_1123 = vector.shape_cast %select_n3A_1117 : vector<16xi32> to vector<1x16xi32>
    tpu.vector_store %arg15[%swap3A_1119, %swap3A_1120], %swap3A_1123 {strides = array<i32>} : memref<4x128xi32, #tpu.memory_space<vmem>>, vector<1x16xi32>,
    %eq3A_1124 = arith.constant 0 : i32
    %eq3A_1125 = vector.broadcast %eq3A_1124 : i32 to vector<16xi32>
    %eq3A_1126 = arith.cmpi eq, %get3A_1108, %eq3A_1125 : vector<16xi32>
    %sub3A_1127 = arith.constant 1 : i32
    %sub3A_1128 = vector.broadcast %sub3A_1127 : i32 to vector<16xi32>
    %sub3A_1129 = arith.subi %get3A_1108, %sub3A_1128 : vector<16xi32>
    %jit3A_1130 = arith.constant 99999 : i32
    %broadcast_in_dim3A_1131 = vector.broadcast %jit3A_1130 : i32 to vector<16xi32>
    %select_n3A_1132 = arith.select %eq3A_1126, %broadcast_in_dim3A_1131, %sub3A_1129 : vector<16xi1>, vector<16xi32>
    %swap3A_1133 = arith.constant 3 : i32
    %swap3A_1134 = arith.index_cast %swap3A_1133 : i32 to index
    %swap3A_1135 = arith.constant 48 : index
    %swap3A_1136 = tpu.vector_load %arg16[%swap3A_1134, %swap3A_1135] {strides = array<i32>} : memref<4x128xi32, #tpu.memory_space<vmem>>, vector<1x16xi32>,
    %swap3A_1137 = vector.shape_cast %swap3A_1136 : vector<1x16xi32> to vector<16xi32>
    %swap3A_1138 = vector.shape_cast %select_n3A_1132 : vector<16xi32> to vector<1x16xi32>
    tpu.vector_store %arg16[%swap3A_1134, %swap3A_1135], %swap3A_1138 {strides = array<i32>} : memref<4x128xi32, #tpu.memory_space<vmem>>, vector<1x16xi32>,
    %get3A_1139 = arith.constant 3 : i32
    %get3A_1140 = arith.index_cast %get3A_1139 : i32 to index
    %get3A_1141 = arith.constant 64 : index
    %get3A_1142 = tpu.vector_load %arg13[%get3A_1140, %get3A_1141] {strides = array<i32>} : memref<4x128xi32, #tpu.memory_space<vmem>>, vector<1x16xi32>,
    %get3A_1143 = vector.shape_cast %get3A_1142 : vector<1x16xi32> to vector<16xi32>
    %get3A_1144 = arith.constant 3 : i32
    %get3A_1145 = arith.index_cast %get3A_1144 : i32 to index
    %get3A_1146 = arith.constant 64 : index
    %get3A_1147 = tpu.vector_load %arg14[%get3A_1145, %get3A_1146] {strides = array<i32>} : memref<4x128xi32, #tpu.memory_space<vmem>>, vector<1x16xi32>,
    %get3A_1148 = vector.shape_cast %get3A_1147 : vector<1x16xi32> to vector<16xi32>
    %eq3A_1149 = arith.constant 0 : i32
    %eq3A_1150 = vector.broadcast %eq3A_1149 : i32 to vector<16xi32>
    %eq3A_1151 = arith.cmpi eq, %get3A_1143, %eq3A_1150 : vector<16xi32>
    %sub3A_1152 = arith.constant 1 : i32
    %sub3A_1153 = vector.broadcast %sub3A_1152 : i32 to vector<16xi32>
    %sub3A_1154 = arith.subi %get3A_1143, %sub3A_1153 : vector<16xi32>
    %jit3A_1155 = arith.constant 99999 : i32
    %broadcast_in_dim3A_1156 = vector.broadcast %jit3A_1155 : i32 to vector<16xi32>
    %select_n3A_1157 = arith.select %eq3A_1151, %broadcast_in_dim3A_1156, %sub3A_1154 : vector<16xi1>, vector<16xi32>
    %swap3A_1158 = arith.constant 3 : i32
    %swap3A_1159 = arith.index_cast %swap3A_1158 : i32 to index
    %swap3A_1160 = arith.constant 64 : index
    %swap3A_1161 = tpu.vector_load %arg15[%swap3A_1159, %swap3A_1160] {strides = array<i32>} : memref<4x128xi32, #tpu.memory_space<vmem>>, vector<1x16xi32>,
    %swap3A_1162 = vector.shape_cast %swap3A_1161 : vector<1x16xi32> to vector<16xi32>
    %swap3A_1163 = vector.shape_cast %select_n3A_1157 : vector<16xi32> to vector<1x16xi32>
    tpu.vector_store %arg15[%swap3A_1159, %swap3A_1160], %swap3A_1163 {strides = array<i32>} : memref<4x128xi32, #tpu.memory_space<vmem>>, vector<1x16xi32>,
    %eq3A_1164 = arith.constant 0 : i32
    %eq3A_1165 = vector.broadcast %eq3A_1164 : i32 to vector<16xi32>
    %eq3A_1166 = arith.cmpi eq, %get3A_1148, %eq3A_1165 : vector<16xi32>
    %sub3A_1167 = arith.constant 1 : i32
    %sub3A_1168 = vector.broadcast %sub3A_1167 : i32 to vector<16xi32>
    %sub3A_1169 = arith.subi %get3A_1148, %sub3A_1168 : vector<16xi32>
    %jit3A_1170 = arith.constant 99999 : i32
    %broadcast_in_dim3A_1171 = vector.broadcast %jit3A_1170 : i32 to vector<16xi32>
    %select_n3A_1172 = arith.select %eq3A_1166, %broadcast_in_dim3A_1171, %sub3A_1169 : vector<16xi1>, vector<16xi32>
    %swap3A_1173 = arith.constant 3 : i32
    %swap3A_1174 = arith.index_cast %swap3A_1173 : i32 to index
    %swap3A_1175 = arith.constant 64 : index
    %swap3A_1176 = tpu.vector_load %arg16[%swap3A_1174, %swap3A_1175] {strides = array<i32>} : memref<4x128xi32, #tpu.memory_space<vmem>>, vector<1x16xi32>,
    %swap3A_1177 = vector.shape_cast %swap3A_1176 : vector<1x16xi32> to vector<16xi32>
    %swap3A_1178 = vector.shape_cast %select_n3A_1172 : vector<16xi32> to vector<1x16xi32>
    tpu.vector_store %arg16[%swap3A_1174, %swap3A_1175], %swap3A_1178 {strides = array<i32>} : memref<4x128xi32, #tpu.memory_space<vmem>>, vector<1x16xi32>,
    %get3A_1179 = arith.constant 3 : i32
    %get3A_1180 = arith.index_cast %get3A_1179 : i32 to index
    %get3A_1181 = arith.constant 80 : index
    %get3A_1182 = tpu.vector_load %arg13[%get3A_1180, %get3A_1181] {strides = array<i32>} : memref<4x128xi32, #tpu.memory_space<vmem>>, vector<1x16xi32>,
    %get3A_1183 = vector.shape_cast %get3A_1182 : vector<1x16xi32> to vector<16xi32>
    %get3A_1184 = arith.constant 3 : i32
    %get3A_1185 = arith.index_cast %get3A_1184 : i32 to index
    %get3A_1186 = arith.constant 80 : index
    %get3A_1187 = tpu.vector_load %arg14[%get3A_1185, %get3A_1186] {strides = array<i32>} : memref<4x128xi32, #tpu.memory_space<vmem>>, vector<1x16xi32>,
    %get3A_1188 = vector.shape_cast %get3A_1187 : vector<1x16xi32> to vector<16xi32>
    %eq3A_1189 = arith.constant 0 : i32
    %eq3A_1190 = vector.broadcast %eq3A_1189 : i32 to vector<16xi32>
    %eq3A_1191 = arith.cmpi eq, %get3A_1183, %eq3A_1190 : vector<16xi32>
    %sub3A_1192 = arith.constant 1 : i32
    %sub3A_1193 = vector.broadcast %sub3A_1192 : i32 to vector<16xi32>
    %sub3A_1194 = arith.subi %get3A_1183, %sub3A_1193 : vector<16xi32>
    %jit3A_1195 = arith.constant 99999 : i32
    %broadcast_in_dim3A_1196 = vector.broadcast %jit3A_1195 : i32 to vector<16xi32>
    %select_n3A_1197 = arith.select %eq3A_1191, %broadcast_in_dim3A_1196, %sub3A_1194 : vector<16xi1>, vector<16xi32>
    %swap3A_1198 = arith.constant 3 : i32
    %swap3A_1199 = arith.index_cast %swap3A_1198 : i32 to index
    %swap3A_1200 = arith.constant 80 : index
    %swap3A_1201 = tpu.vector_load %arg15[%swap3A_1199, %swap3A_1200] {strides = array<i32>} : memref<4x128xi32, #tpu.memory_space<vmem>>, vector<1x16xi32>,
    %swap3A_1202 = vector.shape_cast %swap3A_1201 : vector<1x16xi32> to vector<16xi32>
    %swap3A_1203 = vector.shape_cast %select_n3A_1197 : vector<16xi32> to vector<1x16xi32>
    tpu.vector_store %arg15[%swap3A_1199, %swap3A_1200], %swap3A_1203 {strides = array<i32>} : memref<4x128xi32, #tpu.memory_space<vmem>>, vector<1x16xi32>,
    %eq3A_1204 = arith.constant 0 : i32
    %eq3A_1205 = vector.broadcast %eq3A_1204 : i32 to vector<16xi32>
    %eq3A_1206 = arith.cmpi eq, %get3A_1188, %eq3A_1205 : vector<16xi32>
    %sub3A_1207 = arith.constant 1 : i32
    %sub3A_1208 = vector.broadcast %sub3A_1207 : i32 to vector<16xi32>
    %sub3A_1209 = arith.subi %get3A_1188, %sub3A_1208 : vector<16xi32>
    %jit3A_1210 = arith.constant 99999 : i32
    %broadcast_in_dim3A_1211 = vector.broadcast %jit3A_1210 : i32 to vector<16xi32>
    %select_n3A_1212 = arith.select %eq3A_1206, %broadcast_in_dim3A_1211, %sub3A_1209 : vector<16xi1>, vector<16xi32>
    %swap3A_1213 = arith.constant 3 : i32
    %swap3A_1214 = arith.index_cast %swap3A_1213 : i32 to index
    %swap3A_1215 = arith.constant 80 : index
    %swap3A_1216 = tpu.vector_load %arg16[%swap3A_1214, %swap3A_1215] {strides = array<i32>} : memref<4x128xi32, #tpu.memory_space<vmem>>, vector<1x16xi32>,
    %swap3A_1217 = vector.shape_cast %swap3A_1216 : vector<1x16xi32> to vector<16xi32>
    %swap3A_1218 = vector.shape_cast %select_n3A_1212 : vector<16xi32> to vector<1x16xi32>
    tpu.vector_store %arg16[%swap3A_1214, %swap3A_1215], %swap3A_1218 {strides = array<i32>} : memref<4x128xi32, #tpu.memory_space<vmem>>, vector<1x16xi32>,
    %get3A_1219 = arith.constant 3 : i32
    %get3A_1220 = arith.index_cast %get3A_1219 : i32 to index
    %get3A_1221 = arith.constant 96 : index
    %get3A_1222 = tpu.vector_load %arg13[%get3A_1220, %get3A_1221] {strides = array<i32>} : memref<4x128xi32, #tpu.memory_space<vmem>>, vector<1x16xi32>,
    %get3A_1223 = vector.shape_cast %get3A_1222 : vector<1x16xi32> to vector<16xi32>
    %get3A_1224 = arith.constant 3 : i32
    %get3A_1225 = arith.index_cast %get3A_1224 : i32 to index
    %get3A_1226 = arith.constant 96 : index
    %get3A_1227 = tpu.vector_load %arg14[%get3A_1225, %get3A_1226] {strides = array<i32>} : memref<4x128xi32, #tpu.memory_space<vmem>>, vector<1x16xi32>,
    %get3A_1228 = vector.shape_cast %get3A_1227 : vector<1x16xi32> to vector<16xi32>
    %eq3A_1229 = arith.constant 0 : i32
    %eq3A_1230 = vector.broadcast %eq3A_1229 : i32 to vector<16xi32>
    %eq3A_1231 = arith.cmpi eq, %get3A_1223, %eq3A_1230 : vector<16xi32>
    %sub3A_1232 = arith.constant 1 : i32
    %sub3A_1233 = vector.broadcast %sub3A_1232 : i32 to vector<16xi32>
    %sub3A_1234 = arith.subi %get3A_1223, %sub3A_1233 : vector<16xi32>
    %jit3A_1235 = arith.constant 99999 : i32
    %broadcast_in_dim3A_1236 = vector.broadcast %jit3A_1235 : i32 to vector<16xi32>
    %select_n3A_1237 = arith.select %eq3A_1231, %broadcast_in_dim3A_1236, %sub3A_1234 : vector<16xi1>, vector<16xi32>
    %swap3A_1238 = arith.constant 3 : i32
    %swap3A_1239 = arith.index_cast %swap3A_1238 : i32 to index
    %swap3A_1240 = arith.constant 96 : index
    %swap3A_1241 = tpu.vector_load %arg15[%swap3A_1239, %swap3A_1240] {strides = array<i32>} : memref<4x128xi32, #tpu.memory_space<vmem>>, vector<1x16xi32>,
    %swap3A_1242 = vector.shape_cast %swap3A_1241 : vector<1x16xi32> to vector<16xi32>
    %swap3A_1243 = vector.shape_cast %select_n3A_1237 : vector<16xi32> to vector<1x16xi32>
    tpu.vector_store %arg15[%swap3A_1239, %swap3A_1240], %swap3A_1243 {strides = array<i32>} : memref<4x128xi32, #tpu.memory_space<vmem>>, vector<1x16xi32>,
    %eq3A_1244 = arith.constant 0 : i32
    %eq3A_1245 = vector.broadcast %eq3A_1244 : i32 to vector<16xi32>
    %eq3A_1246 = arith.cmpi eq, %get3A_1228, %eq3A_1245 : vector<16xi32>
    %sub3A_1247 = arith.constant 1 : i32
    %sub3A_1248 = vector.broadcast %sub3A_1247 : i32 to vector<16xi32>
    %sub3A_1249 = arith.subi %get3A_1228, %sub3A_1248 : vector<16xi32>
    %jit3A_1250 = arith.constant 99999 : i32
    %broadcast_in_dim3A_1251 = vector.broadcast %jit3A_1250 : i32 to vector<16xi32>
    %select_n3A_1252 = arith.select %eq3A_1246, %broadcast_in_dim3A_1251, %sub3A_1249 : vector<16xi1>, vector<16xi32>
    %swap3A_1253 = arith.constant 3 : i32
    %swap3A_1254 = arith.index_cast %swap3A_1253 : i32 to index
    %swap3A_1255 = arith.constant 96 : index
    %swap3A_1256 = tpu.vector_load %arg16[%swap3A_1254, %swap3A_1255] {strides = array<i32>} : memref<4x128xi32, #tpu.memory_space<vmem>>, vector<1x16xi32>,
    %swap3A_1257 = vector.shape_cast %swap3A_1256 : vector<1x16xi32> to vector<16xi32>
    %swap3A_1258 = vector.shape_cast %select_n3A_1252 : vector<16xi32> to vector<1x16xi32>
    tpu.vector_store %arg16[%swap3A_1254, %swap3A_1255], %swap3A_1258 {strides = array<i32>} : memref<4x128xi32, #tpu.memory_space<vmem>>, vector<1x16xi32>,
    %get3A_1259 = arith.constant 3 : i32
    %get3A_1260 = arith.index_cast %get3A_1259 : i32 to index
    %get3A_1261 = arith.constant 112 : index
    %get3A_1262 = tpu.vector_load %arg13[%get3A_1260, %get3A_1261] {strides = array<i32>} : memref<4x128xi32, #tpu.memory_space<vmem>>, vector<1x16xi32>,
    %get3A_1263 = vector.shape_cast %get3A_1262 : vector<1x16xi32> to vector<16xi32>
    %get3A_1264 = arith.constant 3 : i32
    %get3A_1265 = arith.index_cast %get3A_1264 : i32 to index
    %get3A_1266 = arith.constant 112 : index
    %get3A_1267 = tpu.vector_load %arg14[%get3A_1265, %get3A_1266] {strides = array<i32>} : memref<4x128xi32, #tpu.memory_space<vmem>>, vector<1x16xi32>,
    %get3A_1268 = vector.shape_cast %get3A_1267 : vector<1x16xi32> to vector<16xi32>
    %eq3A_1269 = arith.constant 0 : i32
    %eq3A_1270 = vector.broadcast %eq3A_1269 : i32 to vector<16xi32>
    %eq3A_1271 = arith.cmpi eq, %get3A_1263, %eq3A_1270 : vector<16xi32>
    %sub3A_1272 = arith.constant 1 : i32
    %sub3A_1273 = vector.broadcast %sub3A_1272 : i32 to vector<16xi32>
    %sub3A_1274 = arith.subi %get3A_1263, %sub3A_1273 : vector<16xi32>
    %jit3A_1275 = arith.constant 99999 : i32
    %broadcast_in_dim3A_1276 = vector.broadcast %jit3A_1275 : i32 to vector<16xi32>
    %select_n3A_1277 = arith.select %eq3A_1271, %broadcast_in_dim3A_1276, %sub3A_1274 : vector<16xi1>, vector<16xi32>
    %swap3A_1278 = arith.constant 3 : i32
    %swap3A_1279 = arith.index_cast %swap3A_1278 : i32 to index
    %swap3A_1280 = arith.constant 112 : index
    %swap3A_1281 = tpu.vector_load %arg15[%swap3A_1279, %swap3A_1280] {strides = array<i32>} : memref<4x128xi32, #tpu.memory_space<vmem>>, vector<1x16xi32>,
    %swap3A_1282 = vector.shape_cast %swap3A_1281 : vector<1x16xi32> to vector<16xi32>
    %swap3A_1283 = vector.shape_cast %select_n3A_1277 : vector<16xi32> to vector<1x16xi32>
    tpu.vector_store %arg15[%swap3A_1279, %swap3A_1280], %swap3A_1283 {strides = array<i32>} : memref<4x128xi32, #tpu.memory_space<vmem>>, vector<1x16xi32>,
    %eq3A_1284 = arith.constant 0 : i32
    %eq3A_1285 = vector.broadcast %eq3A_1284 : i32 to vector<16xi32>
    %eq3A_1286 = arith.cmpi eq, %get3A_1268, %eq3A_1285 : vector<16xi32>
    %sub3A_1287 = arith.constant 1 : i32
    %sub3A_1288 = vector.broadcast %sub3A_1287 : i32 to vector<16xi32>
    %sub3A_1289 = arith.subi %get3A_1268, %sub3A_1288 : vector<16xi32>
    %jit3A_1290 = arith.constant 99999 : i32
    %broadcast_in_dim3A_1291 = vector.broadcast %jit3A_1290 : i32 to vector<16xi32>
    %select_n3A_1292 = arith.select %eq3A_1286, %broadcast_in_dim3A_1291, %sub3A_1289 : vector<16xi1>, vector<16xi32>
    %swap3A_1293 = arith.constant 3 : i32
    %swap3A_1294 = arith.index_cast %swap3A_1293 : i32 to index
    %swap3A_1295 = arith.constant 112 : index
    %swap3A_1296 = tpu.vector_load %arg16[%swap3A_1294, %swap3A_1295] {strides = array<i32>} : memref<4x128xi32, #tpu.memory_space<vmem>>, vector<1x16xi32>,
    %swap3A_1297 = vector.shape_cast %swap3A_1296 : vector<1x16xi32> to vector<16xi32>
    %swap3A_1298 = vector.shape_cast %select_n3A_1292 : vector<16xi32> to vector<1x16xi32>
    tpu.vector_store %arg16[%swap3A_1294, %swap3A_1295], %swap3A_1298 {strides = array<i32>} : memref<4x128xi32, #tpu.memory_space<vmem>>, vector<1x16xi32>,
    %dma_start3A = arith.constant 0 : i32
    %dma_start3A_1299 = arith.constant 0 : i32
    %dma_start3A_1300 = arith.constant 0 : i32
    %dma_start3A_1301 = tpu.memref_slice %arg17[%dma_start3A_1299, %dma_start3A_1300] : memref<512x64xf32, #tpu.memory_space<vmem>> -> memref<128x64xf32, #tpu.memory_space<vmem>>
    %dma_start3A_1302 = arith.constant 0 : i32
    %dma_start3A_1303 = tpu.memref_slice %arg13[%dma_start3A, %dma_start3A_1302] : memref<4x128xi32, #tpu.memory_space<vmem>> -> memref<1x128xi32, #tpu.memory_space<vmem>>
    %dma_start3A_1304 = tpu.memref_squeeze %dma_start3A_1303 : memref<1x128xi32, #tpu.memory_space<vmem>> -> memref<128xi32, #tpu.memory_space<vmem>>
    %dma_start3A_1305 = arith.constant 0 : i32
    %dma_start3A_1306 = arith.constant 0 : i32
    %dma_start3A_1307 = tpu.memref_slice %arg4[%dma_start3A_1305, %dma_start3A_1306] : memref<100001x64xf32, #tpu.memory_space<hbm>> -> memref<100001x64xf32, #tpu.memory_space<hbm>>
    tpu.enqueue_indirect_dma source(%dma_start3A_1307 : memref<100001x64xf32, #tpu.memory_space<hbm>>) target(%dma_start3A_1301 : memref<128x64xf32, #tpu.memory_space<vmem>>) offsets(%dma_start3A_1304 : memref<128xi32, #tpu.memory_space<vmem>>) semaphore(%arg23 : memref<!tpu.dma_semaphore, #tpu.memory_space<semaphore_mem>>)
    %dma_start3A_1308 = arith.constant 0 : i32
    %dma_start3A_1309 = arith.constant 0 : i32
    %dma_start3A_1310 = arith.constant 0 : i32
    %dma_start3A_1311 = tpu.memref_slice %arg18[%dma_start3A_1309, %dma_start3A_1310] : memref<512x64xf32, #tpu.memory_space<vmem>> -> memref<128x64xf32, #tpu.memory_space<vmem>>
    %dma_start3A_1312 = arith.constant 0 : i32
    %dma_start3A_1313 = tpu.memref_slice %arg14[%dma_start3A_1308, %dma_start3A_1312] : memref<4x128xi32, #tpu.memory_space<vmem>> -> memref<1x128xi32, #tpu.memory_space<vmem>>
    %dma_start3A_1314 = tpu.memref_squeeze %dma_start3A_1313 : memref<1x128xi32, #tpu.memory_space<vmem>> -> memref<128xi32, #tpu.memory_space<vmem>>
    %dma_start3A_1315 = arith.constant 0 : i32
    %dma_start3A_1316 = arith.constant 0 : i32
    %dma_start3A_1317 = tpu.memref_slice %arg5[%dma_start3A_1315, %dma_start3A_1316] : memref<100001x64xf32, #tpu.memory_space<hbm>> -> memref<100001x64xf32, #tpu.memory_space<hbm>>
    tpu.enqueue_indirect_dma source(%dma_start3A_1317 : memref<100001x64xf32, #tpu.memory_space<hbm>>) target(%dma_start3A_1311 : memref<128x64xf32, #tpu.memory_space<vmem>>) offsets(%dma_start3A_1314 : memref<128xi32, #tpu.memory_space<vmem>>) semaphore(%arg23 : memref<!tpu.dma_semaphore, #tpu.memory_space<semaphore_mem>>)
    %dma_start3A_1318 = arith.constant 0 : i32
    %dma_start3A_1319 = arith.constant 0 : i32
    %dma_start3A_1320 = arith.constant 0 : i32
    %dma_start3A_1321 = tpu.memref_slice %arg19[%dma_start3A_1319, %dma_start3A_1320] : memref<512x24xf32, #tpu.memory_space<vmem>> -> memref<128x24xf32, #tpu.memory_space<vmem>>
    %dma_start3A_1322 = arith.constant 0 : i32
    %dma_start3A_1323 = tpu.memref_slice %arg15[%dma_start3A_1318, %dma_start3A_1322] : memref<4x128xi32, #tpu.memory_space<vmem>> -> memref<1x128xi32, #tpu.memory_space<vmem>>
    %dma_start3A_1324 = tpu.memref_squeeze %dma_start3A_1323 : memref<1x128xi32, #tpu.memory_space<vmem>> -> memref<128xi32, #tpu.memory_space<vmem>>
    %dma_start3A_1325 = arith.constant 0 : i32
    %dma_start3A_1326 = arith.constant 0 : i32
    %dma_start3A_1327 = tpu.memref_slice %arg8[%dma_start3A_1325, %dma_start3A_1326] : memref<100000x24xf32, #tpu.memory_space<hbm>> -> memref<100000x24xf32, #tpu.memory_space<hbm>>
    tpu.enqueue_indirect_dma source(%dma_start3A_1327 : memref<100000x24xf32, #tpu.memory_space<hbm>>) target(%dma_start3A_1321 : memref<128x24xf32, #tpu.memory_space<vmem>>) offsets(%dma_start3A_1324 : memref<128xi32, #tpu.memory_space<vmem>>) semaphore(%arg23 : memref<!tpu.dma_semaphore, #tpu.memory_space<semaphore_mem>>)
    %dma_start3A_1328 = arith.constant 0 : i32
    %dma_start3A_1329 = arith.constant 0 : i32
    %dma_start3A_1330 = arith.constant 0 : i32
    %dma_start3A_1331 = tpu.memref_slice %arg20[%dma_start3A_1329, %dma_start3A_1330] : memref<512x24xf32, #tpu.memory_space<vmem>> -> memref<128x24xf32, #tpu.memory_space<vmem>>
    %dma_start3A_1332 = arith.constant 0 : i32
    %dma_start3A_1333 = tpu.memref_slice %arg16[%dma_start3A_1328, %dma_start3A_1332] : memref<4x128xi32, #tpu.memory_space<vmem>> -> memref<1x128xi32, #tpu.memory_space<vmem>>
    %dma_start3A_1334 = tpu.memref_squeeze %dma_start3A_1333 : memref<1x128xi32, #tpu.memory_space<vmem>> -> memref<128xi32, #tpu.memory_space<vmem>>
    %dma_start3A_1335 = arith.constant 0 : i32
    %dma_start3A_1336 = arith.constant 0 : i32
    %dma_start3A_1337 = tpu.memref_slice %arg9[%dma_start3A_1335, %dma_start3A_1336] : memref<100000x24xf32, #tpu.memory_space<hbm>> -> memref<100000x24xf32, #tpu.memory_space<hbm>>
    tpu.enqueue_indirect_dma source(%dma_start3A_1337 : memref<100000x24xf32, #tpu.memory_space<hbm>>) target(%dma_start3A_1331 : memref<128x24xf32, #tpu.memory_space<vmem>>) offsets(%dma_start3A_1334 : memref<128xi32, #tpu.memory_space<vmem>>) semaphore(%arg23 : memref<!tpu.dma_semaphore, #tpu.memory_space<semaphore_mem>>)
    %dma_start3A_1338 = arith.constant 0 : i32
    %dma_start3A_1339 = arith.constant 0 : i32
    %dma_start3A_1340 = tpu.memref_slice %arg21[%dma_start3A_1339] : memref<512xf32, #tpu.memory_space<vmem>> -> memref<128xf32, #tpu.memory_space<vmem>>
    %dma_start3A_1341 = arith.constant 0 : i32
    %dma_start3A_1342 = tpu.memref_slice %arg13[%dma_start3A_1338, %dma_start3A_1341] : memref<4x128xi32, #tpu.memory_space<vmem>> -> memref<1x128xi32, #tpu.memory_space<vmem>>
    %dma_start3A_1343 = tpu.memref_squeeze %dma_start3A_1342 : memref<1x128xi32, #tpu.memory_space<vmem>> -> memref<128xi32, #tpu.memory_space<vmem>>
    %dma_start3A_1344 = arith.constant 0 : i32
    %dma_start3A_1345 = tpu.memref_slice %arg6[%dma_start3A_1344] : memref<100001xf32, #tpu.memory_space<hbm>> -> memref<100001xf32, #tpu.memory_space<hbm>>
    tpu.enqueue_indirect_dma source(%dma_start3A_1345 : memref<100001xf32, #tpu.memory_space<hbm>>) target(%dma_start3A_1340 : memref<128xf32, #tpu.memory_space<vmem>>) offsets(%dma_start3A_1343 : memref<128xi32, #tpu.memory_space<vmem>>) semaphore(%arg23 : memref<!tpu.dma_semaphore, #tpu.memory_space<semaphore_mem>>)
    %dma_start3A_1346 = arith.constant 0 : i32
    %dma_start3A_1347 = arith.constant 0 : i32
    %dma_start3A_1348 = tpu.memref_slice %arg22[%dma_start3A_1347] : memref<512xf32, #tpu.memory_space<vmem>> -> memref<128xf32, #tpu.memory_space<vmem>>
    %dma_start3A_1349 = arith.constant 0 : i32
    %dma_start3A_1350 = tpu.memref_slice %arg14[%dma_start3A_1346, %dma_start3A_1349] : memref<4x128xi32, #tpu.memory_space<vmem>> -> memref<1x128xi32, #tpu.memory_space<vmem>>
    %dma_start3A_1351 = tpu.memref_squeeze %dma_start3A_1350 : memref<1x128xi32, #tpu.memory_space<vmem>> -> memref<128xi32, #tpu.memory_space<vmem>>
    %dma_start3A_1352 = arith.constant 0 : i32
    %dma_start3A_1353 = tpu.memref_slice %arg7[%dma_start3A_1352] : memref<100001xf32, #tpu.memory_space<hbm>> -> memref<100001xf32, #tpu.memory_space<hbm>>
    tpu.enqueue_indirect_dma source(%dma_start3A_1353 : memref<100001xf32, #tpu.memory_space<hbm>>) target(%dma_start3A_1348 : memref<128xf32, #tpu.memory_space<vmem>>) offsets(%dma_start3A_1351 : memref<128xi32, #tpu.memory_space<vmem>>) semaphore(%arg23 : memref<!tpu.dma_semaphore, #tpu.memory_space<semaphore_mem>>)
    %dma_start3A_1354 = arith.constant 1 : i32
    %dma_start3A_1355 = arith.constant 128 : i32
    %dma_start3A_1356 = arith.constant 0 : i32
    %dma_start3A_1357 = tpu.memref_slice %arg17[%dma_start3A_1355, %dma_start3A_1356] : memref<512x64xf32, #tpu.memory_space<vmem>> -> memref<128x64xf32, #tpu.memory_space<vmem>>
    %dma_start3A_1358 = arith.constant 0 : i32
    %dma_start3A_1359 = tpu.memref_slice %arg13[%dma_start3A_1354, %dma_start3A_1358] : memref<4x128xi32, #tpu.memory_space<vmem>> -> memref<1x128xi32, #tpu.memory_space<vmem>>
    %dma_start3A_1360 = tpu.memref_squeeze %dma_start3A_1359 : memref<1x128xi32, #tpu.memory_space<vmem>> -> memref<128xi32, #tpu.memory_space<vmem>>
    %dma_start3A_1361 = arith.constant 0 : i32
    %dma_start3A_1362 = arith.constant 0 : i32
    %dma_start3A_1363 = tpu.memref_slice %arg4[%dma_start3A_1361, %dma_start3A_1362] : memref<100001x64xf32, #tpu.memory_space<hbm>> -> memref<100001x64xf32, #tpu.memory_space<hbm>>
    tpu.enqueue_indirect_dma source(%dma_start3A_1363 : memref<100001x64xf32, #tpu.memory_space<hbm>>) target(%dma_start3A_1357 : memref<128x64xf32, #tpu.memory_space<vmem>>) offsets(%dma_start3A_1360 : memref<128xi32, #tpu.memory_space<vmem>>) semaphore(%arg23 : memref<!tpu.dma_semaphore, #tpu.memory_space<semaphore_mem>>)
    %dma_start3A_1364 = arith.constant 1 : i32
    %dma_start3A_1365 = arith.constant 128 : i32
    %dma_start3A_1366 = arith.constant 0 : i32
    %dma_start3A_1367 = tpu.memref_slice %arg18[%dma_start3A_1365, %dma_start3A_1366] : memref<512x64xf32, #tpu.memory_space<vmem>> -> memref<128x64xf32, #tpu.memory_space<vmem>>
    %dma_start3A_1368 = arith.constant 0 : i32
    %dma_start3A_1369 = tpu.memref_slice %arg14[%dma_start3A_1364, %dma_start3A_1368] : memref<4x128xi32, #tpu.memory_space<vmem>> -> memref<1x128xi32, #tpu.memory_space<vmem>>
    %dma_start3A_1370 = tpu.memref_squeeze %dma_start3A_1369 : memref<1x128xi32, #tpu.memory_space<vmem>> -> memref<128xi32, #tpu.memory_space<vmem>>
    %dma_start3A_1371 = arith.constant 0 : i32
    %dma_start3A_1372 = arith.constant 0 : i32
    %dma_start3A_1373 = tpu.memref_slice %arg5[%dma_start3A_1371, %dma_start3A_1372] : memref<100001x64xf32, #tpu.memory_space<hbm>> -> memref<100001x64xf32, #tpu.memory_space<hbm>>
    tpu.enqueue_indirect_dma source(%dma_start3A_1373 : memref<100001x64xf32, #tpu.memory_space<hbm>>) target(%dma_start3A_1367 : memref<128x64xf32, #tpu.memory_space<vmem>>) offsets(%dma_start3A_1370 : memref<128xi32, #tpu.memory_space<vmem>>) semaphore(%arg23 : memref<!tpu.dma_semaphore, #tpu.memory_space<semaphore_mem>>)
    %dma_start3A_1374 = arith.constant 1 : i32
    %dma_start3A_1375 = arith.constant 128 : i32
    %dma_start3A_1376 = arith.constant 0 : i32
    %dma_start3A_1377 = tpu.memref_slice %arg19[%dma_start3A_1375, %dma_start3A_1376] : memref<512x24xf32, #tpu.memory_space<vmem>> -> memref<128x24xf32, #tpu.memory_space<vmem>>
    %dma_start3A_1378 = arith.constant 0 : i32
    %dma_start3A_1379 = tpu.memref_slice %arg15[%dma_start3A_1374, %dma_start3A_1378] : memref<4x128xi32, #tpu.memory_space<vmem>> -> memref<1x128xi32, #tpu.memory_space<vmem>>
    %dma_start3A_1380 = tpu.memref_squeeze %dma_start3A_1379 : memref<1x128xi32, #tpu.memory_space<vmem>> -> memref<128xi32, #tpu.memory_space<vmem>>
    %dma_start3A_1381 = arith.constant 0 : i32
    %dma_start3A_1382 = arith.constant 0 : i32
    %dma_start3A_1383 = tpu.memref_slice %arg8[%dma_start3A_1381, %dma_start3A_1382] : memref<100000x24xf32, #tpu.memory_space<hbm>> -> memref<100000x24xf32, #tpu.memory_space<hbm>>
    tpu.enqueue_indirect_dma source(%dma_start3A_1383 : memref<100000x24xf32, #tpu.memory_space<hbm>>) target(%dma_start3A_1377 : memref<128x24xf32, #tpu.memory_space<vmem>>) offsets(%dma_start3A_1380 : memref<128xi32, #tpu.memory_space<vmem>>) semaphore(%arg23 : memref<!tpu.dma_semaphore, #tpu.memory_space<semaphore_mem>>)
    %dma_start3A_1384 = arith.constant 1 : i32
    %dma_start3A_1385 = arith.constant 128 : i32
    %dma_start3A_1386 = arith.constant 0 : i32
    %dma_start3A_1387 = tpu.memref_slice %arg20[%dma_start3A_1385, %dma_start3A_1386] : memref<512x24xf32, #tpu.memory_space<vmem>> -> memref<128x24xf32, #tpu.memory_space<vmem>>
    %dma_start3A_1388 = arith.constant 0 : i32
    %dma_start3A_1389 = tpu.memref_slice %arg16[%dma_start3A_1384, %dma_start3A_1388] : memref<4x128xi32, #tpu.memory_space<vmem>> -> memref<1x128xi32, #tpu.memory_space<vmem>>
    %dma_start3A_1390 = tpu.memref_squeeze %dma_start3A_1389 : memref<1x128xi32, #tpu.memory_space<vmem>> -> memref<128xi32, #tpu.memory_space<vmem>>
    %dma_start3A_1391 = arith.constant 0 : i32
    %dma_start3A_1392 = arith.constant 0 : i32
    %dma_start3A_1393 = tpu.memref_slice %arg9[%dma_start3A_1391, %dma_start3A_1392] : memref<100000x24xf32, #tpu.memory_space<hbm>> -> memref<100000x24xf32, #tpu.memory_space<hbm>>
    tpu.enqueue_indirect_dma source(%dma_start3A_1393 : memref<100000x24xf32, #tpu.memory_space<hbm>>) target(%dma_start3A_1387 : memref<128x24xf32, #tpu.memory_space<vmem>>) offsets(%dma_start3A_1390 : memref<128xi32, #tpu.memory_space<vmem>>) semaphore(%arg23 : memref<!tpu.dma_semaphore, #tpu.memory_space<semaphore_mem>>)
    %dma_start3A_1394 = arith.constant 1 : i32
    %dma_start3A_1395 = arith.constant 128 : i32
    %dma_start3A_1396 = tpu.memref_slice %arg21[%dma_start3A_1395] : memref<512xf32, #tpu.memory_space<vmem>> -> memref<128xf32, #tpu.memory_space<vmem>>
    %dma_start3A_1397 = arith.constant 0 : i32
    %dma_start3A_1398 = tpu.memref_slice %arg13[%dma_start3A_1394, %dma_start3A_1397] : memref<4x128xi32, #tpu.memory_space<vmem>> -> memref<1x128xi32, #tpu.memory_space<vmem>>
    %dma_start3A_1399 = tpu.memref_squeeze %dma_start3A_1398 : memref<1x128xi32, #tpu.memory_space<vmem>> -> memref<128xi32, #tpu.memory_space<vmem>>
    %dma_start3A_1400 = arith.constant 0 : i32
    %dma_start3A_1401 = tpu.memref_slice %arg6[%dma_start3A_1400] : memref<100001xf32, #tpu.memory_space<hbm>> -> memref<100001xf32, #tpu.memory_space<hbm>>
    tpu.enqueue_indirect_dma source(%dma_start3A_1401 : memref<100001xf32, #tpu.memory_space<hbm>>) target(%dma_start3A_1396 : memref<128xf32, #tpu.memory_space<vmem>>) offsets(%dma_start3A_1399 : memref<128xi32, #tpu.memory_space<vmem>>) semaphore(%arg23 : memref<!tpu.dma_semaphore, #tpu.memory_space<semaphore_mem>>)
    %dma_start3A_1402 = arith.constant 1 : i32
    %dma_start3A_1403 = arith.constant 128 : i32
    %dma_start3A_1404 = tpu.memref_slice %arg22[%dma_start3A_1403] : memref<512xf32, #tpu.memory_space<vmem>> -> memref<128xf32, #tpu.memory_space<vmem>>
    %dma_start3A_1405 = arith.constant 0 : i32
    %dma_start3A_1406 = tpu.memref_slice %arg14[%dma_start3A_1402, %dma_start3A_1405] : memref<4x128xi32, #tpu.memory_space<vmem>> -> memref<1x128xi32, #tpu.memory_space<vmem>>
    %dma_start3A_1407 = tpu.memref_squeeze %dma_start3A_1406 : memref<1x128xi32, #tpu.memory_space<vmem>> -> memref<128xi32, #tpu.memory_space<vmem>>
    %dma_start3A_1408 = arith.constant 0 : i32
    %dma_start3A_1409 = tpu.memref_slice %arg7[%dma_start3A_1408] : memref<100001xf32, #tpu.memory_space<hbm>> -> memref<100001xf32, #tpu.memory_space<hbm>>
    tpu.enqueue_indirect_dma source(%dma_start3A_1409 : memref<100001xf32, #tpu.memory_space<hbm>>) target(%dma_start3A_1404 : memref<128xf32, #tpu.memory_space<vmem>>) offsets(%dma_start3A_1407 : memref<128xi32, #tpu.memory_space<vmem>>) semaphore(%arg23 : memref<!tpu.dma_semaphore, #tpu.memory_space<semaphore_mem>>)
    %dma_start3A_1410 = arith.constant 2 : i32
    %dma_start3A_1411 = arith.constant 256 : i32
    %dma_start3A_1412 = arith.constant 0 : i32
    %dma_start3A_1413 = tpu.memref_slice %arg17[%dma_start3A_1411, %dma_start3A_1412] : memref<512x64xf32, #tpu.memory_space<vmem>> -> memref<128x64xf32, #tpu.memory_space<vmem>>
    %dma_start3A_1414 = arith.constant 0 : i32
    %dma_start3A_1415 = tpu.memref_slice %arg13[%dma_start3A_1410, %dma_start3A_1414] : memref<4x128xi32, #tpu.memory_space<vmem>> -> memref<1x128xi32, #tpu.memory_space<vmem>>
    %dma_start3A_1416 = tpu.memref_squeeze %dma_start3A_1415 : memref<1x128xi32, #tpu.memory_space<vmem>> -> memref<128xi32, #tpu.memory_space<vmem>>
    %dma_start3A_1417 = arith.constant 0 : i32
    %dma_start3A_1418 = arith.constant 0 : i32
    %dma_start3A_1419 = tpu.memref_slice %arg4[%dma_start3A_1417, %dma_start3A_1418] : memref<100001x64xf32, #tpu.memory_space<hbm>> -> memref<100001x64xf32, #tpu.memory_space<hbm>>
    tpu.enqueue_indirect_dma source(%dma_start3A_1419 : memref<100001x64xf32, #tpu.memory_space<hbm>>) target(%dma_start3A_1413 : memref<128x64xf32, #tpu.memory_space<vmem>>) offsets(%dma_start3A_1416 : memref<128xi32, #tpu.memory_space<vmem>>) semaphore(%arg23 : memref<!tpu.dma_semaphore, #tpu.memory_space<semaphore_mem>>)
    %dma_start3A_1420 = arith.constant 2 : i32
    %dma_start3A_1421 = arith.constant 256 : i32
    %dma_start3A_1422 = arith.constant 0 : i32
    %dma_start3A_1423 = tpu.memref_slice %arg18[%dma_start3A_1421, %dma_start3A_1422] : memref<512x64xf32, #tpu.memory_space<vmem>> -> memref<128x64xf32, #tpu.memory_space<vmem>>
    %dma_start3A_1424 = arith.constant 0 : i32
    %dma_start3A_1425 = tpu.memref_slice %arg14[%dma_start3A_1420, %dma_start3A_1424] : memref<4x128xi32, #tpu.memory_space<vmem>> -> memref<1x128xi32, #tpu.memory_space<vmem>>
    %dma_start3A_1426 = tpu.memref_squeeze %dma_start3A_1425 : memref<1x128xi32, #tpu.memory_space<vmem>> -> memref<128xi32, #tpu.memory_space<vmem>>
    %dma_start3A_1427 = arith.constant 0 : i32
    %dma_start3A_1428 = arith.constant 0 : i32
    %dma_start3A_1429 = tpu.memref_slice %arg5[%dma_start3A_1427, %dma_start3A_1428] : memref<100001x64xf32, #tpu.memory_space<hbm>> -> memref<100001x64xf32, #tpu.memory_space<hbm>>
    tpu.enqueue_indirect_dma source(%dma_start3A_1429 : memref<100001x64xf32, #tpu.memory_space<hbm>>) target(%dma_start3A_1423 : memref<128x64xf32, #tpu.memory_space<vmem>>) offsets(%dma_start3A_1426 : memref<128xi32, #tpu.memory_space<vmem>>) semaphore(%arg23 : memref<!tpu.dma_semaphore, #tpu.memory_space<semaphore_mem>>)
    %dma_start3A_1430 = arith.constant 2 : i32
    %dma_start3A_1431 = arith.constant 256 : i32
    %dma_start3A_1432 = arith.constant 0 : i32
    %dma_start3A_1433 = tpu.memref_slice %arg19[%dma_start3A_1431, %dma_start3A_1432] : memref<512x24xf32, #tpu.memory_space<vmem>> -> memref<128x24xf32, #tpu.memory_space<vmem>>
    %dma_start3A_1434 = arith.constant 0 : i32
    %dma_start3A_1435 = tpu.memref_slice %arg15[%dma_start3A_1430, %dma_start3A_1434] : memref<4x128xi32, #tpu.memory_space<vmem>> -> memref<1x128xi32, #tpu.memory_space<vmem>>
    %dma_start3A_1436 = tpu.memref_squeeze %dma_start3A_1435 : memref<1x128xi32, #tpu.memory_space<vmem>> -> memref<128xi32, #tpu.memory_space<vmem>>
    %dma_start3A_1437 = arith.constant 0 : i32
    %dma_start3A_1438 = arith.constant 0 : i32
    %dma_start3A_1439 = tpu.memref_slice %arg8[%dma_start3A_1437, %dma_start3A_1438] : memref<100000x24xf32, #tpu.memory_space<hbm>> -> memref<100000x24xf32, #tpu.memory_space<hbm>>
    tpu.enqueue_indirect_dma source(%dma_start3A_1439 : memref<100000x24xf32, #tpu.memory_space<hbm>>) target(%dma_start3A_1433 : memref<128x24xf32, #tpu.memory_space<vmem>>) offsets(%dma_start3A_1436 : memref<128xi32, #tpu.memory_space<vmem>>) semaphore(%arg23 : memref<!tpu.dma_semaphore, #tpu.memory_space<semaphore_mem>>)
    %dma_start3A_1440 = arith.constant 2 : i32
    %dma_start3A_1441 = arith.constant 256 : i32
    %dma_start3A_1442 = arith.constant 0 : i32
    %dma_start3A_1443 = tpu.memref_slice %arg20[%dma_start3A_1441, %dma_start3A_1442] : memref<512x24xf32, #tpu.memory_space<vmem>> -> memref<128x24xf32, #tpu.memory_space<vmem>>
    %dma_start3A_1444 = arith.constant 0 : i32
    %dma_start3A_1445 = tpu.memref_slice %arg16[%dma_start3A_1440, %dma_start3A_1444] : memref<4x128xi32, #tpu.memory_space<vmem>> -> memref<1x128xi32, #tpu.memory_space<vmem>>
    %dma_start3A_1446 = tpu.memref_squeeze %dma_start3A_1445 : memref<1x128xi32, #tpu.memory_space<vmem>> -> memref<128xi32, #tpu.memory_space<vmem>>
    %dma_start3A_1447 = arith.constant 0 : i32
    %dma_start3A_1448 = arith.constant 0 : i32
    %dma_start3A_1449 = tpu.memref_slice %arg9[%dma_start3A_1447, %dma_start3A_1448] : memref<100000x24xf32, #tpu.memory_space<hbm>> -> memref<100000x24xf32, #tpu.memory_space<hbm>>
    tpu.enqueue_indirect_dma source(%dma_start3A_1449 : memref<100000x24xf32, #tpu.memory_space<hbm>>) target(%dma_start3A_1443 : memref<128x24xf32, #tpu.memory_space<vmem>>) offsets(%dma_start3A_1446 : memref<128xi32, #tpu.memory_space<vmem>>) semaphore(%arg23 : memref<!tpu.dma_semaphore, #tpu.memory_space<semaphore_mem>>)
    %dma_start3A_1450 = arith.constant 2 : i32
    %dma_start3A_1451 = arith.constant 256 : i32
    %dma_start3A_1452 = tpu.memref_slice %arg21[%dma_start3A_1451] : memref<512xf32, #tpu.memory_space<vmem>> -> memref<128xf32, #tpu.memory_space<vmem>>
    %dma_start3A_1453 = arith.constant 0 : i32
    %dma_start3A_1454 = tpu.memref_slice %arg13[%dma_start3A_1450, %dma_start3A_1453] : memref<4x128xi32, #tpu.memory_space<vmem>> -> memref<1x128xi32, #tpu.memory_space<vmem>>
    %dma_start3A_1455 = tpu.memref_squeeze %dma_start3A_1454 : memref<1x128xi32, #tpu.memory_space<vmem>> -> memref<128xi32, #tpu.memory_space<vmem>>
    %dma_start3A_1456 = arith.constant 0 : i32
    %dma_start3A_1457 = tpu.memref_slice %arg6[%dma_start3A_1456] : memref<100001xf32, #tpu.memory_space<hbm>> -> memref<100001xf32, #tpu.memory_space<hbm>>
    tpu.enqueue_indirect_dma source(%dma_start3A_1457 : memref<100001xf32, #tpu.memory_space<hbm>>) target(%dma_start3A_1452 : memref<128xf32, #tpu.memory_space<vmem>>) offsets(%dma_start3A_1455 : memref<128xi32, #tpu.memory_space<vmem>>) semaphore(%arg23 : memref<!tpu.dma_semaphore, #tpu.memory_space<semaphore_mem>>)
    %dma_start3A_1458 = arith.constant 2 : i32
    %dma_start3A_1459 = arith.constant 256 : i32
    %dma_start3A_1460 = tpu.memref_slice %arg22[%dma_start3A_1459] : memref<512xf32, #tpu.memory_space<vmem>> -> memref<128xf32, #tpu.memory_space<vmem>>
    %dma_start3A_1461 = arith.constant 0 : i32
    %dma_start3A_1462 = tpu.memref_slice %arg14[%dma_start3A_1458, %dma_start3A_1461] : memref<4x128xi32, #tpu.memory_space<vmem>> -> memref<1x128xi32, #tpu.memory_space<vmem>>
    %dma_start3A_1463 = tpu.memref_squeeze %dma_start3A_1462 : memref<1x128xi32, #tpu.memory_space<vmem>> -> memref<128xi32, #tpu.memory_space<vmem>>
    %dma_start3A_1464 = arith.constant 0 : i32
    %dma_start3A_1465 = tpu.memref_slice %arg7[%dma_start3A_1464] : memref<100001xf32, #tpu.memory_space<hbm>> -> memref<100001xf32, #tpu.memory_space<hbm>>
    tpu.enqueue_indirect_dma source(%dma_start3A_1465 : memref<100001xf32, #tpu.memory_space<hbm>>) target(%dma_start3A_1460 : memref<128xf32, #tpu.memory_space<vmem>>) offsets(%dma_start3A_1463 : memref<128xi32, #tpu.memory_space<vmem>>) semaphore(%arg23 : memref<!tpu.dma_semaphore, #tpu.memory_space<semaphore_mem>>)
    %dma_start3A_1466 = arith.constant 3 : i32
    %dma_start3A_1467 = arith.constant 384 : i32
    %dma_start3A_1468 = arith.constant 0 : i32
    %dma_start3A_1469 = tpu.memref_slice %arg17[%dma_start3A_1467, %dma_start3A_1468] : memref<512x64xf32, #tpu.memory_space<vmem>> -> memref<128x64xf32, #tpu.memory_space<vmem>>
    %dma_start3A_1470 = arith.constant 0 : i32
    %dma_start3A_1471 = tpu.memref_slice %arg13[%dma_start3A_1466, %dma_start3A_1470] : memref<4x128xi32, #tpu.memory_space<vmem>> -> memref<1x128xi32, #tpu.memory_space<vmem>>
    %dma_start3A_1472 = tpu.memref_squeeze %dma_start3A_1471 : memref<1x128xi32, #tpu.memory_space<vmem>> -> memref<128xi32, #tpu.memory_space<vmem>>
    %dma_start3A_1473 = arith.constant 0 : i32
    %dma_start3A_1474 = arith.constant 0 : i32
    %dma_start3A_1475 = tpu.memref_slice %arg4[%dma_start3A_1473, %dma_start3A_1474] : memref<100001x64xf32, #tpu.memory_space<hbm>> -> memref<100001x64xf32, #tpu.memory_space<hbm>>
    tpu.enqueue_indirect_dma source(%dma_start3A_1475 : memref<100001x64xf32, #tpu.memory_space<hbm>>) target(%dma_start3A_1469 : memref<128x64xf32, #tpu.memory_space<vmem>>) offsets(%dma_start3A_1472 : memref<128xi32, #tpu.memory_space<vmem>>) semaphore(%arg23 : memref<!tpu.dma_semaphore, #tpu.memory_space<semaphore_mem>>)
    %dma_start3A_1476 = arith.constant 3 : i32
    %dma_start3A_1477 = arith.constant 384 : i32
    %dma_start3A_1478 = arith.constant 0 : i32
    %dma_start3A_1479 = tpu.memref_slice %arg18[%dma_start3A_1477, %dma_start3A_1478] : memref<512x64xf32, #tpu.memory_space<vmem>> -> memref<128x64xf32, #tpu.memory_space<vmem>>
    %dma_start3A_1480 = arith.constant 0 : i32
    %dma_start3A_1481 = tpu.memref_slice %arg14[%dma_start3A_1476, %dma_start3A_1480] : memref<4x128xi32, #tpu.memory_space<vmem>> -> memref<1x128xi32, #tpu.memory_space<vmem>>
    %dma_start3A_1482 = tpu.memref_squeeze %dma_start3A_1481 : memref<1x128xi32, #tpu.memory_space<vmem>> -> memref<128xi32, #tpu.memory_space<vmem>>
    %dma_start3A_1483 = arith.constant 0 : i32
    %dma_start3A_1484 = arith.constant 0 : i32
    %dma_start3A_1485 = tpu.memref_slice %arg5[%dma_start3A_1483, %dma_start3A_1484] : memref<100001x64xf32, #tpu.memory_space<hbm>> -> memref<100001x64xf32, #tpu.memory_space<hbm>>
    tpu.enqueue_indirect_dma source(%dma_start3A_1485 : memref<100001x64xf32, #tpu.memory_space<hbm>>) target(%dma_start3A_1479 : memref<128x64xf32, #tpu.memory_space<vmem>>) offsets(%dma_start3A_1482 : memref<128xi32, #tpu.memory_space<vmem>>) semaphore(%arg23 : memref<!tpu.dma_semaphore, #tpu.memory_space<semaphore_mem>>)
    %dma_start3A_1486 = arith.constant 3 : i32
    %dma_start3A_1487 = arith.constant 384 : i32
    %dma_start3A_1488 = arith.constant 0 : i32
    %dma_start3A_1489 = tpu.memref_slice %arg19[%dma_start3A_1487, %dma_start3A_1488] : memref<512x24xf32, #tpu.memory_space<vmem>> -> memref<128x24xf32, #tpu.memory_space<vmem>>
    %dma_start3A_1490 = arith.constant 0 : i32
    %dma_start3A_1491 = tpu.memref_slice %arg15[%dma_start3A_1486, %dma_start3A_1490] : memref<4x128xi32, #tpu.memory_space<vmem>> -> memref<1x128xi32, #tpu.memory_space<vmem>>
    %dma_start3A_1492 = tpu.memref_squeeze %dma_start3A_1491 : memref<1x128xi32, #tpu.memory_space<vmem>> -> memref<128xi32, #tpu.memory_space<vmem>>
    %dma_start3A_1493 = arith.constant 0 : i32
    %dma_start3A_1494 = arith.constant 0 : i32
    %dma_start3A_1495 = tpu.memref_slice %arg8[%dma_start3A_1493, %dma_start3A_1494] : memref<100000x24xf32, #tpu.memory_space<hbm>> -> memref<100000x24xf32, #tpu.memory_space<hbm>>
    tpu.enqueue_indirect_dma source(%dma_start3A_1495 : memref<100000x24xf32, #tpu.memory_space<hbm>>) target(%dma_start3A_1489 : memref<128x24xf32, #tpu.memory_space<vmem>>) offsets(%dma_start3A_1492 : memref<128xi32, #tpu.memory_space<vmem>>) semaphore(%arg23 : memref<!tpu.dma_semaphore, #tpu.memory_space<semaphore_mem>>)
    %dma_start3A_1496 = arith.constant 3 : i32
    %dma_start3A_1497 = arith.constant 384 : i32
    %dma_start3A_1498 = arith.constant 0 : i32
    %dma_start3A_1499 = tpu.memref_slice %arg20[%dma_start3A_1497, %dma_start3A_1498] : memref<512x24xf32, #tpu.memory_space<vmem>> -> memref<128x24xf32, #tpu.memory_space<vmem>>
    %dma_start3A_1500 = arith.constant 0 : i32
    %dma_start3A_1501 = tpu.memref_slice %arg16[%dma_start3A_1496, %dma_start3A_1500] : memref<4x128xi32, #tpu.memory_space<vmem>> -> memref<1x128xi32, #tpu.memory_space<vmem>>
    %dma_start3A_1502 = tpu.memref_squeeze %dma_start3A_1501 : memref<1x128xi32, #tpu.memory_space<vmem>> -> memref<128xi32, #tpu.memory_space<vmem>>
    %dma_start3A_1503 = arith.constant 0 : i32
    %dma_start3A_1504 = arith.constant 0 : i32
    %dma_start3A_1505 = tpu.memref_slice %arg9[%dma_start3A_1503, %dma_start3A_1504] : memref<100000x24xf32, #tpu.memory_space<hbm>> -> memref<100000x24xf32, #tpu.memory_space<hbm>>
    tpu.enqueue_indirect_dma source(%dma_start3A_1505 : memref<100000x24xf32, #tpu.memory_space<hbm>>) target(%dma_start3A_1499 : memref<128x24xf32, #tpu.memory_space<vmem>>) offsets(%dma_start3A_1502 : memref<128xi32, #tpu.memory_space<vmem>>) semaphore(%arg23 : memref<!tpu.dma_semaphore, #tpu.memory_space<semaphore_mem>>)
    %dma_start3A_1506 = arith.constant 3 : i32
    %dma_start3A_1507 = arith.constant 384 : i32
    %dma_start3A_1508 = tpu.memref_slice %arg21[%dma_start3A_1507] : memref<512xf32, #tpu.memory_space<vmem>> -> memref<128xf32, #tpu.memory_space<vmem>>
    %dma_start3A_1509 = arith.constant 0 : i32
    %dma_start3A_1510 = tpu.memref_slice %arg13[%dma_start3A_1506, %dma_start3A_1509] : memref<4x128xi32, #tpu.memory_space<vmem>> -> memref<1x128xi32, #tpu.memory_space<vmem>>
    %dma_start3A_1511 = tpu.memref_squeeze %dma_start3A_1510 : memref<1x128xi32, #tpu.memory_space<vmem>> -> memref<128xi32, #tpu.memory_space<vmem>>
    %dma_start3A_1512 = arith.constant 0 : i32
    %dma_start3A_1513 = tpu.memref_slice %arg6[%dma_start3A_1512] : memref<100001xf32, #tpu.memory_space<hbm>> -> memref<100001xf32, #tpu.memory_space<hbm>>
    tpu.enqueue_indirect_dma source(%dma_start3A_1513 : memref<100001xf32, #tpu.memory_space<hbm>>) target(%dma_start3A_1508 : memref<128xf32, #tpu.memory_space<vmem>>) offsets(%dma_start3A_1511 : memref<128xi32, #tpu.memory_space<vmem>>) semaphore(%arg23 : memref<!tpu.dma_semaphore, #tpu.memory_space<semaphore_mem>>)
    %dma_start3A_1514 = arith.constant 3 : i32
    %dma_start3A_1515 = arith.constant 384 : i32
    %dma_start3A_1516 = tpu.memref_slice %arg22[%dma_start3A_1515] : memref<512xf32, #tpu.memory_space<vmem>> -> memref<128xf32, #tpu.memory_space<vmem>>
    %dma_start3A_1517 = arith.constant 0 : i32
    %dma_start3A_1518 = tpu.memref_slice %arg14[%dma_start3A_1514, %dma_start3A_1517] : memref<4x128xi32, #tpu.memory_space<vmem>> -> memref<1x128xi32, #tpu.memory_space<vmem>>
    %dma_start3A_1519 = tpu.memref_squeeze %dma_start3A_1518 : memref<1x128xi32, #tpu.memory_space<vmem>> -> memref<128xi32, #tpu.memory_space<vmem>>
    %dma_start3A_1520 = arith.constant 0 : i32
    %dma_start3A_1521 = tpu.memref_slice %arg7[%dma_start3A_1520] : memref<100001xf32, #tpu.memory_space<hbm>> -> memref<100001xf32, #tpu.memory_space<hbm>>
    tpu.enqueue_indirect_dma source(%dma_start3A_1521 : memref<100001xf32, #tpu.memory_space<hbm>>) target(%dma_start3A_1516 : memref<128xf32, #tpu.memory_space<vmem>>) offsets(%dma_start3A_1519 : memref<128xi32, #tpu.memory_space<vmem>>) semaphore(%arg23 : memref<!tpu.dma_semaphore, #tpu.memory_space<semaphore_mem>>)
    %dma_wait3A = arith.constant 0 : i32
    %dma_wait3A_1522 = arith.constant 0 : i32
    %dma_wait3A_1523 = arith.constant 0 : i32
    %dma_wait3A_1524 = tpu.memref_slice %arg17[%dma_wait3A_1522, %dma_wait3A_1523] : memref<512x64xf32, #tpu.memory_space<vmem>> -> memref<128x64xf32, #tpu.memory_space<vmem>>
    %dma_wait3A_1525 = arith.constant 0 : i32
    %dma_wait3A_1526 = tpu.memref_slice %arg13[%dma_wait3A, %dma_wait3A_1525] : memref<4x128xi32, #tpu.memory_space<vmem>> -> memref<1x128xi32, #tpu.memory_space<vmem>>
    %dma_wait3A_1527 = tpu.memref_squeeze %dma_wait3A_1526 : memref<1x128xi32, #tpu.memory_space<vmem>> -> memref<128xi32, #tpu.memory_space<vmem>>
    %dma_wait3A_1528 = arith.constant 0 : i32
    %dma_wait3A_1529 = arith.constant 0 : i32
    %dma_wait3A_1530 = tpu.memref_slice %arg4[%dma_wait3A_1528, %dma_wait3A_1529] : memref<100001x64xf32, #tpu.memory_space<hbm>> -> memref<100001x64xf32, #tpu.memory_space<hbm>>
    tpu.wait_indirect_dma semaphore(%arg23 : memref<!tpu.dma_semaphore, #tpu.memory_space<semaphore_mem>>) src(%dma_wait3A_1530 : memref<100001x64xf32, #tpu.memory_space<hbm>>) dst(%dma_wait3A_1524 : memref<128x64xf32, #tpu.memory_space<vmem>>)
    %dma_wait3A_1531 = arith.constant 0 : i32
    %dma_wait3A_1532 = arith.constant 0 : i32
    %dma_wait3A_1533 = arith.constant 0 : i32
    %dma_wait3A_1534 = tpu.memref_slice %arg18[%dma_wait3A_1532, %dma_wait3A_1533] : memref<512x64xf32, #tpu.memory_space<vmem>> -> memref<128x64xf32, #tpu.memory_space<vmem>>
    %dma_wait3A_1535 = arith.constant 0 : i32
    %dma_wait3A_1536 = tpu.memref_slice %arg14[%dma_wait3A_1531, %dma_wait3A_1535] : memref<4x128xi32, #tpu.memory_space<vmem>> -> memref<1x128xi32, #tpu.memory_space<vmem>>
    %dma_wait3A_1537 = tpu.memref_squeeze %dma_wait3A_1536 : memref<1x128xi32, #tpu.memory_space<vmem>> -> memref<128xi32, #tpu.memory_space<vmem>>
    %dma_wait3A_1538 = arith.constant 0 : i32
    %dma_wait3A_1539 = arith.constant 0 : i32
    %dma_wait3A_1540 = tpu.memref_slice %arg5[%dma_wait3A_1538, %dma_wait3A_1539] : memref<100001x64xf32, #tpu.memory_space<hbm>> -> memref<100001x64xf32, #tpu.memory_space<hbm>>
    tpu.wait_indirect_dma semaphore(%arg23 : memref<!tpu.dma_semaphore, #tpu.memory_space<semaphore_mem>>) src(%dma_wait3A_1540 : memref<100001x64xf32, #tpu.memory_space<hbm>>) dst(%dma_wait3A_1534 : memref<128x64xf32, #tpu.memory_space<vmem>>)
    %dma_wait3A_1541 = arith.constant 0 : i32
    %dma_wait3A_1542 = arith.constant 0 : i32
    %dma_wait3A_1543 = arith.constant 0 : i32
    %dma_wait3A_1544 = tpu.memref_slice %arg19[%dma_wait3A_1542, %dma_wait3A_1543] : memref<512x24xf32, #tpu.memory_space<vmem>> -> memref<128x24xf32, #tpu.memory_space<vmem>>
    %dma_wait3A_1545 = arith.constant 0 : i32
    %dma_wait3A_1546 = tpu.memref_slice %arg15[%dma_wait3A_1541, %dma_wait3A_1545] : memref<4x128xi32, #tpu.memory_space<vmem>> -> memref<1x128xi32, #tpu.memory_space<vmem>>
    %dma_wait3A_1547 = tpu.memref_squeeze %dma_wait3A_1546 : memref<1x128xi32, #tpu.memory_space<vmem>> -> memref<128xi32, #tpu.memory_space<vmem>>
    %dma_wait3A_1548 = arith.constant 0 : i32
    %dma_wait3A_1549 = arith.constant 0 : i32
    %dma_wait3A_1550 = tpu.memref_slice %arg8[%dma_wait3A_1548, %dma_wait3A_1549] : memref<100000x24xf32, #tpu.memory_space<hbm>> -> memref<100000x24xf32, #tpu.memory_space<hbm>>
    tpu.wait_indirect_dma semaphore(%arg23 : memref<!tpu.dma_semaphore, #tpu.memory_space<semaphore_mem>>) src(%dma_wait3A_1550 : memref<100000x24xf32, #tpu.memory_space<hbm>>) dst(%dma_wait3A_1544 : memref<128x24xf32, #tpu.memory_space<vmem>>)
    %dma_wait3A_1551 = arith.constant 0 : i32
    %dma_wait3A_1552 = arith.constant 0 : i32
    %dma_wait3A_1553 = arith.constant 0 : i32
    %dma_wait3A_1554 = tpu.memref_slice %arg20[%dma_wait3A_1552, %dma_wait3A_1553] : memref<512x24xf32, #tpu.memory_space<vmem>> -> memref<128x24xf32, #tpu.memory_space<vmem>>
    %dma_wait3A_1555 = arith.constant 0 : i32
    %dma_wait3A_1556 = tpu.memref_slice %arg16[%dma_wait3A_1551, %dma_wait3A_1555] : memref<4x128xi32, #tpu.memory_space<vmem>> -> memref<1x128xi32, #tpu.memory_space<vmem>>
    %dma_wait3A_1557 = tpu.memref_squeeze %dma_wait3A_1556 : memref<1x128xi32, #tpu.memory_space<vmem>> -> memref<128xi32, #tpu.memory_space<vmem>>
    %dma_wait3A_1558 = arith.constant 0 : i32
    %dma_wait3A_1559 = arith.constant 0 : i32
    %dma_wait3A_1560 = tpu.memref_slice %arg9[%dma_wait3A_1558, %dma_wait3A_1559] : memref<100000x24xf32, #tpu.memory_space<hbm>> -> memref<100000x24xf32, #tpu.memory_space<hbm>>
    tpu.wait_indirect_dma semaphore(%arg23 : memref<!tpu.dma_semaphore, #tpu.memory_space<semaphore_mem>>) src(%dma_wait3A_1560 : memref<100000x24xf32, #tpu.memory_space<hbm>>) dst(%dma_wait3A_1554 : memref<128x24xf32, #tpu.memory_space<vmem>>)
    %dma_wait3A_1561 = arith.constant 0 : i32
    %dma_wait3A_1562 = arith.constant 0 : i32
    %dma_wait3A_1563 = tpu.memref_slice %arg21[%dma_wait3A_1562] : memref<512xf32, #tpu.memory_space<vmem>> -> memref<128xf32, #tpu.memory_space<vmem>>
    %dma_wait3A_1564 = arith.constant 0 : i32
    %dma_wait3A_1565 = tpu.memref_slice %arg13[%dma_wait3A_1561, %dma_wait3A_1564] : memref<4x128xi32, #tpu.memory_space<vmem>> -> memref<1x128xi32, #tpu.memory_space<vmem>>
    %dma_wait3A_1566 = tpu.memref_squeeze %dma_wait3A_1565 : memref<1x128xi32, #tpu.memory_space<vmem>> -> memref<128xi32, #tpu.memory_space<vmem>>
    %dma_wait3A_1567 = arith.constant 0 : i32
    %dma_wait3A_1568 = tpu.memref_slice %arg6[%dma_wait3A_1567] : memref<100001xf32, #tpu.memory_space<hbm>> -> memref<100001xf32, #tpu.memory_space<hbm>>
    tpu.wait_indirect_dma semaphore(%arg23 : memref<!tpu.dma_semaphore, #tpu.memory_space<semaphore_mem>>) src(%dma_wait3A_1568 : memref<100001xf32, #tpu.memory_space<hbm>>) dst(%dma_wait3A_1563 : memref<128xf32, #tpu.memory_space<vmem>>)
    %dma_wait3A_1569 = arith.constant 0 : i32
    %dma_wait3A_1570 = arith.constant 0 : i32
    %dma_wait3A_1571 = tpu.memref_slice %arg22[%dma_wait3A_1570] : memref<512xf32, #tpu.memory_space<vmem>> -> memref<128xf32, #tpu.memory_space<vmem>>
    %dma_wait3A_1572 = arith.constant 0 : i32
    %dma_wait3A_1573 = tpu.memref_slice %arg14[%dma_wait3A_1569, %dma_wait3A_1572] : memref<4x128xi32, #tpu.memory_space<vmem>> -> memref<1x128xi32, #tpu.memory_space<vmem>>
    %dma_wait3A_1574 = tpu.memref_squeeze %dma_wait3A_1573 : memref<1x128xi32, #tpu.memory_space<vmem>> -> memref<128xi32, #tpu.memory_space<vmem>>
    %dma_wait3A_1575 = arith.constant 0 : i32
    %dma_wait3A_1576 = tpu.memref_slice %arg7[%dma_wait3A_1575] : memref<100001xf32, #tpu.memory_space<hbm>> -> memref<100001xf32, #tpu.memory_space<hbm>>
    tpu.wait_indirect_dma semaphore(%arg23 : memref<!tpu.dma_semaphore, #tpu.memory_space<semaphore_mem>>) src(%dma_wait3A_1576 : memref<100001xf32, #tpu.memory_space<hbm>>) dst(%dma_wait3A_1571 : memref<128xf32, #tpu.memory_space<vmem>>)
    %dma_wait3A_1577 = arith.constant 1 : i32
    %dma_wait3A_1578 = arith.constant 128 : i32
    %dma_wait3A_1579 = arith.constant 0 : i32
    %dma_wait3A_1580 = tpu.memref_slice %arg17[%dma_wait3A_1578, %dma_wait3A_1579] : memref<512x64xf32, #tpu.memory_space<vmem>> -> memref<128x64xf32, #tpu.memory_space<vmem>>
    %dma_wait3A_1581 = arith.constant 0 : i32
    %dma_wait3A_1582 = tpu.memref_slice %arg13[%dma_wait3A_1577, %dma_wait3A_1581] : memref<4x128xi32, #tpu.memory_space<vmem>> -> memref<1x128xi32, #tpu.memory_space<vmem>>
    %dma_wait3A_1583 = tpu.memref_squeeze %dma_wait3A_1582 : memref<1x128xi32, #tpu.memory_space<vmem>> -> memref<128xi32, #tpu.memory_space<vmem>>
    %dma_wait3A_1584 = arith.constant 0 : i32
    %dma_wait3A_1585 = arith.constant 0 : i32
    %dma_wait3A_1586 = tpu.memref_slice %arg4[%dma_wait3A_1584, %dma_wait3A_1585] : memref<100001x64xf32, #tpu.memory_space<hbm>> -> memref<100001x64xf32, #tpu.memory_space<hbm>>
    tpu.wait_indirect_dma semaphore(%arg23 : memref<!tpu.dma_semaphore, #tpu.memory_space<semaphore_mem>>) src(%dma_wait3A_1586 : memref<100001x64xf32, #tpu.memory_space<hbm>>) dst(%dma_wait3A_1580 : memref<128x64xf32, #tpu.memory_space<vmem>>)
    %dma_wait3A_1587 = arith.constant 1 : i32
    %dma_wait3A_1588 = arith.constant 128 : i32
    %dma_wait3A_1589 = arith.constant 0 : i32
    %dma_wait3A_1590 = tpu.memref_slice %arg18[%dma_wait3A_1588, %dma_wait3A_1589] : memref<512x64xf32, #tpu.memory_space<vmem>> -> memref<128x64xf32, #tpu.memory_space<vmem>>
    %dma_wait3A_1591 = arith.constant 0 : i32
    %dma_wait3A_1592 = tpu.memref_slice %arg14[%dma_wait3A_1587, %dma_wait3A_1591] : memref<4x128xi32, #tpu.memory_space<vmem>> -> memref<1x128xi32, #tpu.memory_space<vmem>>
    %dma_wait3A_1593 = tpu.memref_squeeze %dma_wait3A_1592 : memref<1x128xi32, #tpu.memory_space<vmem>> -> memref<128xi32, #tpu.memory_space<vmem>>
    %dma_wait3A_1594 = arith.constant 0 : i32
    %dma_wait3A_1595 = arith.constant 0 : i32
    %dma_wait3A_1596 = tpu.memref_slice %arg5[%dma_wait3A_1594, %dma_wait3A_1595] : memref<100001x64xf32, #tpu.memory_space<hbm>> -> memref<100001x64xf32, #tpu.memory_space<hbm>>
    tpu.wait_indirect_dma semaphore(%arg23 : memref<!tpu.dma_semaphore, #tpu.memory_space<semaphore_mem>>) src(%dma_wait3A_1596 : memref<100001x64xf32, #tpu.memory_space<hbm>>) dst(%dma_wait3A_1590 : memref<128x64xf32, #tpu.memory_space<vmem>>)
    %dma_wait3A_1597 = arith.constant 1 : i32
    %dma_wait3A_1598 = arith.constant 128 : i32
    %dma_wait3A_1599 = arith.constant 0 : i32
    %dma_wait3A_1600 = tpu.memref_slice %arg19[%dma_wait3A_1598, %dma_wait3A_1599] : memref<512x24xf32, #tpu.memory_space<vmem>> -> memref<128x24xf32, #tpu.memory_space<vmem>>
    %dma_wait3A_1601 = arith.constant 0 : i32
    %dma_wait3A_1602 = tpu.memref_slice %arg15[%dma_wait3A_1597, %dma_wait3A_1601] : memref<4x128xi32, #tpu.memory_space<vmem>> -> memref<1x128xi32, #tpu.memory_space<vmem>>
    %dma_wait3A_1603 = tpu.memref_squeeze %dma_wait3A_1602 : memref<1x128xi32, #tpu.memory_space<vmem>> -> memref<128xi32, #tpu.memory_space<vmem>>
    %dma_wait3A_1604 = arith.constant 0 : i32
    %dma_wait3A_1605 = arith.constant 0 : i32
    %dma_wait3A_1606 = tpu.memref_slice %arg8[%dma_wait3A_1604, %dma_wait3A_1605] : memref<100000x24xf32, #tpu.memory_space<hbm>> -> memref<100000x24xf32, #tpu.memory_space<hbm>>
    tpu.wait_indirect_dma semaphore(%arg23 : memref<!tpu.dma_semaphore, #tpu.memory_space<semaphore_mem>>) src(%dma_wait3A_1606 : memref<100000x24xf32, #tpu.memory_space<hbm>>) dst(%dma_wait3A_1600 : memref<128x24xf32, #tpu.memory_space<vmem>>)
    %dma_wait3A_1607 = arith.constant 1 : i32
    %dma_wait3A_1608 = arith.constant 128 : i32
    %dma_wait3A_1609 = arith.constant 0 : i32
    %dma_wait3A_1610 = tpu.memref_slice %arg20[%dma_wait3A_1608, %dma_wait3A_1609] : memref<512x24xf32, #tpu.memory_space<vmem>> -> memref<128x24xf32, #tpu.memory_space<vmem>>
    %dma_wait3A_1611 = arith.constant 0 : i32
    %dma_wait3A_1612 = tpu.memref_slice %arg16[%dma_wait3A_1607, %dma_wait3A_1611] : memref<4x128xi32, #tpu.memory_space<vmem>> -> memref<1x128xi32, #tpu.memory_space<vmem>>
    %dma_wait3A_1613 = tpu.memref_squeeze %dma_wait3A_1612 : memref<1x128xi32, #tpu.memory_space<vmem>> -> memref<128xi32, #tpu.memory_space<vmem>>
    %dma_wait3A_1614 = arith.constant 0 : i32
    %dma_wait3A_1615 = arith.constant 0 : i32
    %dma_wait3A_1616 = tpu.memref_slice %arg9[%dma_wait3A_1614, %dma_wait3A_1615] : memref<100000x24xf32, #tpu.memory_space<hbm>> -> memref<100000x24xf32, #tpu.memory_space<hbm>>
    tpu.wait_indirect_dma semaphore(%arg23 : memref<!tpu.dma_semaphore, #tpu.memory_space<semaphore_mem>>) src(%dma_wait3A_1616 : memref<100000x24xf32, #tpu.memory_space<hbm>>) dst(%dma_wait3A_1610 : memref<128x24xf32, #tpu.memory_space<vmem>>)
    %dma_wait3A_1617 = arith.constant 1 : i32
    %dma_wait3A_1618 = arith.constant 128 : i32
    %dma_wait3A_1619 = tpu.memref_slice %arg21[%dma_wait3A_1618] : memref<512xf32, #tpu.memory_space<vmem>> -> memref<128xf32, #tpu.memory_space<vmem>>
    %dma_wait3A_1620 = arith.constant 0 : i32
    %dma_wait3A_1621 = tpu.memref_slice %arg13[%dma_wait3A_1617, %dma_wait3A_1620] : memref<4x128xi32, #tpu.memory_space<vmem>> -> memref<1x128xi32, #tpu.memory_space<vmem>>
    %dma_wait3A_1622 = tpu.memref_squeeze %dma_wait3A_1621 : memref<1x128xi32, #tpu.memory_space<vmem>> -> memref<128xi32, #tpu.memory_space<vmem>>
    %dma_wait3A_1623 = arith.constant 0 : i32
    %dma_wait3A_1624 = tpu.memref_slice %arg6[%dma_wait3A_1623] : memref<100001xf32, #tpu.memory_space<hbm>> -> memref<100001xf32, #tpu.memory_space<hbm>>
    tpu.wait_indirect_dma semaphore(%arg23 : memref<!tpu.dma_semaphore, #tpu.memory_space<semaphore_mem>>) src(%dma_wait3A_1624 : memref<100001xf32, #tpu.memory_space<hbm>>) dst(%dma_wait3A_1619 : memref<128xf32, #tpu.memory_space<vmem>>)
    %dma_wait3A_1625 = arith.constant 1 : i32
    %dma_wait3A_1626 = arith.constant 128 : i32
    %dma_wait3A_1627 = tpu.memref_slice %arg22[%dma_wait3A_1626] : memref<512xf32, #tpu.memory_space<vmem>> -> memref<128xf32, #tpu.memory_space<vmem>>
    %dma_wait3A_1628 = arith.constant 0 : i32
    %dma_wait3A_1629 = tpu.memref_slice %arg14[%dma_wait3A_1625, %dma_wait3A_1628] : memref<4x128xi32, #tpu.memory_space<vmem>> -> memref<1x128xi32, #tpu.memory_space<vmem>>
    %dma_wait3A_1630 = tpu.memref_squeeze %dma_wait3A_1629 : memref<1x128xi32, #tpu.memory_space<vmem>> -> memref<128xi32, #tpu.memory_space<vmem>>
    %dma_wait3A_1631 = arith.constant 0 : i32
    %dma_wait3A_1632 = tpu.memref_slice %arg7[%dma_wait3A_1631] : memref<100001xf32, #tpu.memory_space<hbm>> -> memref<100001xf32, #tpu.memory_space<hbm>>
    tpu.wait_indirect_dma semaphore(%arg23 : memref<!tpu.dma_semaphore, #tpu.memory_space<semaphore_mem>>) src(%dma_wait3A_1632 : memref<100001xf32, #tpu.memory_space<hbm>>) dst(%dma_wait3A_1627 : memref<128xf32, #tpu.memory_space<vmem>>)
    %dma_wait3A_1633 = arith.constant 2 : i32
    %dma_wait3A_1634 = arith.constant 256 : i32
    %dma_wait3A_1635 = arith.constant 0 : i32
    %dma_wait3A_1636 = tpu.memref_slice %arg17[%dma_wait3A_1634, %dma_wait3A_1635] : memref<512x64xf32, #tpu.memory_space<vmem>> -> memref<128x64xf32, #tpu.memory_space<vmem>>
    %dma_wait3A_1637 = arith.constant 0 : i32
    %dma_wait3A_1638 = tpu.memref_slice %arg13[%dma_wait3A_1633, %dma_wait3A_1637] : memref<4x128xi32, #tpu.memory_space<vmem>> -> memref<1x128xi32, #tpu.memory_space<vmem>>
    %dma_wait3A_1639 = tpu.memref_squeeze %dma_wait3A_1638 : memref<1x128xi32, #tpu.memory_space<vmem>> -> memref<128xi32, #tpu.memory_space<vmem>>
    %dma_wait3A_1640 = arith.constant 0 : i32
    %dma_wait3A_1641 = arith.constant 0 : i32
    %dma_wait3A_1642 = tpu.memref_slice %arg4[%dma_wait3A_1640, %dma_wait3A_1641] : memref<100001x64xf32, #tpu.memory_space<hbm>> -> memref<100001x64xf32, #tpu.memory_space<hbm>>
    tpu.wait_indirect_dma semaphore(%arg23 : memref<!tpu.dma_semaphore, #tpu.memory_space<semaphore_mem>>) src(%dma_wait3A_1642 : memref<100001x64xf32, #tpu.memory_space<hbm>>) dst(%dma_wait3A_1636 : memref<128x64xf32, #tpu.memory_space<vmem>>)
    %dma_wait3A_1643 = arith.constant 2 : i32
    %dma_wait3A_1644 = arith.constant 256 : i32
    %dma_wait3A_1645 = arith.constant 0 : i32
    %dma_wait3A_1646 = tpu.memref_slice %arg18[%dma_wait3A_1644, %dma_wait3A_1645] : memref<512x64xf32, #tpu.memory_space<vmem>> -> memref<128x64xf32, #tpu.memory_space<vmem>>
    %dma_wait3A_1647 = arith.constant 0 : i32
    %dma_wait3A_1648 = tpu.memref_slice %arg14[%dma_wait3A_1643, %dma_wait3A_1647] : memref<4x128xi32, #tpu.memory_space<vmem>> -> memref<1x128xi32, #tpu.memory_space<vmem>>
    %dma_wait3A_1649 = tpu.memref_squeeze %dma_wait3A_1648 : memref<1x128xi32, #tpu.memory_space<vmem>> -> memref<128xi32, #tpu.memory_space<vmem>>
    %dma_wait3A_1650 = arith.constant 0 : i32
    %dma_wait3A_1651 = arith.constant 0 : i32
    %dma_wait3A_1652 = tpu.memref_slice %arg5[%dma_wait3A_1650, %dma_wait3A_1651] : memref<100001x64xf32, #tpu.memory_space<hbm>> -> memref<100001x64xf32, #tpu.memory_space<hbm>>
    tpu.wait_indirect_dma semaphore(%arg23 : memref<!tpu.dma_semaphore, #tpu.memory_space<semaphore_mem>>) src(%dma_wait3A_1652 : memref<100001x64xf32, #tpu.memory_space<hbm>>) dst(%dma_wait3A_1646 : memref<128x64xf32, #tpu.memory_space<vmem>>)
    %dma_wait3A_1653 = arith.constant 2 : i32
    %dma_wait3A_1654 = arith.constant 256 : i32
    %dma_wait3A_1655 = arith.constant 0 : i32
    %dma_wait3A_1656 = tpu.memref_slice %arg19[%dma_wait3A_1654, %dma_wait3A_1655] : memref<512x24xf32, #tpu.memory_space<vmem>> -> memref<128x24xf32, #tpu.memory_space<vmem>>
    %dma_wait3A_1657 = arith.constant 0 : i32
    %dma_wait3A_1658 = tpu.memref_slice %arg15[%dma_wait3A_1653, %dma_wait3A_1657] : memref<4x128xi32, #tpu.memory_space<vmem>> -> memref<1x128xi32, #tpu.memory_space<vmem>>
    %dma_wait3A_1659 = tpu.memref_squeeze %dma_wait3A_1658 : memref<1x128xi32, #tpu.memory_space<vmem>> -> memref<128xi32, #tpu.memory_space<vmem>>
    %dma_wait3A_1660 = arith.constant 0 : i32
    %dma_wait3A_1661 = arith.constant 0 : i32
    %dma_wait3A_1662 = tpu.memref_slice %arg8[%dma_wait3A_1660, %dma_wait3A_1661] : memref<100000x24xf32, #tpu.memory_space<hbm>> -> memref<100000x24xf32, #tpu.memory_space<hbm>>
    tpu.wait_indirect_dma semaphore(%arg23 : memref<!tpu.dma_semaphore, #tpu.memory_space<semaphore_mem>>) src(%dma_wait3A_1662 : memref<100000x24xf32, #tpu.memory_space<hbm>>) dst(%dma_wait3A_1656 : memref<128x24xf32, #tpu.memory_space<vmem>>)
    %dma_wait3A_1663 = arith.constant 2 : i32
    %dma_wait3A_1664 = arith.constant 256 : i32
    %dma_wait3A_1665 = arith.constant 0 : i32
    %dma_wait3A_1666 = tpu.memref_slice %arg20[%dma_wait3A_1664, %dma_wait3A_1665] : memref<512x24xf32, #tpu.memory_space<vmem>> -> memref<128x24xf32, #tpu.memory_space<vmem>>
    %dma_wait3A_1667 = arith.constant 0 : i32
    %dma_wait3A_1668 = tpu.memref_slice %arg16[%dma_wait3A_1663, %dma_wait3A_1667] : memref<4x128xi32, #tpu.memory_space<vmem>> -> memref<1x128xi32, #tpu.memory_space<vmem>>
    %dma_wait3A_1669 = tpu.memref_squeeze %dma_wait3A_1668 : memref<1x128xi32, #tpu.memory_space<vmem>> -> memref<128xi32, #tpu.memory_space<vmem>>
    %dma_wait3A_1670 = arith.constant 0 : i32
    %dma_wait3A_1671 = arith.constant 0 : i32
    %dma_wait3A_1672 = tpu.memref_slice %arg9[%dma_wait3A_1670, %dma_wait3A_1671] : memref<100000x24xf32, #tpu.memory_space<hbm>> -> memref<100000x24xf32, #tpu.memory_space<hbm>>
    tpu.wait_indirect_dma semaphore(%arg23 : memref<!tpu.dma_semaphore, #tpu.memory_space<semaphore_mem>>) src(%dma_wait3A_1672 : memref<100000x24xf32, #tpu.memory_space<hbm>>) dst(%dma_wait3A_1666 : memref<128x24xf32, #tpu.memory_space<vmem>>)
    %dma_wait3A_1673 = arith.constant 2 : i32
    %dma_wait3A_1674 = arith.constant 256 : i32
    %dma_wait3A_1675 = tpu.memref_slice %arg21[%dma_wait3A_1674] : memref<512xf32, #tpu.memory_space<vmem>> -> memref<128xf32, #tpu.memory_space<vmem>>
    %dma_wait3A_1676 = arith.constant 0 : i32
    %dma_wait3A_1677 = tpu.memref_slice %arg13[%dma_wait3A_1673, %dma_wait3A_1676] : memref<4x128xi32, #tpu.memory_space<vmem>> -> memref<1x128xi32, #tpu.memory_space<vmem>>
    %dma_wait3A_1678 = tpu.memref_squeeze %dma_wait3A_1677 : memref<1x128xi32, #tpu.memory_space<vmem>> -> memref<128xi32, #tpu.memory_space<vmem>>
    %dma_wait3A_1679 = arith.constant 0 : i32
    %dma_wait3A_1680 = tpu.memref_slice %arg6[%dma_wait3A_1679] : memref<100001xf32, #tpu.memory_space<hbm>> -> memref<100001xf32, #tpu.memory_space<hbm>>
    tpu.wait_indirect_dma semaphore(%arg23 : memref<!tpu.dma_semaphore, #tpu.memory_space<semaphore_mem>>) src(%dma_wait3A_1680 : memref<100001xf32, #tpu.memory_space<hbm>>) dst(%dma_wait3A_1675 : memref<128xf32, #tpu.memory_space<vmem>>)
    %dma_wait3A_1681 = arith.constant 2 : i32
    %dma_wait3A_1682 = arith.constant 256 : i32
    %dma_wait3A_1683 = tpu.memref_slice %arg22[%dma_wait3A_1682] : memref<512xf32, #tpu.memory_space<vmem>> -> memref<128xf32, #tpu.memory_space<vmem>>
    %dma_wait3A_1684 = arith.constant 0 : i32
    %dma_wait3A_1685 = tpu.memref_slice %arg14[%dma_wait3A_1681, %dma_wait3A_1684] : memref<4x128xi32, #tpu.memory_space<vmem>> -> memref<1x128xi32, #tpu.memory_space<vmem>>
    %dma_wait3A_1686 = tpu.memref_squeeze %dma_wait3A_1685 : memref<1x128xi32, #tpu.memory_space<vmem>> -> memref<128xi32, #tpu.memory_space<vmem>>
    %dma_wait3A_1687 = arith.constant 0 : i32
    %dma_wait3A_1688 = tpu.memref_slice %arg7[%dma_wait3A_1687] : memref<100001xf32, #tpu.memory_space<hbm>> -> memref<100001xf32, #tpu.memory_space<hbm>>
    tpu.wait_indirect_dma semaphore(%arg23 : memref<!tpu.dma_semaphore, #tpu.memory_space<semaphore_mem>>) src(%dma_wait3A_1688 : memref<100001xf32, #tpu.memory_space<hbm>>) dst(%dma_wait3A_1683 : memref<128xf32, #tpu.memory_space<vmem>>)
    %dma_wait3A_1689 = arith.constant 3 : i32
    %dma_wait3A_1690 = arith.constant 384 : i32
    %dma_wait3A_1691 = arith.constant 0 : i32
    %dma_wait3A_1692 = tpu.memref_slice %arg17[%dma_wait3A_1690, %dma_wait3A_1691] : memref<512x64xf32, #tpu.memory_space<vmem>> -> memref<128x64xf32, #tpu.memory_space<vmem>>
    %dma_wait3A_1693 = arith.constant 0 : i32
    %dma_wait3A_1694 = tpu.memref_slice %arg13[%dma_wait3A_1689, %dma_wait3A_1693] : memref<4x128xi32, #tpu.memory_space<vmem>> -> memref<1x128xi32, #tpu.memory_space<vmem>>
    %dma_wait3A_1695 = tpu.memref_squeeze %dma_wait3A_1694 : memref<1x128xi32, #tpu.memory_space<vmem>> -> memref<128xi32, #tpu.memory_space<vmem>>
    %dma_wait3A_1696 = arith.constant 0 : i32
    %dma_wait3A_1697 = arith.constant 0 : i32
    %dma_wait3A_1698 = tpu.memref_slice %arg4[%dma_wait3A_1696, %dma_wait3A_1697] : memref<100001x64xf32, #tpu.memory_space<hbm>> -> memref<100001x64xf32, #tpu.memory_space<hbm>>
    tpu.wait_indirect_dma semaphore(%arg23 : memref<!tpu.dma_semaphore, #tpu.memory_space<semaphore_mem>>) src(%dma_wait3A_1698 : memref<100001x64xf32, #tpu.memory_space<hbm>>) dst(%dma_wait3A_1692 : memref<128x64xf32, #tpu.memory_space<vmem>>)
    %dma_wait3A_1699 = arith.constant 3 : i32
    %dma_wait3A_1700 = arith.constant 384 : i32
    %dma_wait3A_1701 = arith.constant 0 : i32
    %dma_wait3A_1702 = tpu.memref_slice %arg18[%dma_wait3A_1700, %dma_wait3A_1701] : memref<512x64xf32, #tpu.memory_space<vmem>> -> memref<128x64xf32, #tpu.memory_space<vmem>>
    %dma_wait3A_1703 = arith.constant 0 : i32
    %dma_wait3A_1704 = tpu.memref_slice %arg14[%dma_wait3A_1699, %dma_wait3A_1703] : memref<4x128xi32, #tpu.memory_space<vmem>> -> memref<1x128xi32, #tpu.memory_space<vmem>>
    %dma_wait3A_1705 = tpu.memref_squeeze %dma_wait3A_1704 : memref<1x128xi32, #tpu.memory_space<vmem>> -> memref<128xi32, #tpu.memory_space<vmem>>
    %dma_wait3A_1706 = arith.constant 0 : i32
    %dma_wait3A_1707 = arith.constant 0 : i32
    %dma_wait3A_1708 = tpu.memref_slice %arg5[%dma_wait3A_1706, %dma_wait3A_1707] : memref<100001x64xf32, #tpu.memory_space<hbm>> -> memref<100001x64xf32, #tpu.memory_space<hbm>>
    tpu.wait_indirect_dma semaphore(%arg23 : memref<!tpu.dma_semaphore, #tpu.memory_space<semaphore_mem>>) src(%dma_wait3A_1708 : memref<100001x64xf32, #tpu.memory_space<hbm>>) dst(%dma_wait3A_1702 : memref<128x64xf32, #tpu.memory_space<vmem>>)
    %dma_wait3A_1709 = arith.constant 3 : i32
    %dma_wait3A_1710 = arith.constant 384 : i32
    %dma_wait3A_1711 = arith.constant 0 : i32
    %dma_wait3A_1712 = tpu.memref_slice %arg19[%dma_wait3A_1710, %dma_wait3A_1711] : memref<512x24xf32, #tpu.memory_space<vmem>> -> memref<128x24xf32, #tpu.memory_space<vmem>>
    %dma_wait3A_1713 = arith.constant 0 : i32
    %dma_wait3A_1714 = tpu.memref_slice %arg15[%dma_wait3A_1709, %dma_wait3A_1713] : memref<4x128xi32, #tpu.memory_space<vmem>> -> memref<1x128xi32, #tpu.memory_space<vmem>>
    %dma_wait3A_1715 = tpu.memref_squeeze %dma_wait3A_1714 : memref<1x128xi32, #tpu.memory_space<vmem>> -> memref<128xi32, #tpu.memory_space<vmem>>
    %dma_wait3A_1716 = arith.constant 0 : i32
    %dma_wait3A_1717 = arith.constant 0 : i32
    %dma_wait3A_1718 = tpu.memref_slice %arg8[%dma_wait3A_1716, %dma_wait3A_1717] : memref<100000x24xf32, #tpu.memory_space<hbm>> -> memref<100000x24xf32, #tpu.memory_space<hbm>>
    tpu.wait_indirect_dma semaphore(%arg23 : memref<!tpu.dma_semaphore, #tpu.memory_space<semaphore_mem>>) src(%dma_wait3A_1718 : memref<100000x24xf32, #tpu.memory_space<hbm>>) dst(%dma_wait3A_1712 : memref<128x24xf32, #tpu.memory_space<vmem>>)
    %dma_wait3A_1719 = arith.constant 3 : i32
    %dma_wait3A_1720 = arith.constant 384 : i32
    %dma_wait3A_1721 = arith.constant 0 : i32
    %dma_wait3A_1722 = tpu.memref_slice %arg20[%dma_wait3A_1720, %dma_wait3A_1721] : memref<512x24xf32, #tpu.memory_space<vmem>> -> memref<128x24xf32, #tpu.memory_space<vmem>>
    %dma_wait3A_1723 = arith.constant 0 : i32
    %dma_wait3A_1724 = tpu.memref_slice %arg16[%dma_wait3A_1719, %dma_wait3A_1723] : memref<4x128xi32, #tpu.memory_space<vmem>> -> memref<1x128xi32, #tpu.memory_space<vmem>>
    %dma_wait3A_1725 = tpu.memref_squeeze %dma_wait3A_1724 : memref<1x128xi32, #tpu.memory_space<vmem>> -> memref<128xi32, #tpu.memory_space<vmem>>
    %dma_wait3A_1726 = arith.constant 0 : i32
    %dma_wait3A_1727 = arith.constant 0 : i32
    %dma_wait3A_1728 = tpu.memref_slice %arg9[%dma_wait3A_1726, %dma_wait3A_1727] : memref<100000x24xf32, #tpu.memory_space<hbm>> -> memref<100000x24xf32, #tpu.memory_space<hbm>>
    tpu.wait_indirect_dma semaphore(%arg23 : memref<!tpu.dma_semaphore, #tpu.memory_space<semaphore_mem>>) src(%dma_wait3A_1728 : memref<100000x24xf32, #tpu.memory_space<hbm>>) dst(%dma_wait3A_1722 : memref<128x24xf32, #tpu.memory_space<vmem>>)
    %dma_wait3A_1729 = arith.constant 3 : i32
    %dma_wait3A_1730 = arith.constant 384 : i32
    %dma_wait3A_1731 = tpu.memref_slice %arg21[%dma_wait3A_1730] : memref<512xf32, #tpu.memory_space<vmem>> -> memref<128xf32, #tpu.memory_space<vmem>>
    %dma_wait3A_1732 = arith.constant 0 : i32
    %dma_wait3A_1733 = tpu.memref_slice %arg13[%dma_wait3A_1729, %dma_wait3A_1732] : memref<4x128xi32, #tpu.memory_space<vmem>> -> memref<1x128xi32, #tpu.memory_space<vmem>>
    %dma_wait3A_1734 = tpu.memref_squeeze %dma_wait3A_1733 : memref<1x128xi32, #tpu.memory_space<vmem>> -> memref<128xi32, #tpu.memory_space<vmem>>
    %dma_wait3A_1735 = arith.constant 0 : i32
    %dma_wait3A_1736 = tpu.memref_slice %arg6[%dma_wait3A_1735] : memref<100001xf32, #tpu.memory_space<hbm>> -> memref<100001xf32, #tpu.memory_space<hbm>>
    tpu.wait_indirect_dma semaphore(%arg23 : memref<!tpu.dma_semaphore, #tpu.memory_space<semaphore_mem>>) src(%dma_wait3A_1736 : memref<100001xf32, #tpu.memory_space<hbm>>) dst(%dma_wait3A_1731 : memref<128xf32, #tpu.memory_space<vmem>>)
    %dma_wait3A_1737 = arith.constant 3 : i32
    %dma_wait3A_1738 = arith.constant 384 : i32
    %dma_wait3A_1739 = tpu.memref_slice %arg22[%dma_wait3A_1738] : memref<512xf32, #tpu.memory_space<vmem>> -> memref<128xf32, #tpu.memory_space<vmem>>
    %dma_wait3A_1740 = arith.constant 0 : i32
    %dma_wait3A_1741 = tpu.memref_slice %arg14[%dma_wait3A_1737, %dma_wait3A_1740] : memref<4x128xi32, #tpu.memory_space<vmem>> -> memref<1x128xi32, #tpu.memory_space<vmem>>
    %dma_wait3A_1742 = tpu.memref_squeeze %dma_wait3A_1741 : memref<1x128xi32, #tpu.memory_space<vmem>> -> memref<128xi32, #tpu.memory_space<vmem>>
    %dma_wait3A_1743 = arith.constant 0 : i32
    %dma_wait3A_1744 = tpu.memref_slice %arg7[%dma_wait3A_1743] : memref<100001xf32, #tpu.memory_space<hbm>> -> memref<100001xf32, #tpu.memory_space<hbm>>
    tpu.wait_indirect_dma semaphore(%arg23 : memref<!tpu.dma_semaphore, #tpu.memory_space<semaphore_mem>>) src(%dma_wait3A_1744 : memref<100001xf32, #tpu.memory_space<hbm>>) dst(%dma_wait3A_1739 : memref<128xf32, #tpu.memory_space<vmem>>)
    "tpu.region"() ({
      %run_scoped3A_1745 = tpu.sem_alloc : memref<!tpu.dma_semaphore, #tpu.memory_space<semaphore_mem>>
      %dma_start3A_1746 = arith.constant 0 : i32
      %dma_start3A_1747 = tpu.memref_slice %arg10[%mul3A_2, %dma_start3A_1746] : memref<16384x256xf32, #tpu.memory_space<hbm>> -> memref<512x64xf32, #tpu.memory_space<hbm>>
      %dma_start3A_1748 = arith.constant 0 : i32
      %dma_start3A_1749 = tpu.memref_slice %arg10[%mul3A_2, %dma_start3A_1748] : memref<16384x256xf32, #tpu.memory_space<hbm>> -> memref<512x64xf32, #tpu.memory_space<hbm>>
      tpu.enqueue_dma source(%arg17 : memref<512x64xf32, #tpu.memory_space<vmem>>) target(%dma_start3A_1749 : memref<512x64xf32, #tpu.memory_space<hbm>>) target_semaphore(%run_scoped3A_1745 : memref<!tpu.dma_semaphore, #tpu.memory_space<semaphore_mem>>)
      %dma_wait3A_1750 = arith.constant 0 : i32
      %dma_wait3A_1751 = tpu.memref_slice %arg10[%mul3A_2, %dma_wait3A_1750] : memref<16384x256xf32, #tpu.memory_space<hbm>> -> memref<512x64xf32, #tpu.memory_space<hbm>>
      %dma_wait3A_1752 = arith.constant 0 : i32
      %dma_wait3A_1753 = tpu.memref_slice %arg10[%mul3A_2, %dma_wait3A_1752] : memref<16384x256xf32, #tpu.memory_space<hbm>> -> memref<512x64xf32, #tpu.memory_space<hbm>>
      tpu.wait_dma2 semaphore(%run_scoped3A_1745 : memref<!tpu.dma_semaphore, #tpu.memory_space<semaphore_mem>>) src(%arg17 : memref<512x64xf32, #tpu.memory_space<vmem>>) dst(%dma_wait3A_1753 : memref<512x64xf32, #tpu.memory_space<hbm>>)
      tpu.yield
    }) : () -> ()
    "tpu.region"() ({
      %run_scoped3A_1745 = tpu.sem_alloc : memref<!tpu.dma_semaphore, #tpu.memory_space<semaphore_mem>>
      %dma_start3A_1746 = arith.constant 64 : i32
      %dma_start3A_1747 = tpu.memref_slice %arg10[%mul3A_2, %dma_start3A_1746] : memref<16384x256xf32, #tpu.memory_space<hbm>> -> memref<512x64xf32, #tpu.memory_space<hbm>>
      %dma_start3A_1748 = arith.constant 64 : i32
      %dma_start3A_1749 = tpu.memref_slice %arg10[%mul3A_2, %dma_start3A_1748] : memref<16384x256xf32, #tpu.memory_space<hbm>> -> memref<512x64xf32, #tpu.memory_space<hbm>>
      tpu.enqueue_dma source(%arg18 : memref<512x64xf32, #tpu.memory_space<vmem>>) target(%dma_start3A_1749 : memref<512x64xf32, #tpu.memory_space<hbm>>) target_semaphore(%run_scoped3A_1745 : memref<!tpu.dma_semaphore, #tpu.memory_space<semaphore_mem>>)
      %dma_wait3A_1750 = arith.constant 64 : i32
      %dma_wait3A_1751 = tpu.memref_slice %arg10[%mul3A_2, %dma_wait3A_1750] : memref<16384x256xf32, #tpu.memory_space<hbm>> -> memref<512x64xf32, #tpu.memory_space<hbm>>
      %dma_wait3A_1752 = arith.constant 64 : i32
      %dma_wait3A_1753 = tpu.memref_slice %arg10[%mul3A_2, %dma_wait3A_1752] : memref<16384x256xf32, #tpu.memory_space<hbm>> -> memref<512x64xf32, #tpu.memory_space<hbm>>
      tpu.wait_dma2 semaphore(%run_scoped3A_1745 : memref<!tpu.dma_semaphore, #tpu.memory_space<semaphore_mem>>) src(%arg18 : memref<512x64xf32, #tpu.memory_space<vmem>>) dst(%dma_wait3A_1753 : memref<512x64xf32, #tpu.memory_space<hbm>>)
      tpu.yield
    }) : () -> ()
    "tpu.region"() ({
      %run_scoped3A_1745 = tpu.sem_alloc : memref<!tpu.dma_semaphore, #tpu.memory_space<semaphore_mem>>
      %dma_start3A_1746 = arith.constant 128 : i32
      %dma_start3A_1747 = tpu.memref_slice %arg10[%mul3A_2, %dma_start3A_1746] : memref<16384x256xf32, #tpu.memory_space<hbm>> -> memref<512x24xf32, #tpu.memory_space<hbm>>
      %dma_start3A_1748 = arith.constant 128 : i32
      %dma_start3A_1749 = tpu.memref_slice %arg10[%mul3A_2, %dma_start3A_1748] : memref<16384x256xf32, #tpu.memory_space<hbm>> -> memref<512x24xf32, #tpu.memory_space<hbm>>
      tpu.enqueue_dma source(%arg19 : memref<512x24xf32, #tpu.memory_space<vmem>>) target(%dma_start3A_1749 : memref<512x24xf32, #tpu.memory_space<hbm>>) target_semaphore(%run_scoped3A_1745 : memref<!tpu.dma_semaphore, #tpu.memory_space<semaphore_mem>>)
      %dma_wait3A_1750 = arith.constant 128 : i32
      %dma_wait3A_1751 = tpu.memref_slice %arg10[%mul3A_2, %dma_wait3A_1750] : memref<16384x256xf32, #tpu.memory_space<hbm>> -> memref<512x24xf32, #tpu.memory_space<hbm>>
      %dma_wait3A_1752 = arith.constant 128 : i32
      %dma_wait3A_1753 = tpu.memref_slice %arg10[%mul3A_2, %dma_wait3A_1752] : memref<16384x256xf32, #tpu.memory_space<hbm>> -> memref<512x24xf32, #tpu.memory_space<hbm>>
      tpu.wait_dma2 semaphore(%run_scoped3A_1745 : memref<!tpu.dma_semaphore, #tpu.memory_space<semaphore_mem>>) src(%arg19 : memref<512x24xf32, #tpu.memory_space<vmem>>) dst(%dma_wait3A_1753 : memref<512x24xf32, #tpu.memory_space<hbm>>)
      tpu.yield
    }) : () -> ()
    "tpu.region"() ({
      %run_scoped3A_1745 = tpu.sem_alloc : memref<!tpu.dma_semaphore, #tpu.memory_space<semaphore_mem>>
      %dma_start3A_1746 = arith.constant 152 : i32
      %dma_start3A_1747 = tpu.memref_slice %arg10[%mul3A_2, %dma_start3A_1746] : memref<16384x256xf32, #tpu.memory_space<hbm>> -> memref<512x24xf32, #tpu.memory_space<hbm>>
      %dma_start3A_1748 = arith.constant 152 : i32
      %dma_start3A_1749 = tpu.memref_slice %arg10[%mul3A_2, %dma_start3A_1748] : memref<16384x256xf32, #tpu.memory_space<hbm>> -> memref<512x24xf32, #tpu.memory_space<hbm>>
      tpu.enqueue_dma source(%arg20 : memref<512x24xf32, #tpu.memory_space<vmem>>) target(%dma_start3A_1749 : memref<512x24xf32, #tpu.memory_space<hbm>>) target_semaphore(%run_scoped3A_1745 : memref<!tpu.dma_semaphore, #tpu.memory_space<semaphore_mem>>)
      %dma_wait3A_1750 = arith.constant 152 : i32
      %dma_wait3A_1751 = tpu.memref_slice %arg10[%mul3A_2, %dma_wait3A_1750] : memref<16384x256xf32, #tpu.memory_space<hbm>> -> memref<512x24xf32, #tpu.memory_space<hbm>>
      %dma_wait3A_1752 = arith.constant 152 : i32
      %dma_wait3A_1753 = tpu.memref_slice %arg10[%mul3A_2, %dma_wait3A_1752] : memref<16384x256xf32, #tpu.memory_space<hbm>> -> memref<512x24xf32, #tpu.memory_space<hbm>>
      tpu.wait_dma2 semaphore(%run_scoped3A_1745 : memref<!tpu.dma_semaphore, #tpu.memory_space<semaphore_mem>>) src(%arg20 : memref<512x24xf32, #tpu.memory_space<vmem>>) dst(%dma_wait3A_1753 : memref<512x24xf32, #tpu.memory_space<hbm>>)
      tpu.yield
    }) : () -> ()
    "tpu.region"() ({
      %run_scoped3A_1745 = tpu.sem_alloc : memref<!tpu.dma_semaphore, #tpu.memory_space<semaphore_mem>>
      %dma_start3A_1746 = tpu.memref_slice %arg11[%mul3A_2] : memref<16384xf32, #tpu.memory_space<hbm>> -> memref<512xf32, #tpu.memory_space<hbm>>
      %dma_start3A_1747 = tpu.memref_slice %arg11[%mul3A_2] : memref<16384xf32, #tpu.memory_space<hbm>> -> memref<512xf32, #tpu.memory_space<hbm>>
      tpu.enqueue_dma source(%arg21 : memref<512xf32, #tpu.memory_space<vmem>>) target(%dma_start3A_1747 : memref<512xf32, #tpu.memory_space<hbm>>) target_semaphore(%run_scoped3A_1745 : memref<!tpu.dma_semaphore, #tpu.memory_space<semaphore_mem>>)
      %dma_wait3A_1748 = tpu.memref_slice %arg11[%mul3A_2] : memref<16384xf32, #tpu.memory_space<hbm>> -> memref<512xf32, #tpu.memory_space<hbm>>
      %dma_wait3A_1749 = tpu.memref_slice %arg11[%mul3A_2] : memref<16384xf32, #tpu.memory_space<hbm>> -> memref<512xf32, #tpu.memory_space<hbm>>
      tpu.wait_dma2 semaphore(%run_scoped3A_1745 : memref<!tpu.dma_semaphore, #tpu.memory_space<semaphore_mem>>) src(%arg21 : memref<512xf32, #tpu.memory_space<vmem>>) dst(%dma_wait3A_1749 : memref<512xf32, #tpu.memory_space<hbm>>)
      tpu.yield
    }) : () -> ()
    "tpu.region"() ({
      %run_scoped3A_1745 = tpu.sem_alloc : memref<!tpu.dma_semaphore, #tpu.memory_space<semaphore_mem>>
      %dma_start3A_1746 = tpu.memref_slice %arg12[%mul3A_2] : memref<16384xf32, #tpu.memory_space<hbm>> -> memref<512xf32, #tpu.memory_space<hbm>>
      %dma_start3A_1747 = tpu.memref_slice %arg12[%mul3A_2] : memref<16384xf32, #tpu.memory_space<hbm>> -> memref<512xf32, #tpu.memory_space<hbm>>
      tpu.enqueue_dma source(%arg22 : memref<512xf32, #tpu.memory_space<vmem>>) target(%dma_start3A_1747 : memref<512xf32, #tpu.memory_space<hbm>>) target_semaphore(%run_scoped3A_1745 : memref<!tpu.dma_semaphore, #tpu.memory_space<semaphore_mem>>)
      %dma_wait3A_1748 = tpu.memref_slice %arg12[%mul3A_2] : memref<16384xf32, #tpu.memory_space<hbm>> -> memref<512xf32, #tpu.memory_space<hbm>>
      %dma_wait3A_1749 = tpu.memref_slice %arg12[%mul3A_2] : memref<16384xf32, #tpu.memory_space<hbm>> -> memref<512xf32, #tpu.memory_space<hbm>>
      tpu.wait_dma2 semaphore(%run_scoped3A_1745 : memref<!tpu.dma_semaphore, #tpu.memory_space<semaphore_mem>>) src(%arg22 : memref<512xf32, #tpu.memory_space<vmem>>) dst(%dma_wait3A_1749 : memref<512xf32, #tpu.memory_space<hbm>>)
      tpu.yield
    }) : () -> ()
    return
  }
}

module attributes {stable_mosaic.version = 14 : i64} {
  func.func @_dense_body(%arg0: i32, %arg1: memref<524288xf32, #tpu.memory_space<vmem>>, %arg2: memref<2048xf32, #tpu.memory_space<vmem>>, %arg3: memref<2048xf32, #tpu.memory_space<vmem>>, %arg4: memref<64x24xf32, #tpu.memory_space<vmem>>, %arg5: memref<64x24xf32, #tpu.memory_space<vmem>>, %arg6: memref<2048xf32, #tpu.memory_space<vmem>>) attributes {dimension_semantics = [#tpu.dimension_semantics<arbitrary>], iteration_bounds = array<i64: 8>, scalar_prefetch = 0 : i64, scratch_operands = 0 : i64, tpu.core_type = #tpu.core_type<tc>, window_params = [{transform_indices = @transform_0, window_bounds = array<i64: 524288>}, {transform_indices = @transform_1, window_bounds = array<i64: 2048>}, {transform_indices = @transform_2, window_bounds = array<i64: 2048>}, {pipeline_mode = #tpu.pipeline_mode<synchronous>, transform_indices = @transform_3, window_bounds = array<i64: 64, 24>}, {pipeline_mode = #tpu.pipeline_mode<synchronous>, transform_indices = @transform_4, window_bounds = array<i64: 64, 24>}, {transform_indices = @transform_5, window_bounds = array<i64: 2048>}]} {
    %get3A = arith.constant 0 : index
    %get3A_0 = vector.load %arg1[%get3A] : memref<524288xf32, #tpu.memory_space<vmem>>, vector<524288xf32>
    %reshape3A = vector.shape_cast %get3A_0 : vector<524288xf32> to vector<2048x256xf32>
    %slice3A = vector.extract_strided_slice %reshape3A {offsets = [0, 0], sizes = [2048, 64], strides = [1, 1]} : vector<2048x256xf32> to vector<2048x64xf32>
    %slice3A_1 = vector.extract_strided_slice %reshape3A {offsets = [0, 64], sizes = [2048, 64], strides = [1, 1]} : vector<2048x256xf32> to vector<2048x64xf32>
    %slice3A_2 = vector.extract_strided_slice %reshape3A {offsets = [0, 128], sizes = [2048, 24], strides = [1, 1]} : vector<2048x256xf32> to vector<2048x24xf32>
    %slice3A_3 = vector.extract_strided_slice %reshape3A {offsets = [0, 152], sizes = [2048, 24], strides = [1, 1]} : vector<2048x256xf32> to vector<2048x24xf32>
    %get3A_4 = arith.constant 0 : index
    %get3A_5 = arith.constant 0 : index
    %get3A_6 = vector.load %arg4[%get3A_4, %get3A_5] : memref<64x24xf32, #tpu.memory_space<vmem>>, vector<64x24xf32>
    %dot_general3A = arith.constant dense<0.000000e+00> : vector<2048x64xf32>
    %dot_general3A_7 = tpu.matmul %slice3A_2, %get3A_6, %dot_general3A {dimension_numbers = #tpu.dot_dimension_numbers<[1], [1], [0], [0], [0, 0, 1, 0], [], []>, transpose_lhs_hint = false} : vector<2048x24xf32>, vector<64x24xf32>, vector<2048x64xf32> -> vector<2048x64xf32>
    %get3A_8 = arith.constant 0 : index
    %get3A_9 = arith.constant 0 : index
    %get3A_10 = vector.load %arg5[%get3A_8, %get3A_9] : memref<64x24xf32, #tpu.memory_space<vmem>>, vector<64x24xf32>
    %dot_general3A_11 = arith.constant dense<0.000000e+00> : vector<2048x64xf32>
    %dot_general3A_12 = tpu.matmul %slice3A_3, %get3A_10, %dot_general3A_11 {dimension_numbers = #tpu.dot_dimension_numbers<[1], [1], [0], [0], [0, 0, 1, 0], [], []>, transpose_lhs_hint = false} : vector<2048x24xf32>, vector<64x24xf32>, vector<2048x64xf32> -> vector<2048x64xf32>
    %max3A = arith.constant 0.000000e+00 : f32
    %max3A_13 = vector.broadcast %max3A : f32 to vector<2048x64xf32>
    %max3A_14 = arith.maximumf %dot_general3A_7, %max3A_13 : vector<2048x64xf32>
    %add3A = arith.addf %slice3A, %max3A_14 : vector<2048x64xf32>
    %max3A_15 = arith.constant 0.000000e+00 : f32
    %max3A_16 = vector.broadcast %max3A_15 : f32 to vector<2048x64xf32>
    %max3A_17 = arith.maximumf %dot_general3A_12, %max3A_16 : vector<2048x64xf32>
    %add3A_18 = arith.addf %slice3A_1, %max3A_17 : vector<2048x64xf32>
    %mul3A = arith.mulf %add3A, %add3A_18 : vector<2048x64xf32>
    %reduce_sum3A = arith.constant dense<0.000000e+00> : vector<2048xf32>
    %reduce_sum3A_19 = vector.multi_reduction <add>, %mul3A, %reduce_sum3A [1] : vector<2048x64xf32> to vector<2048xf32>
    %get3A_20 = arith.constant 0 : index
    %get3A_21 = vector.load %arg2[%get3A_20] : memref<2048xf32, #tpu.memory_space<vmem>>, vector<2048xf32>
    %add3A_22 = arith.addf %reduce_sum3A_19, %get3A_21 : vector<2048xf32>
    %get3A_23 = arith.constant 0 : index
    %get3A_24 = vector.load %arg3[%get3A_23] : memref<2048xf32, #tpu.memory_space<vmem>>, vector<2048xf32>
    %add3A_25 = arith.addf %add3A_22, %get3A_24 : vector<2048xf32>
    %logistic3A = arith.negf %add3A_25 : vector<2048xf32>
    %logistic3A_26 = math.exp %logistic3A : vector<2048xf32>
    %logistic3A_27 = arith.constant 1.000000e+00 : f32
    %logistic3A_28 = vector.broadcast %logistic3A_27 : f32 to vector<2048xf32>
    %logistic3A_29 = arith.addf %logistic3A_28, %logistic3A_26 : vector<2048xf32>
    %logistic3A_30 = arith.divf %logistic3A_28, %logistic3A_29 : vector<2048xf32>
    %mul3A_31 = arith.constant 4.000000e+00 : f32
    %mul3A_32 = vector.broadcast %mul3A_31 : f32 to vector<2048xf32>
    %mul3A_33 = arith.mulf %logistic3A_30, %mul3A_32 : vector<2048xf32>
    %add3A_34 = arith.constant 1.000000e+00 : f32
    %add3A_35 = vector.broadcast %add3A_34 : f32 to vector<2048xf32>
    %add3A_36 = arith.addf %mul3A_33, %add3A_35 : vector<2048xf32>
    %swap3A = arith.constant 0 : index
    %swap3A_37 = vector.load %arg6[%swap3A] : memref<2048xf32, #tpu.memory_space<vmem>>, vector<2048xf32>
    tpu.vector_store %arg6[%swap3A], %add3A_36 {strides = array<i32>} : memref<2048xf32, #tpu.memory_space<vmem>>, vector<2048xf32>,
    return
  }
  func.func @transform_0(%arg0: i32) -> i32 {
    %c0_i32 = arith.constant 0 : i32
    return %arg0 : i32
  }
  func.func @transform_1(%arg0: i32) -> i32 {
    %c0_i32 = arith.constant 0 : i32
    return %arg0 : i32
  }
  func.func @transform_2(%arg0: i32) -> i32 {
    %c0_i32 = arith.constant 0 : i32
    return %arg0 : i32
  }
  func.func @transform_3(%arg0: i32) -> (i32, i32) {
    %c0_i32 = arith.constant 0 : i32
    %c0_i32_0 = arith.constant 0 : i32
    %c0_i32_1 = arith.constant 0 : i32
    return %c0_i32, %c0_i32_0 : i32, i32
  }
  func.func @transform_4(%arg0: i32) -> (i32, i32) {
    %c0_i32 = arith.constant 0 : i32
    %c0_i32_0 = arith.constant 0 : i32
    %c0_i32_1 = arith.constant 0 : i32
    return %c0_i32, %c0_i32_0 : i32, i32
  }
  func.func @transform_5(%arg0: i32) -> i32 {
    %c0_i32 = arith.constant 0 : i32
    return %arg0 : i32
  }
}

</mosaic_0001>

<sc_bundles>
// kernel: kernel.4.cloned.1.call-start
scs
__scs_entry_jumppad:
0x0: {  	(pc) =	sbr.rel $0x88, $3  }
0x1: {  	(tag) =	ssettag $0x0;
	lr =	simm.s32 $0x1  }
0x2: {  	[smem:$0x3F97] =	sst lr;
	_ =	strace $0xD0000000  }
0x3: {  	_ = 	snop  }
0x4: {  	_ = 	snop  }
0x5: {  	_ = 	snop  }
0x6: {  	_ = 	snop  }
0x7: {  	_ = 	snop  }
__scs_overlays_trampoline_lowered:
0x8: {  	[smem:$0x3FA6] =	sst s0  }
0x9: {  	[smem:$0x3FA7] =	sst s1  }
0xa: {  	[smem:$0x3FA8] =	sst s2  }
0xb: {  	[smem:$0x3FA9] =	sst s3  }
0xc: {  	[smem:$0x3FAA] =	sst s4  }
0xd: {  	[smem:$0x3FAB] =	sst s5  }
0xe: {  	[smem:$0x3FAC] =	sst s6  }
0xf: {  	[smem:$0x3FAD] =	sst s7  }
0x10: {  	[smem:$0x3FAE] =	sst s8  }
0x11: {  	[smem:$0x3FAF] =	sst s9;
	s0 =	simm.s32 @!p0 $0x0  }
0x12: {  	s1 =	sld [smem:$0x3F95];
	s0 =	simm.s32 @p0 $0x1  }
0x13: {  	[smem:$0x3FB0] =	sst s0;
	s0 =	simm.s32 @!p1 $0x0  }
0x14: {  	s2 =	sld [smem:$0x3F94];
	s0 =	simm.s32 @p1 $0x1  }
0x15: {  	[smem:$0x3FB1] =	sst s0;
	s0 =	simm.s32 @!p2 $0x0  }
0x16: {  	s3 =	sld [smem:$0x3FDB];
	s0 =	simm.s32 @p2 $0x1  }
0x17: {  	s4 =	simm.s32 $0x1BF5;
	[smem:$0x3FB3] =	sst s0  }
0x18: {  	s0 =	sld [smem:$0x3F96];
	_ =	swait.ge [sflag:s4], $0x0  }
0x19: {  	s7 =	sld [smem:$0x3F97]  }
0x1a: {  	s8 =	sadd.s32 $0xFFFFE003, lr  }
0x1b: {  	s9 =	sadd.s32 $0xFFFFFEF7, lr;
	s5 =	simm.s32 $0xFFFFFFFF;
	p2 =	slt.u32 s8, $0xFFFFF086  }
0x1c: {  	p1 =	slt.u32 s9, $0xF7A;
	s5 =	simm.s32 @!p2 $0x0  }
0x1d: {  	s5 =	simm.s32 @p1 $0x1;
	p0 =	seq.s32 s7, s2  }
0x1e: {  	s7 =	smul.u32 @!p0 $0xF7A, s2;
	p2 =	seq.s32 @!p0 s5, $0x0  }
0x1f: {  	s9 =	smul.u32 $0xF7A, s1;
	s8 =	simm.s32 @!p0 $0x1BF5;
	p2 =	por !p2, p0  }
0x20: {  	[sflag:s8] =	ssyncset.s32 @!p0 $0xFFFFF086;
	s6 =	sadd.s32 @!p0 s3, s7;
	s7 =	simm.s32 @!p0 $0x108  }
0x21: {  	s3 =	sadd.s32 s3, s9;
	s6 =	sadd.s32 @!p0 $0x88, s6;
	s7 =	simm.s32 @p2 $0x1082  }
0x22: {  	[simem:s7], [sflag:s8] =	dma.local @!p0 [hbm:s6], $0xF7A  }
0x23: {  	s9 =	sor.u32 $0xD0000000, s2;
	s6 =	simm.s32 $0x108;
	_ =	swait.ge @!p0 [sflag:s8], $0x0  }
0x24: {  	s3 =	sadd.s32 $0x88, s3;
	s6 =	simm.s32 @!p1 $0x1082;
	[sflag:s4] =	ssyncset.s32 $0xFFFFF086  }
0x25: {  	[simem:s6], [sflag:s4] =	dma.local [hbm:s3], $0xF7A  }
0x26: {  	[smem:$0x3F97] =	sst s1;
	(tag) =	ssettag s2;
	_ =	strace s9  }
0x27: {  	s1 =	sld [smem:$0x3FA7]  }
0x28: {  	s2 =	sld [smem:$0x3FA8]  }
0x29: {  	s4 =	sld [smem:$0x3FAA]  }
0x2a: {  	p0 =	seq.s32 s5, $0x0;
	s5 =	sld [smem:$0x3FAB]  }
0x2b: {  	s6 =	sld [smem:$0x3FAC]  }
0x2c: {  	s7 =	sld [smem:$0x3FAD]  }
0x2d: {  	s3 =	simm.s32 $0x108;
	s8 =	sld [smem:$0x3FAE]  }
0x2e: {  	s3 =	simm.s32 @!p0 $0x1082;
	s9 =	sld [smem:$0x3FAF]  }
0x2f: {  	lr =	sadd.s32 s0, s3;
	s0 =	sld [smem:$0x3FA6]  }
0x30: {  	s3 =	sld [smem:$0x3FA9]  }
0x31: {  	[smem:$0x3FB2] =	sst s10  }
0x32: {  	s10 =	sld [smem:$0x3FB0];
	_ =	sdelay $0x3  }
0x33: {  	p0 =	seq.s32 s10, $0x1;
	s10 =	sld [smem:$0x3FB2];
	_ =	sdelay $0x3  }
0x34: {  	[smem:$0x3FB2] =	sst s10  }
0x35: {  	s10 =	sld [smem:$0x3FB1];
	_ =	sdelay $0x3  }
0x36: {  	p1 =	seq.s32 s10, $0x1;
	s10 =	sld [smem:$0x3FB2];
	_ =	sdelay $0x3  }
0x37: {  	[smem:$0x3FB2] =	sst s10  }
0x38: {  	s10 =	sld [smem:$0x3FB3]  }
0x39: {  	_ = 	snop;
	(pc) =	sbr.ind lr, $3  }
0x3a: {  	_ = 	snop  }
0x3b: {  	_ = 	snop  }
0x3c: {  	p2 =	seq.s32 s10, $0x1;
	s10 =	sld [smem:$0x3FB2]  }
0x3d: {  	_ =	shalt  }
0x3e: {  	_ =	shalt  }
0x3f: {  	_ =	shalt  }
0x40: {  	_ =	shalt  }
0x41: {  	_ =	shalt  }
0x42: {  	_ =	shalt  }
0x43: {  	_ =	shalt  }
0x44: {  	_ =	shalt  }
0x45: {  	_ =	shalt  }
0x46: {  	_ =	shalt  }
0x47: {  	_ =	shalt  }
0x48: {  	_ =	shalt  }
0x49: {  	_ =	shalt  }
0x4a: {  	_ =	shalt  }
0x4b: {  	_ =	shalt  }
0x4c: {  	_ =	shalt  }
0x4d: {  	_ =	shalt  }
0x4e: {  	_ =	shalt  }
0x4f: {  	_ =	shalt  }
0x50: {  	_ =	shalt  }
0x51: {  	_ =	shalt  }
0x52: {  	_ =	shalt  }
0x53: {  	_ =	shalt  }
0x54: {  	_ =	shalt  }
0x55: {  	_ =	shalt  }
0x56: {  	_ =	shalt  }
0x57: {  	_ =	shalt  }
0x58: {  	_ =	shalt  }
0x59: {  	_ =	shalt  }
0x5a: {  	_ =	shalt  }
0x5b: {  	_ =	shalt  }
0x5c: {  	_ =	shalt  }
0x5d: {  	_ =	shalt  }
0x5e: {  	_ =	shalt  }
0x5f: {  	_ =	shalt  }
0x60: {  	_ =	shalt  }
0x61: {  	_ =	shalt  }
0x62: {  	_ =	shalt  }
0x63: {  	_ =	shalt  }
0x64: {  	_ =	shalt  }
0x65: {  	_ =	shalt  }
0x66: {  	_ =	shalt  }
0x67: {  	_ =	shalt  }
0x68: {  	_ =	shalt  }
0x69: {  	_ =	shalt  }
0x6a: {  	_ =	shalt  }
0x6b: {  	_ =	shalt  }
0x6c: {  	_ =	shalt  }
0x6d: {  	_ =	shalt  }
0x6e: {  	_ =	shalt  }
0x6f: {  	_ =	shalt  }
0x70: {  	_ =	shalt  }
0x71: {  	_ =	shalt  }
0x72: {  	_ =	shalt  }
0x73: {  	_ =	shalt  }
0x74: {  	_ =	shalt  }
0x75: {  	_ =	shalt  }
0x76: {  	_ =	shalt  }
0x77: {  	_ =	shalt  }
0x78: {  	_ =	shalt  }
0x79: {  	_ =	shalt  }
0x7a: {  	_ =	shalt  }
0x7b: {  	_ =	shalt  }
0x7c: {  	_ =	shalt  }
0x7d: {  	_ =	shalt  }
0x7e: {  	_ =	shalt  }
0x7f: {  	_ =	shalt  }
0x80: {  	_ =	shalt  }
0x81: {  	_ =	shalt  }
0x82: {  	_ =	shalt  }
0x83: {  	_ =	shalt  }
0x84: {  	_ =	shalt  }
0x85: {  	_ =	shalt  }
0x86: {  	_ =	shalt  }
0x87: {  	_ =	shalt  }
.Lfunc_end0:
.L_simem_size_0:
called_computation_lowered:
.L_overlay_start_0:
0x88: {  	s2 =	sld [smem:$0x3FD9]  }
0x89: {  	s3 =	sld [smem:$0x3FFE];
	_ =	sdelay $0x1  }
0x8a: {  	s1 =	srdreg.scid  }
0x8b: {  	s0 =	sand.u32 $0x1, s1  }
0x8c: {  	s17 =	sshll.u32 s0, $0xA;
	s2 =	sadd.s32 s3, s2  }
0x8d: {  	s2 =	sadd.s32 s2, s17  }
0x8e: {  	[smem:$0x3FBE] =	sst s2  }
0x8f: {  	_ = 	snop  }
0x90: {  	s2 =	sld [smem:$0x3FC9]  }
0x91: {  	s18 =	sld [smem:$0x3FC8]  }
0x92: {  	s4 =	sld [smem:$0x3FD0];
	(tm) =	ssettm $0x1  }
0x93: {  	s5 =	sld [smem:$0x3FFB];
	_ =	sdelay $0x3  }
0x94: {  	_ =	strace s5  }
0x95: {  	s5 =	sld [smem:$0x3FFC];
	_ =	sdelay $0x3  }
0x96: {  	_ =	strace s5  }
0x97: {  	s5 =	sld [smem:$0x3FFD];
	_ =	sdelay $0x3  }
0x98: {  	_ =	strace s5  }
0x99: {  	_ =	strace $0x8FFFFFFF  }
0x9a: {  	s19 =	sld [smem:$0x3FDB];
	_ =	sdelay $0x1  }
0x9b: {  	s6 =	simm.s32 $_scs_section_size  }
0x9c: {  	s7 =	simm.s32 $_size__tile_overlayer_lowered;
	s8 =	simm.s32 $_tile_overlayer_lowered  }
0x9d: {  	s22 =	simm.s32 $0x1BFF;
	s21 =	sshll.u32 s8, $0x1;
	s5 =	sadd.s32 s6, s19  }
0x9e: {  	s9 =	simm.s32 $0x0;
	s20 =	sshll.u32 s7, $0x1;
	s7 =	sadd.s32 s21, s5  }
0x9f: {  	[timem:s9], [sflag:s22] =	dma.local [hbm:s7], s20  }
0xa0: {  	_ =	swait.ge [sflag:s22], s20  }
0xa1: {  	s6 =	ssub.s32 $0x0, s20;
	[sflag:s22] =	ssyncset.done $0x0  }
0xa2: {  	[sflag:s22] =	ssyncadd.s32 s6;
	_ =	sdelay $0x1  }
0xa3: {  	s23 =	simm.s32 $0x1B8B  }
0xa4: {  	_ =	swait.ge [sflag:s23], $0x1  }
0xa5: {  	[sflag:s23] =	ssyncset.done $0x0  }
0xa6: {  	s25 =	simm.s32 $0x1B8E;
	s24 =	sld [smem:$0x3FFE];
	[sflag:s23] =	ssyncadd.s32 $0xFFFFFFFF  }
0xa7: {  	s26 =	simm.s32 $execute0_lowered;
	[smem:$0x3FD2] =	sst s25  }
0xa8: {  	s7 =	sshll.u32 s26, $0x1;
	_ =	strace $0x80000046;
	[dreg:$0x1] =	wrdreg $0xFFFFFFFF  }
0xa9: {  	s28 =	simm.s32 $_size_execute0_lowered;
	s5 =	sadd.s32 s5, s7;
	[dreg:$0x0] =	wrdreg $0x0  }
0xaa: {  	s7 =	sshll.u32 s28, $0x1;
	[dreg:$0x2] =	wrdreg s5  }
0xab: {  	[dreg:$0x3] =	wrdreg s7  }
0xac: {  	[dreg:$0x4] =	wrdreg $0xC0  }
0xad: {  	_ =	task [dreg:s9], $0x5FFFF  }
0xae: {  	[dreg:$0x1] =	wrdreg $0xFFFFFFFF  }
0xaf: {  	[dreg:$0x0] =	wrdreg $0x60  }
0xb0: {  	[dreg:$0x2] =	wrdreg s2  }
0xb1: {  	[dreg:$0x3] =	wrdreg s18  }
0xb2: {  	[dreg:$0x4] =	wrdreg s24  }
0xb3: {  	[dreg:$0x5] =	wrdreg s4  }
0xb4: {  	[dreg:$0x6] =	wrdreg $0x9  }
0xb5: {  	_ =	task.clear_ibuf [dreg:s9], $0x7FFFF;
	_ =	strace $0x90000046  }
0xb6: {  	s29 =	simm.s32 $0x9;
	_ =	strace $0x80000048  }
0xb7: {  	_ =	swait.ge [sflag:s29], $0x1  }
0xb8: {  	[sflag:s29] =	ssyncadd.s32 $0xFFFFFFFF  }
0xb9: {  	_ =	strace $0x90000048  }
0xba: {  	_ =	sfence  }
0xbb: {  	s30 =	sld [smem:$0x0];
	_ =	sdelay $0x2  }
0xbc: {  	s31 =	sshll.u32 s1, $0xD;
	s1 =	sshrl.u32 s1, $0x2  }
0xbd: {  	s3 =	sand.u32 $0x4000, s31;
	s1 =	sadd.s32 s1, s30  }
0xbe: {  	s0 =	sor.u32 s3, s0;
	s1 =	sshll.u32 s1, $0x11  }
0xbf: {  	s0 =	sor.u32 s1, s0  }
0xc0: {  	s0 =	sadd.s32 $0x8F2B, s0  }
0xc1: {  	[sflag:s0] =	ssyncadd.remote.s32 $0x1  }
0xc2: {  	_ =	sfence.sel $0xFFFF  }
0xc3: {  	[dreg:$0x0] =	wrdreg $0xFFFFFFFF;
	(pc) =	sbr.abs _section_cstart, $3  }
0xc4: {  	[dreg:$0x1] =	wrdreg $0xFFFFFFFF  }
0xc5: {  	_ =	task.clear_ibuf [dreg:s9], $0x2FFFF;
	_ =	strace $0x9FFFFFFF  }
0xc6: {  	(tm) =	ssettm $0x7FFFFFFF  }
0xc7: {  	_ =	shalt  }
tec
execute0_lowered:
.L_overlay_start_1:
0x0: {  	(tag) =	ssettag $0x1  }
0x1: {  	s1 =	rddreg [dreg:$0x0]  }
0x2: {  	s3 =	rddreg [dreg:$0x1];
	s2 =	srdreg.scid  }
0x3: {  	s8 =	rddreg [dreg:$0x2];
	s0 =	stileid.u32  }
0x4: {  	s5 =	rddreg [dreg:$0x3];
	s9 =	sand.u32 $0x1, s2;
	s2 =	simm.s32 $0x0  }
0x5: {  	s4 =	sshll.u32 s0, $0xA;
	s6 =	sshll.u32 s9, $0x9;
	[smem:$0x7FF] =	sst s2  }
0x6: {  	s22 =	simm.s32 $0x400;
	s4 =	sor.u32 s6, s4;
	_ =	strace $0x80000047  }
0x7: {  	[dreg:$0x13] =	wrdreg s22;
	s22 =	simm.s32 $0x16900;
	s6 =	sshrl.u32 s4, $0x3  }
0x8: {  	s28 =	simm.s32 $0x16980;
	[smem:$0x7F9] =	sst s22;
	s7 =	sadd.s32 s1, s6  }
0x9: {  	s29 =	simm.s32 $0x16B80;
	s23 =	sadd.s32 s3, s6;
	[dreg:$0x5] =	wrdreg s7  }
0xa: {  	s10 =	sor.u32 $0x10, s6;
	s20 =	sadd.s32 s5, s6;
	[dreg:$0x6] =	wrdreg s23  }
0xb: {  	s30 =	simm.s32 $0x1;
	s24 =	sadd.s32 s1, s10;
	[dreg:$0x11] =	wrdreg s20  }
0xc: {  	s26 =	sor.u32 $0x20, s6;
	s25 =	sadd.s32 s3, s10;
	[dreg:$0x7] =	wrdreg s24  }
0xd: {  	s31 =	simm.s32 $0x40;
	s0 =	sadd.s32 s1, s26;
	[dreg:$0x8] =	wrdreg s25  }
0xe: {  	s12 =	sor.u32 $0x30, s6;
	s11 =	sadd.s32 s3, s26;
	[dreg:$0x9] =	wrdreg s0  }
0xf: {  	s4 =	sshll.u32 s4, $0x5;
	s1 =	sadd.s32 s1, s12;
	[dreg:$0xa] =	wrdreg s11  }
0x10: {  	s13 =	sadd.s32 s4, s8;
	s14 =	sadd.s32 s3, s12;
	[dreg:$0xb] =	wrdreg s1  }
0x11: {  	s9 =	ssub.s32 $0x2, s9;
	s15 =	sadd.s32 $0x9C000, s13;
	[dreg:$0xc] =	wrdreg s14  }
0x12: {  	s22 =	simm.s32 $0x16800;
	s16 =	sadd.s32 $0x9C008, s13;
	[dreg:$0xd] =	wrdreg s15  }
0x13: {  	s4 =	sadd.s32 $0x21C800, s8;
	s17 =	sadd.s32 $0x9C010, s13;
	[dreg:$0xe] =	wrdreg s16  }
0x14: {  	s19 =	sadd.s32 s6, s8;
	s18 =	sadd.s32 $0x9C013, s13;
	[dreg:$0xf] =	wrdreg s17  }
0x15: {  	s5 =	sadd.s32 $0x98E00, s8;
	s21 =	sadd.s32 $0x11C000, s19;
	[dreg:$0x10] =	wrdreg s18  }
0x16: {  	s6 =	sadd.s32 $0x95C00, s8;
	s23 =	simm.s32 $0x600;
	[dreg:$0x12] =	wrdreg s21  }
0x17: {  	s3 =	sadd.s32 $0x2DFE00, s8;
	s12 =	simm.s32 $0x680;
	[dreg:$0x14] =	wrdreg s23  }
0x18: {  	s7 =	sadd.s32 $0x4C800, s8;
	s13 =	simm.s32 $0x14400;
	[dreg:$0x19] =	wrdreg s12  }
0x19: {  	s8 =	sadd.s32 $0x3400, s8;
	s19 =	simm.s32 $0x12000;
	[dreg:$0x1a] =	wrdreg s13  }
0x1a: {  	s26 =	sshrl.u32 s9, $0x1;
	s20 =	simm.s32 $0x700;
	[smem:$0x7F6] =	sst s19  }
0x1b: {  	s10 =	simm.s32 $0x2;
	s24 =	simm.s32 $0x2800;
	[smem:$0x7F7] =	sst s20  }
0x1c: {  	s25 =	simm.s32 $0xA800;
	s0 =	simm.s32 $0x480;
	[dreg:$0x15] =	wrdreg s24  }
0x1d: {  	s9 =	ssub.s32 s9, s26;
	s11 =	simm.s32 $0x11400;
	[dreg:$0x16] =	wrdreg s25  }
0x1e: {  	s14 =	simm.s32 $0x16880;
	s12 =	simm.s32 $0x80;
	[dreg:$0x17] =	wrdreg s0  }
0x1f: {  	s15 =	simm.s32 $0x16A80;
	s13 =	simm.s32 $0x280;
	[dreg:$0x18] =	wrdreg s11  }
0x20: {  	s16 =	simm.s32 $0x4800;
	s17 =	simm.s32 $0xC800;
	[dreg:$0x1b] =	wrdreg s14  }
0x21: {  	s18 =	simm.s32 $0x500;
	s21 =	simm.s32 $0x15000;
	[dreg:$0x1c] =	wrdreg s15  }
0x22: {  	s19 =	simm.s32 $0x8800;
	s20 =	simm.s32 $0x10800;
	[dreg:$0x1d] =	wrdreg s16  }
0x23: {  	s23 =	simm.s32 $0x16B00;
	s26 =	simm.s32 $0x580;
	[dreg:$0x1e] =	wrdreg s17  }
0x24: {  	s1 =	simm.s32 $0x18;
	s9 =	smax.u32 s9, $0x1;
	[dreg:$0x1f] =	wrdreg s18  }
0x25: {  	s11 =	simm.s32 $0x200;
	s14 =	simm.s32 $0x100;
	[smem:$0x7F8] =	sst s21  }
0x26: {  	s15 =	simm.s32 $0x300;
	s16 =	simm.s32 $0x180;
	[smem:$0x7FA] =	sst s23  }
0x27: {  	s17 =	simm.s32 $0x380;
	s24 =	simm.s32 $0x6800;
	[smem:$0x7FD] =	sst s26  }
0x28: {  	s18 =	simm.s32 $0x800;
	s25 =	simm.s32 $0xE800;
	[smem:$0x7FB] =	sst s24  }
0x29: {  	s21 =	simm.s32 $0x13800;
	s23 =	simm.s32 $0x16A00;
	[smem:$0x7FC] =	sst s25  }
.LBB2_1:
0x2a: {  	s0 =	rddreg [dreg:$0x5]  }
0x2b: {  	[tilespmem:s2], [sflag:$0x2] =	stream.linear.gather [hbm4b:s0+s2], $0x80, $0x38;
	[tilespmem:$0x16C00] =	vst v63  }
0x2c: {  	_ =	swait.ge [sflag:s10], $0x80  }
0x2d: {  	[sflag:s10] =	ssyncset.done $0x0  }
0x2e: {  	s25 =	rddreg [dreg:$0x6];
	[sflag:s10] =	ssyncadd.s32 $0xFFFFFF80  }
0x2f: {  	[tilespmem:s11], [sflag:$0x2] =	stream.linear.gather [hbm4b:s25+s2], $0x80, $0x38;
	[tilespmem:$0x16C00] =	vst v63  }
0x30: {  	_ =	swait.ge [sflag:s10], $0x80  }
0x31: {  	[sflag:s10] =	ssyncset.done $0x0  }
0x32: {  	s26 =	rddreg [dreg:$0x7];
	[sflag:s10] =	ssyncadd.s32 $0xFFFFFF80  }
0x33: {  	[tilespmem:s12], [sflag:$0x2] =	stream.linear.gather [hbm4b:s26+s2], $0x80, $0x38;
	[tilespmem:$0x16C00] =	vst v63  }
0x34: {  	_ =	swait.ge [sflag:s10], $0x80  }
0x35: {  	[sflag:s10] =	ssyncset.done $0x0  }
0x36: {  	s24 =	rddreg [dreg:$0x8];
	[sflag:s10] =	ssyncadd.s32 $0xFFFFFF80  }
0x37: {  	[tilespmem:s13], [sflag:$0x2] =	stream.linear.gather [hbm4b:s24+s2], $0x80, $0x38;
	[tilespmem:$0x16C00] =	vst v63  }
0x38: {  	_ =	swait.ge [sflag:s10], $0x80  }
0x39: {  	[sflag:s10] =	ssyncset.done $0x0  }
0x3a: {  	s25 =	rddreg [dreg:$0x9];
	[sflag:s10] =	ssyncadd.s32 $0xFFFFFF80  }
0x3b: {  	[tilespmem:s14], [sflag:$0x2] =	stream.linear.gather [hbm4b:s25+s2], $0x80, $0x38;
	[tilespmem:$0x16C00] =	vst v63  }
0x3c: {  	_ =	swait.ge [sflag:s10], $0x80  }
0x3d: {  	[sflag:s10] =	ssyncset.done $0x0  }
0x3e: {  	s26 =	rddreg [dreg:$0xa];
	[sflag:s10] =	ssyncadd.s32 $0xFFFFFF80  }
0x3f: {  	[tilespmem:s15], [sflag:$0x2] =	stream.linear.gather [hbm4b:s26+s2], $0x80, $0x38;
	[tilespmem:$0x16C00] =	vst v63  }
0x40: {  	_ =	swait.ge [sflag:s10], $0x80  }
0x41: {  	[sflag:s10] =	ssyncset.done $0x0  }
0x42: {  	s24 =	rddreg [dreg:$0xb];
	[sflag:s10] =	ssyncadd.s32 $0xFFFFFF80  }
0x43: {  	[tilespmem:s16], [sflag:$0x2] =	stream.linear.gather [hbm4b:s24+s2], $0x80, $0x38;
	[tilespmem:$0x16C00] =	vst v63  }
0x44: {  	_ =	swait.ge [sflag:s10], $0x80  }
0x45: {  	[sflag:s10] =	ssyncset.done $0x0  }
0x46: {  	s25 =	rddreg [dreg:$0xc];
	[sflag:s10] =	ssyncadd.s32 $0xFFFFFF80  }
0x47: {  	[tilespmem:s17], [sflag:$0x2] =	stream.linear.gather [hbm4b:s25+s2], $0x80, $0x38;
	[tilespmem:$0x16C00] =	vst v63  }
0x48: {  	_ =	swait.ge [sflag:s10], $0x80  }
0x49: {  	[sflag:s10] =	ssyncset.done $0x0  }
0x4a: {  	[sflag:s10] =	ssyncadd.s32 $0xFFFFFF80  }
0x4b: {  	v0 =	vld [tilespmem:$0x0]  }
0x4c: {  	v1 =	vld [tilespmem:$0x200]  }
0x4d: {  	v2 =	vld [tilespmem:$0x10]  }
0x4e: {  	v3 =	vld [tilespmem:$0x210]  }
0x4f: {  	v4 =	vld [tilespmem:$0x20]  }
0x50: {  	v5 =	vld [tilespmem:$0x220];
	vm0 =	veq.s32 v0, $0x0;
	v0 =	vadd.s32 $0xFFFFFFFF, v0  }
0x51: {  	v6 =	vld [tilespmem:$0x30];
	vm13 =	veq.s32 v1, $0x0;
	v1 =	vadd.s32 $0xFFFFFFFF, v1;
	v0 =	vsel vm0, $0x1869F, v0  }
0x52: {  	v51 =	vld [tilespmem:$0x230];
	vm14 =	veq.s32 v2, $0x0;
	v50 =	vadd.s32 $0xFFFFFFFF, v2;
	v49 =	vsel vm13, $0x1869F, v1;
	[tilespmem:$0x400] =	vst v0  }
0x53: {  	v54 =	vld [tilespmem:$0x40];
	vm15 =	veq.s32 v3, $0x0;
	v53 =	vadd.s32 $0xFFFFFFFF, v3;
	v52 =	vsel vm14, $0x1869F, v50;
	[tilespmem:$0x600] =	vst v49  }
0x54: {  	v57 =	vld [tilespmem:$0x240];
	vm4 =	veq.s32 v4, $0x0;
	v56 =	vadd.s32 $0xFFFFFFFF, v4;
	v55 =	vsel vm15, $0x1869F, v53;
	[tilespmem:$0x410] =	vst v52  }
0x55: {  	v60 =	vld [tilespmem:$0x50];
	vm5 =	veq.s32 v5, $0x0;
	v59 =	vadd.s32 $0xFFFFFFFF, v5;
	v58 =	vsel vm4, $0x1869F, v56;
	[tilespmem:$0x610] =	vst v55  }
0x56: {  	v63 =	vld [tilespmem:$0x250];
	vm6 =	veq.s32 v6, $0x0;
	v62 =	vadd.s32 $0xFFFFFFFF, v6;
	v61 =	vsel vm5, $0x1869F, v59;
	[tilespmem:$0x420] =	vst v58  }
0x57: {  	v11 =	vld [tilespmem:$0x60];
	vm7 =	veq.s32 v51, $0x0;
	v10 =	vadd.s32 $0xFFFFFFFF, v51;
	v9 =	vsel vm6, $0x1869F, v62;
	[tilespmem:$0x620] =	vst v61  }
0x58: {  	v14 =	vld [tilespmem:$0x260];
	vm8 =	veq.s32 v54, $0x0;
	v13 =	vadd.s32 $0xFFFFFFFF, v54;
	v12 =	vsel vm7, $0x1869F, v10;
	[tilespmem:$0x430] =	vst v9  }
0x59: {  	v17 =	vld [tilespmem:$0x70];
	vm9 =	veq.s32 v57, $0x0;
	v16 =	vadd.s32 $0xFFFFFFFF, v57;
	v15 =	vsel vm8, $0x1869F, v13;
	[tilespmem:$0x630] =	vst v12  }
0x5a: {  	v20 =	vld [tilespmem:$0x270];
	vm10 =	veq.s32 v60, $0x0;
	v19 =	vadd.s32 $0xFFFFFFFF, v60;
	v18 =	vsel vm9, $0x1869F, v16;
	[tilespmem:$0x440] =	vst v15  }
0x5b: {  	v23 =	vld [tilespmem:$0x80];
	vm11 =	veq.s32 v63, $0x0;
	v22 =	vadd.s32 $0xFFFFFFFF, v63;
	v21 =	vsel vm10, $0x1869F, v19;
	[tilespmem:$0x640] =	vst v18  }
0x5c: {  	v26 =	vld [tilespmem:$0x280];
	vm12 =	veq.s32 v11, $0x0;
	v25 =	vadd.s32 $0xFFFFFFFF, v11;
	v24 =	vsel vm11, $0x1869F, v22;
	[tilespmem:$0x450] =	vst v21  }
0x5d: {  	v29 =	vld [tilespmem:$0x90];
	v28 =	vadd.s32 $0xFFFFFFFF, v14;
	v27 =	vsel vm12, $0x1869F, v25;
	vm13 =	veq.s32 v14, $0x0;
	[tilespmem:$0x650] =	vst v24  }
0x5e: {  	v32 =	vld [tilespmem:$0x290];
	v31 =	vadd.s32 $0xFFFFFFFF, v17;
	vm14 =	veq.s32 v17, $0x0;
	[tilespmem:$0x460] =	vst v27;
	v30 =	vsel vm13, $0x1869F, v28  }
0x5f: {  	v35 =	vld [tilespmem:$0xA0];
	v34 =	vadd.s32 $0xFFFFFFFF, v20;
	vm15 =	veq.s32 v20, $0x0;
	v33 =	vsel vm14, $0x1869F, v31;
	[tilespmem:$0x660] =	vst v30  }
0x60: {  	v38 =	vld [tilespmem:$0x2A0];
	v37 =	vadd.s32 $0xFFFFFFFF, v23;
	vm4 =	veq.s32 v23, $0x0;
	v36 =	vsel vm15, $0x1869F, v34;
	[tilespmem:$0x470] =	vst v33  }
0x61: {  	v41 =	vld [tilespmem:$0xB0];
	v40 =	vadd.s32 $0xFFFFFFFF, v26;
	vm5 =	veq.s32 v26, $0x0;
	v39 =	vsel vm4, $0x1869F, v37;
	[tilespmem:$0x670] =	vst v36  }
0x62: {  	v44 =	vld [tilespmem:$0x2B0];
	v43 =	vadd.s32 $0xFFFFFFFF, v29;
	vm6 =	veq.s32 v29, $0x0;
	v42 =	vsel vm5, $0x1869F, v40;
	[tilespmem:$0x480] =	vst v39  }
0x63: {  	v47 =	vld [tilespmem:$0xC0];
	v46 =	vadd.s32 $0xFFFFFFFF, v32;
	vm7 =	veq.s32 v32, $0x0;
	v45 =	vsel vm6, $0x1869F, v43;
	[tilespmem:$0x680] =	vst v42  }
0x64: {  	vm8 =	veq.s32 v35, $0x0;
	v50 =	vld [tilespmem:$0x2C0];
	v48 =	vsel vm7, $0x1869F, v46;
	v49 =	vadd.s32 $0xFFFFFFFF, v35;
	[tilespmem:$0x490] =	vst v45  }
0x65: {  	vm9 =	veq.s32 v38, $0x0;
	v53 =	vld [tilespmem:$0xD0];
	v52 =	vadd.s32 $0xFFFFFFFF, v38;
	[tilespmem:$0x690] =	vst v48;
	v51 =	vsel vm8, $0x1869F, v49  }
0x66: {  	vm10 =	veq.s32 v41, $0x0;
	v56 =	vld [tilespmem:$0x2D0];
	v55 =	vadd.s32 $0xFFFFFFFF, v41;
	v54 =	vsel vm9, $0x1869F, v52;
	[tilespmem:$0x4A0] =	vst v51  }
0x67: {  	vm11 =	veq.s32 v44, $0x0;
	v59 =	vld [tilespmem:$0xE0];
	v58 =	vadd.s32 $0xFFFFFFFF, v44;
	v57 =	vsel vm10, $0x1869F, v55;
	[tilespmem:$0x6A0] =	vst v54  }
0x68: {  	vm12 =	veq.s32 v47, $0x0;
	v62 =	vld [tilespmem:$0x2E0];
	v61 =	vadd.s32 $0xFFFFFFFF, v47;
	v60 =	vsel vm11, $0x1869F, v58;
	[tilespmem:$0x4B0] =	vst v57  }
0x69: {  	v9 =	vld [tilespmem:$0xF0];
	v63 =	vsel vm12, $0x1869F, v61;
	[tilespmem:$0x6B0] =	vst v60;
	vm13 =	veq.s32 v50, $0x0;
	v8 =	vadd.s32 $0xFFFFFFFF, v50  }
0x6a: {  	v12 =	vld [tilespmem:$0x2F0];
	[tilespmem:$0x4C0] =	vst v63;
	vm14 =	veq.s32 v53, $0x0;
	v11 =	vadd.s32 $0xFFFFFFFF, v53;
	v10 =	vsel vm13, $0x1869F, v8  }
0x6b: {  	v15 =	vld [tilespmem:$0x100];
	vm15 =	veq.s32 v56, $0x0;
	v14 =	vadd.s32 $0xFFFFFFFF, v56;
	v13 =	vsel vm14, $0x1869F, v11;
	[tilespmem:$0x6C0] =	vst v10  }
0x6c: {  	v18 =	vld [tilespmem:$0x300];
	vm4 =	veq.s32 v59, $0x0;
	v17 =	vadd.s32 $0xFFFFFFFF, v59;
	v16 =	vsel vm15, $0x1869F, v14;
	[tilespmem:$0x4D0] =	vst v13  }
0x6d: {  	v21 =	vld [tilespmem:$0x110];
	vm5 =	veq.s32 v62, $0x0;
	v20 =	vadd.s32 $0xFFFFFFFF, v62;
	v19 =	vsel vm4, $0x1869F, v17;
	[tilespmem:$0x6D0] =	vst v16  }
0x6e: {  	v24 =	vld [tilespmem:$0x310];
	v22 =	vsel vm5, $0x1869F, v20;
	vm6 =	veq.s32 v9, $0x0;
	v23 =	vadd.s32 $0xFFFFFFFF, v9;
	[tilespmem:$0x4E0] =	vst v19  }
0x6f: {  	v27 =	vld [tilespmem:$0x120];
	vm7 =	veq.s32 v12, $0x0;
	v26 =	vadd.s32 $0xFFFFFFFF, v12;
	[tilespmem:$0x6E0] =	vst v22;
	v25 =	vsel vm6, $0x1869F, v23  }
0x70: {  	v30 =	vld [tilespmem:$0x320];
	vm8 =	veq.s32 v15, $0x0;
	v29 =	vadd.s32 $0xFFFFFFFF, v15;
	v28 =	vsel vm7, $0x1869F, v26;
	[tilespmem:$0x4F0] =	vst v25  }
0x71: {  	v33 =	vld [tilespmem:$0x130];
	vm9 =	veq.s32 v18, $0x0;
	v32 =	vadd.s32 $0xFFFFFFFF, v18;
	v31 =	vsel vm8, $0x1869F, v29;
	[tilespmem:$0x6F0] =	vst v28  }
0x72: {  	v36 =	vld [tilespmem:$0x330];
	vm10 =	veq.s32 v21, $0x0;
	v35 =	vadd.s32 $0xFFFFFFFF, v21;
	v34 =	vsel vm9, $0x1869F, v32;
	[tilespmem:$0x500] =	vst v31  }
0x73: {  	v39 =	vld [tilespmem:$0x140];
	vm11 =	veq.s32 v24, $0x0;
	v38 =	vadd.s32 $0xFFFFFFFF, v24;
	v37 =	vsel vm10, $0x1869F, v35;
	[tilespmem:$0x700] =	vst v34  }
0x74: {  	v42 =	vld [tilespmem:$0x340];
	vm12 =	veq.s32 v27, $0x0;
	v41 =	vadd.s32 $0xFFFFFFFF, v27;
	v40 =	vsel vm11, $0x1869F, v38;
	[tilespmem:$0x510] =	vst v37  }
0x75: {  	v45 =	vld [tilespmem:$0x150];
	v43 =	vsel vm12, $0x1869F, v41;
	vm13 =	veq.s32 v30, $0x0;
	v44 =	vadd.s32 $0xFFFFFFFF, v30;
	[tilespmem:$0x710] =	vst v40  }
0x76: {  	v48 =	vld [tilespmem:$0x350];
	vm14 =	veq.s32 v33, $0x0;
	v47 =	vadd.s32 $0xFFFFFFFF, v33;
	[tilespmem:$0x520] =	vst v43;
	v46 =	vsel vm13, $0x1869F, v44  }
0x77: {  	v51 =	vld [tilespmem:$0x160];
	vm15 =	veq.s32 v36, $0x0;
	v50 =	vadd.s32 $0xFFFFFFFF, v36;
	v49 =	vsel vm14, $0x1869F, v47;
	[tilespmem:$0x720] =	vst v46  }
0x78: {  	v54 =	vld [tilespmem:$0x360];
	vm4 =	veq.s32 v39, $0x0;
	v53 =	vadd.s32 $0xFFFFFFFF, v39;
	v52 =	vsel vm15, $0x1869F, v50;
	[tilespmem:$0x530] =	vst v49  }
0x79: {  	v57 =	vld [tilespmem:$0x170];
	vm5 =	veq.s32 v42, $0x0;
	v56 =	vadd.s32 $0xFFFFFFFF, v42;
	v55 =	vsel vm4, $0x1869F, v53;
	[tilespmem:$0x730] =	vst v52  }
0x7a: {  	v60 =	vld [tilespmem:$0x370];
	vm6 =	veq.s32 v45, $0x0;
	v59 =	vadd.s32 $0xFFFFFFFF, v45;
	v58 =	vsel vm5, $0x1869F, v56;
	[tilespmem:$0x540] =	vst v55  }
0x7b: {  	v63 =	vld [tilespmem:$0x180];
	vm7 =	veq.s32 v48, $0x0;
	v62 =	vadd.s32 $0xFFFFFFFF, v48;
	v61 =	vsel vm6, $0x1869F, v59;
	[tilespmem:$0x740] =	vst v58  }
0x7c: {  	v10 =	vld [tilespmem:$0x380];
	v8 =	vsel vm7, $0x1869F, v62;
	vm8 =	veq.s32 v51, $0x0;
	v9 =	vadd.s32 $0xFFFFFFFF, v51;
	[tilespmem:$0x550] =	vst v61  }
0x7d: {  	v13 =	vld [tilespmem:$0x190];
	vm9 =	veq.s32 v54, $0x0;
	v12 =	vadd.s32 $0xFFFFFFFF, v54;
	[tilespmem:$0x750] =	vst v8;
	v11 =	vsel vm8, $0x1869F, v9  }
0x7e: {  	v16 =	vld [tilespmem:$0x390];
	vm10 =	veq.s32 v57, $0x0;
	v15 =	vadd.s32 $0xFFFFFFFF, v57;
	v14 =	vsel vm9, $0x1869F, v12;
	[tilespmem:$0x560] =	vst v11  }
0x7f: {  	v19 =	vld [tilespmem:$0x1A0];
	vm11 =	veq.s32 v60, $0x0;
	v18 =	vadd.s32 $0xFFFFFFFF, v60;
	v17 =	vsel vm10, $0x1869F, v15;
	[tilespmem:$0x760] =	vst v14  }
0x80: {  	v22 =	vld [tilespmem:$0x3A0];
	vm12 =	veq.s32 v63, $0x0;
	v21 =	vadd.s32 $0xFFFFFFFF, v63;
	v20 =	vsel vm11, $0x1869F, v18;
	[tilespmem:$0x570] =	vst v17  }
0x81: {  	v25 =	vld [tilespmem:$0x1B0];
	v23 =	vsel vm12, $0x1869F, v21;
	[tilespmem:$0x770] =	vst v20;
	vm13 =	veq.s32 v10, $0x0;
	v24 =	vadd.s32 $0xFFFFFFFF, v10  }
0x82: {  	v28 =	vld [tilespmem:$0x3B0];
	[tilespmem:$0x580] =	vst v23;
	vm14 =	veq.s32 v13, $0x0;
	v27 =	vadd.s32 $0xFFFFFFFF, v13;
	v26 =	vsel vm13, $0x1869F, v24  }
0x83: {  	v31 =	vld [tilespmem:$0x1C0];
	vm15 =	veq.s32 v16, $0x0;
	v30 =	vadd.s32 $0xFFFFFFFF, v16;
	v29 =	vsel vm14, $0x1869F, v27;
	[tilespmem:$0x780] =	vst v26  }
0x84: {  	v34 =	vld [tilespmem:$0x3C0];
	vm4 =	veq.s32 v19, $0x0;
	v33 =	vadd.s32 $0xFFFFFFFF, v19;
	v32 =	vsel vm15, $0x1869F, v30;
	[tilespmem:$0x590] =	vst v29  }
0x85: {  	v37 =	vld [tilespmem:$0x1D0];
	vm5 =	veq.s32 v22, $0x0;
	v36 =	vadd.s32 $0xFFFFFFFF, v22;
	v35 =	vsel vm4, $0x1869F, v33;
	[tilespmem:$0x790] =	vst v32  }
0x86: {  	v40 =	vld [tilespmem:$0x3D0];
	v38 =	vsel vm5, $0x1869F, v36;
	vm6 =	veq.s32 v25, $0x0;
	v39 =	vadd.s32 $0xFFFFFFFF, v25;
	[tilespmem:$0x5A0] =	vst v35  }
0x87: {  	v43 =	vld [tilespmem:$0x1E0];
	vm7 =	veq.s32 v28, $0x0;
	v42 =	vadd.s32 $0xFFFFFFFF, v28;
	[tilespmem:$0x7A0] =	vst v38;
	v41 =	vsel vm6, $0x1869F, v39  }
0x88: {  	v46 =	vld [tilespmem:$0x3E0];
	vm8 =	veq.s32 v31, $0x0;
	v45 =	vadd.s32 $0xFFFFFFFF, v31;
	v44 =	vsel vm7, $0x1869F, v42;
	[tilespmem:$0x5B0] =	vst v41  }
0x89: {  	v49 =	vld [tilespmem:$0x1F0];
	vm9 =	veq.s32 v34, $0x0;
	v48 =	vadd.s32 $0xFFFFFFFF, v34;
	v47 =	vsel vm8, $0x1869F, v45;
	[tilespmem:$0x7B0] =	vst v44  }
0x8a: {  	v52 =	vld [tilespmem:$0x3F0];
	vm10 =	veq.s32 v37, $0x0;
	v51 =	vadd.s32 $0xFFFFFFFF, v37;
	v50 =	vsel vm9, $0x1869F, v48;
	[tilespmem:$0x5C0] =	vst v47  }
0x8b: {  	vm11 =	veq.s32 v40, $0x0;
	v54 =	vadd.s32 $0xFFFFFFFF, v40;
	v53 =	vsel vm10, $0x1869F, v51;
	[tilespmem:$0x7C0] =	vst v50  }
0x8c: {  	vm12 =	veq.s32 v43, $0x0;
	v56 =	vadd.s32 $0xFFFFFFFF, v43;
	v55 =	vsel vm11, $0x1869F, v54;
	[tilespmem:$0x5D0] =	vst v53  }
0x8d: {  	v57 =	vsel vm12, $0x1869F, v56;
	vm13 =	veq.s32 v46, $0x0;
	v58 =	vadd.s32 $0xFFFFFFFF, v46;
	[tilespmem:$0x7D0] =	vst v55  }
0x8e: {  	vm14 =	veq.s32 v49, $0x0;
	v60 =	vadd.s32 $0xFFFFFFFF, v49;
	[tilespmem:$0x5E0] =	vst v57;
	v59 =	vsel vm13, $0x1869F, v58  }
0x8f: {  	vm15 =	veq.s32 v52, $0x0;
	v62 =	vadd.s32 $0xFFFFFFFF, v52;
	v61 =	vsel vm14, $0x1869F, v60;
	[tilespmem:$0x7E0] =	vst v59  }
0x90: {  	v63 =	vsel vm15, $0x1869F, v62;
	[tilespmem:$0x5F0] =	vst v61  }
0x91: {  	[tilespmem:$0x7F0] =	vst v63  }
0x92: {  	[tilespmem:s18], [sflag:$0x1] =	stream.indirect.gather [hbm4b:s3+s12], $0x40, s2, s12, $0xb8;
	[tilespmem:$0x16C00] =	vst v63  }
0x93: {  	s26 =	rddreg [dreg:$0x13]  }
0x94: {  	[tilespmem:s19], [sflag:$0x1] =	stream.indirect.gather [hbm4b:s4+s12], $0x40, s11, s12, $0xb8;
	[tilespmem:$0x16C00] =	vst v63  }
0x95: {  	s24 =	rddreg [dreg:$0x14]  }
0x96: {  	[tilespmem:s20], [sflag:$0x1] =	stream.indirect.gather [hbm4b:s7+s12], $0x18, s26, s12, $0xb8;
	[tilespmem:$0x16C00] =	vst v63  }
0x97: {  	s25 =	rddreg [dreg:$0x15]  }
0x98: {  	[tilespmem:s21], [sflag:$0x1] =	stream.indirect.gather [hbm4b:s8+s12], $0x18, s24, s12, $0xb8;
	[tilespmem:$0x16C00] =	vst v63  }
0x99: {  	s0 =	rddreg [dreg:$0x17]  }
0x9a: {  	[tilespmem:s22], [sflag:$0x1] =	stream.indirect.gather [hbm4b:s5+s12], $0x1, s2, s12, $0xb8;
	[tilespmem:$0x16C00] =	vst v63  }
0x9b: {  	s26 =	rddreg [dreg:$0x16]  }
0x9c: {  	[tilespmem:s23], [sflag:$0x1] =	stream.indirect.gather [hbm4b:s6+s12], $0x1, s11, s12, $0xb8;
	[tilespmem:$0x16C00] =	vst v63  }
0x9d: {  	s24 =	rddreg [dreg:$0x18]  }
0x9e: {  	[tilespmem:s25], [sflag:$0x1] =	stream.indirect.gather [hbm4b:s3+s12], $0x40, s12, s12, $0xb8;
	[tilespmem:$0x16C00] =	vst v63  }
0x9f: {  	s25 =	rddreg [dreg:$0x19]  }
0xa0: {  	[tilespmem:s26], [sflag:$0x1] =	stream.indirect.gather [hbm4b:s4+s12], $0x40, s13, s12, $0xb8;
	[tilespmem:$0x16C00] =	vst v63  }
0xa1: {  	s26 =	rddreg [dreg:$0x1a]  }
0xa2: {  	[tilespmem:s24], [sflag:$0x1] =	stream.indirect.gather [hbm4b:s7+s12], $0x18, s0, s12, $0xb8;
	[tilespmem:$0x16C00] =	vst v63  }
0xa3: {  	s24 =	rddreg [dreg:$0x1b]  }
0xa4: {  	s0 =	rddreg [dreg:$0x1f]  }
0xa5: {  	[tilespmem:s26], [sflag:$0x1] =	stream.indirect.gather [hbm4b:s8+s12], $0x18, s25, s12, $0xb8;
	[tilespmem:$0x16C00] =	vst v63  }
0xa6: {  	s26 =	rddreg [dreg:$0x1c]  }
0xa7: {  	s25 =	rddreg [dreg:$0x1d]  }
0xa8: {  	[tilespmem:s24], [sflag:$0x1] =	stream.indirect.gather [hbm4b:s5+s12], $0x1, s12, s12, $0xb8;
	[tilespmem:$0x16C00] =	vst v63  }
0xa9: {  	s24 =	sld [smem:$0x7F6]  }
0xaa: {  	[tilespmem:s26], [sflag:$0x1] =	stream.indirect.gather [hbm4b:s6+s12], $0x1, s13, s12, $0xb8;
	[tilespmem:$0x16C00] =	vst v63  }
0xab: {  	s26 =	rddreg [dreg:$0x1e]  }
0xac: {  	[tilespmem:s25], [sflag:$0x1] =	stream.indirect.gather [hbm4b:s3+s12], $0x40, s14, s12, $0xb8;
	[tilespmem:$0x16C00] =	vst v63  }
0xad: {  	s25 =	sld [smem:$0x7F7]  }
0xae: {  	[tilespmem:s26], [sflag:$0x1] =	stream.indirect.gather [hbm4b:s4+s12], $0x40, s15, s12, $0xb8;
	[tilespmem:$0x16C00] =	vst v63  }
0xaf: {  	s26 =	sld [smem:$0x7F8]  }
0xb0: {  	[tilespmem:s24], [sflag:$0x1] =	stream.indirect.gather [hbm4b:s7+s12], $0x18, s0, s12, $0xb8;
	[tilespmem:$0x16C00] =	vst v63  }
0xb1: {  	s24 =	sld [smem:$0x7F9]  }
0xb2: {  	[tilespmem:s26], [sflag:$0x1] =	stream.indirect.gather [hbm4b:s8+s12], $0x18, s25, s12, $0xb8;
	[tilespmem:$0x16C00] =	vst v63  }
0xb3: {  	s26 =	sld [smem:$0x7FA]  }
0xb4: {  	[tilespmem:s24], [sflag:$0x1] =	stream.indirect.gather [hbm4b:s5+s12], $0x1, s14, s12, $0xb8;
	[tilespmem:$0x16C00] =	vst v63  }
0xb5: {  	s25 =	sld [smem:$0x7FB]  }
0xb6: {  	[tilespmem:s26], [sflag:$0x1] =	stream.indirect.gather [hbm4b:s6+s12], $0x1, s15, s12, $0xb8;
	[tilespmem:$0x16C00] =	vst v63  }
0xb7: {  	s26 =	sld [smem:$0x7FC]  }
0xb8: {  	[tilespmem:s25], [sflag:$0x1] =	stream.indirect.gather [hbm4b:s3+s12], $0x40, s16, s12, $0xb8;
	[tilespmem:$0x16C00] =	vst v63  }
0xb9: {  	s25 =	sld [smem:$0x7FD]  }
0xba: {  	[tilespmem:s26], [sflag:$0x1] =	stream.indirect.gather [hbm4b:s4+s12], $0x40, s17, s12, $0xb8;
	[tilespmem:$0x16C00] =	vst v63  }
0xbb: {  	s26 =	simm.s32 $0x12C00  }
0xbc: {  	[tilespmem:s26], [sflag:$0x1] =	stream.indirect.gather [hbm4b:s7+s12], $0x18, s25, s12, $0xb8;
	[tilespmem:$0x16C00] =	vst v63  }
0xbd: {  	s25 =	simm.s32 $0x780;
	s26 =	simm.s32 $0x15C00  }
0xbe: {  	[tilespmem:s26], [sflag:$0x1] =	stream.indirect.gather [hbm4b:s8+s12], $0x18, s25, s12, $0xb8;
	[tilespmem:$0x16C00] =	vst v63  }
0xbf: {  	_ = 	snop  }
0xc0: {  	[tilespmem:s28], [sflag:$0x1] =	stream.indirect.gather [hbm4b:s5+s12], $0x1, s16, s12, $0xb8;
	[tilespmem:$0x16C00] =	vst v63  }
0xc1: {  	_ = 	snop  }
0xc2: {  	[tilespmem:s29], [sflag:$0x1] =	stream.indirect.gather [hbm4b:s6+s12], $0x1, s17, s12, $0xb8;
	[tilespmem:$0x16C00] =	vst v63  }
0xc3: {  	_ =	swait.ge [sflag:s30], $0x2000  }
0xc4: {  	[sflag:s30] =	ssyncset.done $0x0  }
0xc5: {  	[sflag:s30] =	ssyncadd.s32 $0xFFFFE000  }
0xc6: {  	_ =	swait.ge [sflag:s30], $0x2000  }
0xc7: {  	[sflag:s30] =	ssyncset.done $0x0  }
0xc8: {  	[sflag:s30] =	ssyncadd.s32 $0xFFFFE000  }
0xc9: {  	_ =	swait.ge [sflag:s30], $0xC00  }
0xca: {  	[sflag:s30] =	ssyncset.done $0x0  }
0xcb: {  	[sflag:s30] =	ssyncadd.s32 $0xFFFFF400  }
0xcc: {  	_ =	swait.ge [sflag:s30], $0xC00  }
0xcd: {  	[sflag:s30] =	ssyncset.done $0x0  }
0xce: {  	[sflag:s30] =	ssyncadd.s32 $0xFFFFF400  }
0xcf: {  	_ =	swait.ge [sflag:s30], $0x80  }
0xd0: {  	[sflag:s30] =	ssyncset.done $0x0  }
0xd1: {  	[sflag:s30] =	ssyncadd.s32 $0xFFFFFF80  }
0xd2: {  	_ =	swait.ge [sflag:s30], $0x80  }
0xd3: {  	[sflag:s30] =	ssyncset.done $0x0  }
0xd4: {  	[sflag:s30] =	ssyncadd.s32 $0xFFFFFF80  }
0xd5: {  	_ =	swait.ge [sflag:s30], $0x2000  }
0xd6: {  	[sflag:s30] =	ssyncset.done $0x0  }
0xd7: {  	[sflag:s30] =	ssyncadd.s32 $0xFFFFE000  }
0xd8: {  	_ =	swait.ge [sflag:s30], $0x2000  }
0xd9: {  	[sflag:s30] =	ssyncset.done $0x0  }
0xda: {  	[sflag:s30] =	ssyncadd.s32 $0xFFFFE000  }
0xdb: {  	_ =	swait.ge [sflag:s30], $0xC00  }
0xdc: {  	[sflag:s30] =	ssyncset.done $0x0  }
0xdd: {  	[sflag:s30] =	ssyncadd.s32 $0xFFFFF400  }
0xde: {  	_ =	swait.ge [sflag:s30], $0xC00  }
0xdf: {  	[sflag:s30] =	ssyncset.done $0x0  }
0xe0: {  	[sflag:s30] =	ssyncadd.s32 $0xFFFFF400  }
0xe1: {  	_ =	swait.ge [sflag:s30], $0x80  }
0xe2: {  	[sflag:s30] =	ssyncset.done $0x0  }
0xe3: {  	[sflag:s30] =	ssyncadd.s32 $0xFFFFFF80  }
0xe4: {  	_ =	swait.ge [sflag:s30], $0x80  }
0xe5: {  	[sflag:s30] =	ssyncset.done $0x0  }
0xe6: {  	[sflag:s30] =	ssyncadd.s32 $0xFFFFFF80  }
0xe7: {  	_ =	swait.ge [sflag:s30], $0x2000  }
0xe8: {  	[sflag:s30] =	ssyncset.done $0x0  }
0xe9: {  	[sflag:s30] =	ssyncadd.s32 $0xFFFFE000  }
0xea: {  	_ =	swait.ge [sflag:s30], $0x2000  }
0xeb: {  	[sflag:s30] =	ssyncset.done $0x0  }
0xec: {  	[sflag:s30] =	ssyncadd.s32 $0xFFFFE000  }
0xed: {  	_ =	swait.ge [sflag:s30], $0xC00  }
0xee: {  	[sflag:s30] =	ssyncset.done $0x0  }
0xef: {  	[sflag:s30] =	ssyncadd.s32 $0xFFFFF400  }
0xf0: {  	_ =	swait.ge [sflag:s30], $0xC00  }
0xf1: {  	[sflag:s30] =	ssyncset.done $0x0  }
0xf2: {  	[sflag:s30] =	ssyncadd.s32 $0xFFFFF400  }
0xf3: {  	_ =	swait.ge [sflag:s30], $0x80  }
0xf4: {  	[sflag:s30] =	ssyncset.done $0x0  }
0xf5: {  	[sflag:s30] =	ssyncadd.s32 $0xFFFFFF80  }
0xf6: {  	_ =	swait.ge [sflag:s30], $0x80  }
0xf7: {  	[sflag:s30] =	ssyncset.done $0x0  }
0xf8: {  	[sflag:s30] =	ssyncadd.s32 $0xFFFFFF80  }
0xf9: {  	_ =	swait.ge [sflag:s30], $0x2000  }
0xfa: {  	[sflag:s30] =	ssyncset.done $0x0  }
0xfb: {  	[sflag:s30] =	ssyncadd.s32 $0xFFFFE000  }
0xfc: {  	_ =	swait.ge [sflag:s30], $0x2000  }
0xfd: {  	[sflag:s30] =	ssyncset.done $0x0  }
0xfe: {  	[sflag:s30] =	ssyncadd.s32 $0xFFFFE000  }
0xff: {  	_ =	swait.ge [sflag:s30], $0xC00  }
0x100: {  	[sflag:s30] =	ssyncset.done $0x0  }
0x101: {  	[sflag:s30] =	ssyncadd.s32 $0xFFFFF400  }
0x102: {  	_ =	swait.ge [sflag:s30], $0xC00  }
0x103: {  	[sflag:s30] =	ssyncset.done $0x0  }
0x104: {  	[sflag:s30] =	ssyncadd.s32 $0xFFFFF400  }
0x105: {  	_ =	swait.ge [sflag:s30], $0x80  }
0x106: {  	[sflag:s30] =	ssyncset.done $0x0  }
0x107: {  	[sflag:s30] =	ssyncadd.s32 $0xFFFFFF80  }
0x108: {  	_ =	swait.ge [sflag:s30], $0x80  }
0x109: {  	[sflag:s30] =	ssyncset.done $0x0  }
0x10a: {  	s24 =	rddreg [dreg:$0xd];
	[sflag:s30] =	ssyncadd.s32 $0xFFFFFF80  }
0x10b: {  	[hbm4b:s24+s31] =	stream.strided.scatter [tilespmem:s18], [sflag:$0x2], $0x8000, s14, s31, $0x38;
	[tilespmem:$0x16C00] =	vst v63  }
0x10c: {  	_ =	swait.ge [sflag:s10], $0x8000  }
0x10d: {  	[sflag:s10] =	ssyncset.done $0x0  }
0x10e: {  	s25 =	rddreg [dreg:$0xe];
	[sflag:s10] =	ssyncadd.s32 $0xFFFF8000  }
0x10f: {  	[hbm4b:s25+s31] =	stream.strided.scatter [tilespmem:s19], [sflag:$0x2], $0x8000, s14, s31, $0x38;
	[tilespmem:$0x16C00] =	vst v63  }
0x110: {  	_ =	swait.ge [sflag:s10], $0x8000  }
0x111: {  	[sflag:s10] =	ssyncset.done $0x0  }
0x112: {  	s26 =	rddreg [dreg:$0xf];
	[sflag:s10] =	ssyncadd.s32 $0xFFFF8000  }
0x113: {  	[hbm4b:s26+s1] =	stream.strided.scatter [tilespmem:s20], [sflag:$0x2], $0x3000, s14, s1, $0x38;
	[tilespmem:$0x16C00] =	vst v63  }
0x114: {  	_ =	swait.ge [sflag:s10], $0x3000  }
0x115: {  	[sflag:s10] =	ssyncset.done $0x0  }
0x116: {  	s24 =	rddreg [dreg:$0x10];
	[sflag:s10] =	ssyncadd.s32 $0xFFFFD000  }
0x117: {  	[hbm4b:s24+s1] =	stream.strided.scatter [tilespmem:s21], [sflag:$0x2], $0x3000, s14, s1, $0x38;
	[tilespmem:$0x16C00] =	vst v63  }
0x118: {  	_ =	swait.ge [sflag:s10], $0x3000  }
0x119: {  	[sflag:s10] =	ssyncset.done $0x0  }
0x11a: {  	s25 =	rddreg [dreg:$0x11];
	[sflag:s10] =	ssyncadd.s32 $0xFFFFD000  }
0x11b: {  	[hbm4b:s25+s2] =	stream.linear.scatter [tilespmem:s22], [sflag:$0x2], $0x200, $0x38;
	[tilespmem:$0x16C00] =	vst v63  }
0x11c: {  	_ =	swait.ge [sflag:s10], $0x200  }
0x11d: {  	p0 =	sne.s32 s9, $0x1;
	[sflag:s10] =	ssyncset.done $0x0  }
.Ltmp0:
0x11e: {  	s26 =	rddreg [dreg:$0x12];
	[sflag:s10] =	ssyncadd.s32 $0xFFFFFE00;
	(pc) =	sbr.rel @p0 .LBB2_1-.Ltmp0, $4  }
0x11f: {  	[hbm4b:s26+s2] =	stream.linear.scatter [tilespmem:s23], [sflag:$0x2], $0x200, $0x38;
	[tilespmem:$0x16C00] =	vst v63  }
0x120: {  	_ =	swait.ge [sflag:s10], $0x200  }
0x121: {  	[sflag:s10] =	ssyncset.done $0x0  }
0x122: {  	s9 =	sadd.s32 $0xFFFFFFFF, s9;
	[sflag:s10] =	ssyncadd.s32 $0xFFFFFE00  }
0x123: {  	_ =	sfence.sel $0x180000  }
0x124: {  	[bflag:$0x0] =	sbarrier.arrive $0xFFFF  }
0x125: {  	_ =	strace $0x90000047  }
0x126: {  	s0 =	stileid.u32;
	[bflag:$0x2] =	sbarrier.arrive $0xFFFF  }
0x127: {  	p0 =	sne.s32 s0, $0x0;
	s0 =	rddreg [dreg:$0x4]  }
0x128: {  	s0 =	sadd.s32 @!p0 $0x100000, s0  }
0x129: {  	[sflag:s0] =	ssyncadd.tile.s32 @!p0 $0x1;
	_ =	shalt  }
.Lfunc_end2:
_tile_overlayer_lowered:
.L_overlay_start_2:
0x12a: {  	(tag) =	ssettag $0x2  }
0x12b: {  	s0 =	rddreg [dreg:$0x0];
	s2 =	stileid.u32  }
0x12c: {  	s1 =	rddreg [dreg:$0x1];
	p0 =	sne.s32 s2, $0x0  }
0x12d: {  	s3 =	rddreg [dreg:$0x2];
	[bflag:$0x3] =	sbarrier.arrive $0xFFFF;
	s2 =	simm.s32 @!p0 $0x1C02  }
0x12e: {  	[timem:s3], [sflag:s2] =	dma.local @!p0 [hbm:s0], s1  }
0x12f: {  	s0 =	simm.s32 @!p0 $0x2  }
0x130: {  	_ =	swait.ge @!p0 [sflag:s0], s1  }
0x131: {  	s1 =	ssub.s32 @!p0 $0x0, s1;
	[sflag:s0] =	ssyncset.done @!p0 $0x0  }
0x132: {  	[sflag:s0] =	ssyncadd.s32 @!p0 s1  }
0x133: {  	[bflag:$0x3] =	sbarrier.arrive $0xFFFF  }
0x134: {  	_ =	shalt  }

</sc_bundles>
